<compile_context>
chip_gen: v7x
topology: tpu7x:2x2x1
jax: 0.10.2.dev20260603
libtpu: 0.0.44.dev20260713+nightly
codegen_flags: <defaults>
</compile_context>

<pallas_src>
import functools

import jax
import jax.numpy as jnp
from jax import lax
from jax.experimental import pallas as pl
from jax.experimental.pallas import tpu as pltpu
from jax.experimental.pallas import tpu_sc as plsc

NC, NS = 2, 16
NW = NC * NS
L = 16
ROWS_T, COLS_T = 200, 16384
C_SC = 4096
COLS_W = C_SC // NW
CCHUNK = 128
NCHUNK = COLS_W // CCHUNK
RSPLIT = (48, 48, 48, 56)
RQUAD = 2
VPR = CCHUNK // L
NACC = 4
TBLK = 4096


@functools.cache
def _build_sc_partial_sums():
    mesh = plsc.VectorSubcoreMesh(
        core_axis_name="c", subcore_axis_name="s", num_cores=NC, num_subcores=NS
    )
    return functools.partial(
        pl.kernel,
        out_type=jax.ShapeDtypeStruct((NW, 2 * L), jnp.float32),
        mesh=mesh,
        scratch_types=[
            pltpu.VMEM((ROWS_T, CCHUNK), jnp.float32),
            pltpu.VMEM((ROWS_T, CCHUNK), jnp.float32),
            pltpu.VMEM((L,), jnp.float32),
            pltpu.VMEM((2 * L,), jnp.float32),
            pltpu.SemaphoreType.DMA,
            pltpu.SemaphoreType.DMA,
            pltpu.SemaphoreType.DMA,
            pltpu.SemaphoreType.DMA,
        ],
    )(_sc_partial_sums)


def _sc_partial_sums(
    p_hbm, t_hbm, v_hbm, out_hbm, p0, t0, v_v, part_v, s0, s1, s2, s3
):
    wid = lax.axis_index("s") * NC + lax.axis_index("c")
    col0 = wid * COLS_W
    cols = pl.ds(col0, CCHUNK)
    half = []
    r0 = 0
    sems = (s0, s1, s2, s3)
    for h, nrows in enumerate(RSPLIT):
        rows = pl.ds(r0, nrows)
        cp = pltpu.make_async_copy(p_hbm.at[rows, cols], p0.at[rows], sems[h])
        ct = pltpu.make_async_copy(t_hbm.at[rows, cols], t0.at[rows], sems[h])
        cp.start()
        ct.start()
        half.append((r0, nrows, cp, ct))
        r0 += nrows
    pltpu.sync_copy(v_hbm, v_v)
    v = v_v[...]

    nums = [jnp.zeros((L,), jnp.float32) for _ in range(NACC)]
    cnts = [jnp.zeros((L,), jnp.int32) for _ in range(NACC)]
    for r0, nrows, cp, ct in half:
        cp.wait()
        ct.wait()

        def quad(i, carry, r0=r0):
            accs = list(carry)
            for rr in range(RQUAD):
                r = r0 + i * RQUAD + rr
                for j in range(VPR):
                    t = t0[r, pl.ds(j * L, L)]
                    p = p0[r, pl.ds(j * L, L)]
                    m = t > v
                    safe = jnp.where(m, t, jnp.inf)
                    k = j % NACC
                    accs[k] = accs[k] + jnp.abs((t - p) / safe)
                    accs[NACC + k] = accs[NACC + k] + jnp.where(m, 1, 0)
            return tuple(accs)

        out_accs = lax.fori_loop(
            0, nrows // RQUAD, quad, tuple(nums) + tuple(cnts)
        )
        nums = list(out_accs[:NACC])
        cnts = list(out_accs[NACC:])
    num = (nums[0] + nums[1]) + (nums[2] + nums[3])
    cnt = (cnts[0] + cnts[1]) + (cnts[2] + cnts[3])
    part_v[pl.ds(0, L)] = num
    part_v[pl.ds(L, L)] = cnt.astype(jnp.float32)
    pltpu.sync_copy(part_v, out_hbm.at[wid])


def _tc_partial_body(v_ref, p_ref, t_ref, o_ref):
    i = pl.program_id(0)
    v = v_ref[0]
    t = t_ref[...]
    p = p_ref[...]
    m = t > v
    safe = jnp.where(m, t, jnp.inf)
    num = jnp.sum(jnp.abs((t - p) / safe))
    cnt = jnp.sum(m.astype(jnp.float32))

    @pl.when(i == 0)
    def _():
        o_ref[0] = 0.0
        o_ref[1] = 0.0

    o_ref[0] += num
    o_ref[1] += cnt


def _combine_body(sc_ref, tc_ref, o_ref):
    x = sc_ref[...]
    num = jnp.sum(x[:, :L]) + tc_ref[0]
    cnt = jnp.sum(x[:, L:]) + tc_ref[1]
    o_ref[0, 0] = num / cnt


def kernel(preds, targets, value):
    v_f32 = jnp.asarray(value, jnp.float32)
    v_vec = jnp.full((L,), v_f32)
    pT = preds.T
    tT = targets.T
    tc_parts = pl.pallas_call(
        _tc_partial_body,
        grid=((COLS_T - C_SC) // TBLK,),
        in_specs=[
            pl.BlockSpec(memory_space=pltpu.SMEM),
            pl.BlockSpec((ROWS_T, TBLK), lambda i: (0, C_SC // TBLK + i)),
            pl.BlockSpec((ROWS_T, TBLK), lambda i: (0, C_SC // TBLK + i)),
        ],
        out_specs=pl.BlockSpec(memory_space=pltpu.SMEM),
        out_shape=jax.ShapeDtypeStruct((2,), jnp.float32),
    )(jnp.reshape(v_f32, (1,)), pT, tT)
    sc_parts = _build_sc_partial_sums()(pT, tT, v_vec)
    out = pl.pallas_call(
        _combine_body,
        in_specs=[
            pl.BlockSpec(memory_space=pltpu.VMEM),
            pl.BlockSpec(memory_space=pltpu.SMEM),
        ],
        out_specs=pl.BlockSpec(memory_space=pltpu.SMEM),
        out_shape=jax.ShapeDtypeStruct((1, 1), jnp.float32),
    )(sc_parts, tc_parts)
    return out[0, 0]

# --- scband reference (transcript-rebuilt; emitter-appended) ---
"""Pipeline reference for scband-mape2-88716844466808 (READ-ONLY COPY).

The authoritative reference and input builder live on the scoring server;
editing this copy changes nothing except your own understanding.
"""

import jax, jax.numpy as jnp
import numpy as np


def setup_inputs(seed: int = 0) -> dict:
    key = jax.random.key(seed)
    k1, k2 = jax.random.split(key)
    preds = jax.random.uniform(k1, (16384, 200), dtype=jnp.float32)
    targets = jax.random.uniform(k2, (16384, 200), dtype=jnp.float32)
    return {"preds": preds, "targets": targets, "value": 0}


def reference(preds, targets, value):
    # mask = targets > value; mean of abs((targets - preds) / targets) over masked elems
    mask = targets > value
    safe_t = jnp.where(mask, targets, jnp.ones_like(targets))
    err = jnp.abs((targets - preds) / safe_t)
    num = jnp.sum(jnp.where(mask, err, jnp.zeros_like(err)))
    cnt = jnp.sum(mask).astype(jnp.float32)
    return num / cnt

if __name__ == "__main__":
    import jax
    _d = setup_inputs()
    print(jax.jit(kernel)(*tuple(_d.values())))

</pallas_src>

<mosaic_0001>
#map = affine_map<(d0, d1) -> (0, 0)>
#map1 = affine_map<(d0, d1) -> (0)>
module attributes {stable_mosaic.version = 14 : i64} {
  func.func @_sc_partial_sums(%arg0: i32, %arg1: i32, %arg2: memref<200x16384xf32, #tpu.memory_space<hbm>>, %arg3: memref<200x16384xf32, #tpu.memory_space<hbm>>, %arg4: memref<16xf32, #tpu.memory_space<hbm>>, %arg5: memref<32x32xf32, #tpu.memory_space<hbm>>, %arg6: memref<200x128xf32, #tpu.memory_space<vmem>>, %arg7: memref<200x128xf32, #tpu.memory_space<vmem>>, %arg8: memref<16xf32, #tpu.memory_space<vmem>>, %arg9: memref<32xf32, #tpu.memory_space<vmem>>, %arg10: memref<!tpu.dma_semaphore, #tpu.memory_space<semaphore_mem>>, %arg11: memref<!tpu.dma_semaphore, #tpu.memory_space<semaphore_mem>>, %arg12: memref<!tpu.dma_semaphore, #tpu.memory_space<semaphore_mem>>, %arg13: memref<!tpu.dma_semaphore, #tpu.memory_space<semaphore_mem>>) attributes {dimension_semantics = [#tpu.dimension_semantics<core_parallel>, #tpu.dimension_semantics<subcore_parallel>], iteration_bounds = array<i64: 2, 16>, scalar_prefetch = 0 : i64, scratch_operands = 8 : i64, tpu.core_type = #tpu.core_type<sc_vector_subcore>, window_params = [{transform_indices = #map}, {transform_indices = #map}, {transform_indices = #map1}, {transform_indices = #map}]} {
    %mul3A = arith.constant 2 : i32
    %mul3A_0 = arith.muli %arg1, %mul3A : i32
    %add3A = arith.addi %mul3A_0, %arg0 : i32
    %mul3A_1 = arith.constant 128 : i32
    %mul3A_2 = arith.muli %add3A, %mul3A_1 : i32
    %dma_start3A = arith.constant 0 : i32
    %dma_start3A_3 = arith.constant 0 : i32
    %dma_start3A_4 = tpu.memref_slice %arg6[%dma_start3A, %dma_start3A_3] : memref<200x128xf32, #tpu.memory_space<vmem>> -> memref<48x128xf32, #tpu.memory_space<vmem>>
    %dma_start3A_5 = arith.constant 0 : i32
    %dma_start3A_6 = tpu.memref_slice %arg2[%dma_start3A_5, %mul3A_2] : memref<200x16384xf32, #tpu.memory_space<hbm>> -> memref<48x128xf32, #tpu.memory_space<hbm>>
    %dma_start3A_7 = arith.constant 0 : i32
    %dma_start3A_8 = arith.constant 0 : i32
    %dma_start3A_9 = tpu.memref_slice %arg6[%dma_start3A_7, %dma_start3A_8] : memref<200x128xf32, #tpu.memory_space<vmem>> -> memref<48x128xf32, #tpu.memory_space<vmem>>
    %dma_start3A_10 = arith.constant 0 : i32
    %dma_start3A_11 = tpu.memref_slice %arg2[%dma_start3A_10, %mul3A_2] : memref<200x16384xf32, #tpu.memory_space<hbm>> -> memref<48x128xf32, #tpu.memory_space<hbm>>
    tpu.enqueue_dma source(%dma_start3A_11 : memref<48x128xf32, #tpu.memory_space<hbm>>) target(%dma_start3A_9 : memref<48x128xf32, #tpu.memory_space<vmem>>) target_semaphore(%arg10 : memref<!tpu.dma_semaphore, #tpu.memory_space<semaphore_mem>>)
    %dma_start3A_12 = arith.constant 0 : i32
    %dma_start3A_13 = arith.constant 0 : i32
    %dma_start3A_14 = tpu.memref_slice %arg7[%dma_start3A_12, %dma_start3A_13] : memref<200x128xf32, #tpu.memory_space<vmem>> -> memref<48x128xf32, #tpu.memory_space<vmem>>
    %dma_start3A_15 = arith.constant 0 : i32
    %dma_start3A_16 = tpu.memref_slice %arg3[%dma_start3A_15, %mul3A_2] : memref<200x16384xf32, #tpu.memory_space<hbm>> -> memref<48x128xf32, #tpu.memory_space<hbm>>
    %dma_start3A_17 = arith.constant 0 : i32
    %dma_start3A_18 = arith.constant 0 : i32
    %dma_start3A_19 = tpu.memref_slice %arg7[%dma_start3A_17, %dma_start3A_18] : memref<200x128xf32, #tpu.memory_space<vmem>> -> memref<48x128xf32, #tpu.memory_space<vmem>>
    %dma_start3A_20 = arith.constant 0 : i32
    %dma_start3A_21 = tpu.memref_slice %arg3[%dma_start3A_20, %mul3A_2] : memref<200x16384xf32, #tpu.memory_space<hbm>> -> memref<48x128xf32, #tpu.memory_space<hbm>>
    tpu.enqueue_dma source(%dma_start3A_21 : memref<48x128xf32, #tpu.memory_space<hbm>>) target(%dma_start3A_19 : memref<48x128xf32, #tpu.memory_space<vmem>>) target_semaphore(%arg10 : memref<!tpu.dma_semaphore, #tpu.memory_space<semaphore_mem>>)
    %dma_start3A_22 = arith.constant 48 : i32
    %dma_start3A_23 = arith.constant 0 : i32
    %dma_start3A_24 = tpu.memref_slice %arg6[%dma_start3A_22, %dma_start3A_23] : memref<200x128xf32, #tpu.memory_space<vmem>> -> memref<48x128xf32, #tpu.memory_space<vmem>>
    %dma_start3A_25 = arith.constant 48 : i32
    %dma_start3A_26 = tpu.memref_slice %arg2[%dma_start3A_25, %mul3A_2] : memref<200x16384xf32, #tpu.memory_space<hbm>> -> memref<48x128xf32, #tpu.memory_space<hbm>>
    %dma_start3A_27 = arith.constant 48 : i32
    %dma_start3A_28 = arith.constant 0 : i32
    %dma_start3A_29 = tpu.memref_slice %arg6[%dma_start3A_27, %dma_start3A_28] : memref<200x128xf32, #tpu.memory_space<vmem>> -> memref<48x128xf32, #tpu.memory_space<vmem>>
    %dma_start3A_30 = arith.constant 48 : i32
    %dma_start3A_31 = tpu.memref_slice %arg2[%dma_start3A_30, %mul3A_2] : memref<200x16384xf32, #tpu.memory_space<hbm>> -> memref<48x128xf32, #tpu.memory_space<hbm>>
    tpu.enqueue_dma source(%dma_start3A_31 : memref<48x128xf32, #tpu.memory_space<hbm>>) target(%dma_start3A_29 : memref<48x128xf32, #tpu.memory_space<vmem>>) target_semaphore(%arg11 : memref<!tpu.dma_semaphore, #tpu.memory_space<semaphore_mem>>)
    %dma_start3A_32 = arith.constant 48 : i32
    %dma_start3A_33 = arith.constant 0 : i32
    %dma_start3A_34 = tpu.memref_slice %arg7[%dma_start3A_32, %dma_start3A_33] : memref<200x128xf32, #tpu.memory_space<vmem>> -> memref<48x128xf32, #tpu.memory_space<vmem>>
    %dma_start3A_35 = arith.constant 48 : i32
    %dma_start3A_36 = tpu.memref_slice %arg3[%dma_start3A_35, %mul3A_2] : memref<200x16384xf32, #tpu.memory_space<hbm>> -> memref<48x128xf32, #tpu.memory_space<hbm>>
    %dma_start3A_37 = arith.constant 48 : i32
    %dma_start3A_38 = arith.constant 0 : i32
    %dma_start3A_39 = tpu.memref_slice %arg7[%dma_start3A_37, %dma_start3A_38] : memref<200x128xf32, #tpu.memory_space<vmem>> -> memref<48x128xf32, #tpu.memory_space<vmem>>
    %dma_start3A_40 = arith.constant 48 : i32
    %dma_start3A_41 = tpu.memref_slice %arg3[%dma_start3A_40, %mul3A_2] : memref<200x16384xf32, #tpu.memory_space<hbm>> -> memref<48x128xf32, #tpu.memory_space<hbm>>
    tpu.enqueue_dma source(%dma_start3A_41 : memref<48x128xf32, #tpu.memory_space<hbm>>) target(%dma_start3A_39 : memref<48x128xf32, #tpu.memory_space<vmem>>) target_semaphore(%arg11 : memref<!tpu.dma_semaphore, #tpu.memory_space<semaphore_mem>>)
    %dma_start3A_42 = arith.constant 96 : i32
    %dma_start3A_43 = arith.constant 0 : i32
    %dma_start3A_44 = tpu.memref_slice %arg6[%dma_start3A_42, %dma_start3A_43] : memref<200x128xf32, #tpu.memory_space<vmem>> -> memref<48x128xf32, #tpu.memory_space<vmem>>
    %dma_start3A_45 = arith.constant 96 : i32
    %dma_start3A_46 = tpu.memref_slice %arg2[%dma_start3A_45, %mul3A_2] : memref<200x16384xf32, #tpu.memory_space<hbm>> -> memref<48x128xf32, #tpu.memory_space<hbm>>
    %dma_start3A_47 = arith.constant 96 : i32
    %dma_start3A_48 = arith.constant 0 : i32
    %dma_start3A_49 = tpu.memref_slice %arg6[%dma_start3A_47, %dma_start3A_48] : memref<200x128xf32, #tpu.memory_space<vmem>> -> memref<48x128xf32, #tpu.memory_space<vmem>>
    %dma_start3A_50 = arith.constant 96 : i32
    %dma_start3A_51 = tpu.memref_slice %arg2[%dma_start3A_50, %mul3A_2] : memref<200x16384xf32, #tpu.memory_space<hbm>> -> memref<48x128xf32, #tpu.memory_space<hbm>>
    tpu.enqueue_dma source(%dma_start3A_51 : memref<48x128xf32, #tpu.memory_space<hbm>>) target(%dma_start3A_49 : memref<48x128xf32, #tpu.memory_space<vmem>>) target_semaphore(%arg12 : memref<!tpu.dma_semaphore, #tpu.memory_space<semaphore_mem>>)
    %dma_start3A_52 = arith.constant 96 : i32
    %dma_start3A_53 = arith.constant 0 : i32
    %dma_start3A_54 = tpu.memref_slice %arg7[%dma_start3A_52, %dma_start3A_53] : memref<200x128xf32, #tpu.memory_space<vmem>> -> memref<48x128xf32, #tpu.memory_space<vmem>>
    %dma_start3A_55 = arith.constant 96 : i32
    %dma_start3A_56 = tpu.memref_slice %arg3[%dma_start3A_55, %mul3A_2] : memref<200x16384xf32, #tpu.memory_space<hbm>> -> memref<48x128xf32, #tpu.memory_space<hbm>>
    %dma_start3A_57 = arith.constant 96 : i32
    %dma_start3A_58 = arith.constant 0 : i32
    %dma_start3A_59 = tpu.memref_slice %arg7[%dma_start3A_57, %dma_start3A_58] : memref<200x128xf32, #tpu.memory_space<vmem>> -> memref<48x128xf32, #tpu.memory_space<vmem>>
    %dma_start3A_60 = arith.constant 96 : i32
    %dma_start3A_61 = tpu.memref_slice %arg3[%dma_start3A_60, %mul3A_2] : memref<200x16384xf32, #tpu.memory_space<hbm>> -> memref<48x128xf32, #tpu.memory_space<hbm>>
    tpu.enqueue_dma source(%dma_start3A_61 : memref<48x128xf32, #tpu.memory_space<hbm>>) target(%dma_start3A_59 : memref<48x128xf32, #tpu.memory_space<vmem>>) target_semaphore(%arg12 : memref<!tpu.dma_semaphore, #tpu.memory_space<semaphore_mem>>)
    %dma_start3A_62 = arith.constant 144 : i32
    %dma_start3A_63 = arith.constant 0 : i32
    %dma_start3A_64 = tpu.memref_slice %arg6[%dma_start3A_62, %dma_start3A_63] : memref<200x128xf32, #tpu.memory_space<vmem>> -> memref<56x128xf32, #tpu.memory_space<vmem>>
    %dma_start3A_65 = arith.constant 144 : i32
    %dma_start3A_66 = tpu.memref_slice %arg2[%dma_start3A_65, %mul3A_2] : memref<200x16384xf32, #tpu.memory_space<hbm>> -> memref<56x128xf32, #tpu.memory_space<hbm>>
    %dma_start3A_67 = arith.constant 144 : i32
    %dma_start3A_68 = arith.constant 0 : i32
    %dma_start3A_69 = tpu.memref_slice %arg6[%dma_start3A_67, %dma_start3A_68] : memref<200x128xf32, #tpu.memory_space<vmem>> -> memref<56x128xf32, #tpu.memory_space<vmem>>
    %dma_start3A_70 = arith.constant 144 : i32
    %dma_start3A_71 = tpu.memref_slice %arg2[%dma_start3A_70, %mul3A_2] : memref<200x16384xf32, #tpu.memory_space<hbm>> -> memref<56x128xf32, #tpu.memory_space<hbm>>
    tpu.enqueue_dma source(%dma_start3A_71 : memref<56x128xf32, #tpu.memory_space<hbm>>) target(%dma_start3A_69 : memref<56x128xf32, #tpu.memory_space<vmem>>) target_semaphore(%arg13 : memref<!tpu.dma_semaphore, #tpu.memory_space<semaphore_mem>>)
    %dma_start3A_72 = arith.constant 144 : i32
    %dma_start3A_73 = arith.constant 0 : i32
    %dma_start3A_74 = tpu.memref_slice %arg7[%dma_start3A_72, %dma_start3A_73] : memref<200x128xf32, #tpu.memory_space<vmem>> -> memref<56x128xf32, #tpu.memory_space<vmem>>
    %dma_start3A_75 = arith.constant 144 : i32
    %dma_start3A_76 = tpu.memref_slice %arg3[%dma_start3A_75, %mul3A_2] : memref<200x16384xf32, #tpu.memory_space<hbm>> -> memref<56x128xf32, #tpu.memory_space<hbm>>
    %dma_start3A_77 = arith.constant 144 : i32
    %dma_start3A_78 = arith.constant 0 : i32
    %dma_start3A_79 = tpu.memref_slice %arg7[%dma_start3A_77, %dma_start3A_78] : memref<200x128xf32, #tpu.memory_space<vmem>> -> memref<56x128xf32, #tpu.memory_space<vmem>>
    %dma_start3A_80 = arith.constant 144 : i32
    %dma_start3A_81 = tpu.memref_slice %arg3[%dma_start3A_80, %mul3A_2] : memref<200x16384xf32, #tpu.memory_space<hbm>> -> memref<56x128xf32, #tpu.memory_space<hbm>>
    tpu.enqueue_dma source(%dma_start3A_81 : memref<56x128xf32, #tpu.memory_space<hbm>>) target(%dma_start3A_79 : memref<56x128xf32, #tpu.memory_space<vmem>>) target_semaphore(%arg13 : memref<!tpu.dma_semaphore, #tpu.memory_space<semaphore_mem>>)
    "tpu.region"() ({
      %run_scoped3A = tpu.sem_alloc : memref<!tpu.dma_semaphore, #tpu.memory_space<semaphore_mem>>
      tpu.enqueue_dma source(%arg4 : memref<16xf32, #tpu.memory_space<hbm>>) target(%arg8 : memref<16xf32, #tpu.memory_space<vmem>>) target_semaphore(%run_scoped3A : memref<!tpu.dma_semaphore, #tpu.memory_space<semaphore_mem>>)
      tpu.wait_dma2 semaphore(%run_scoped3A : memref<!tpu.dma_semaphore, #tpu.memory_space<semaphore_mem>>) src(%arg4 : memref<16xf32, #tpu.memory_space<hbm>>) dst(%arg8 : memref<16xf32, #tpu.memory_space<vmem>>)
      tpu.yield
    }) : () -> ()
    %get3A = arith.constant 0 : index
    %get3A_82 = tpu.vector_load %arg8[%get3A] {strides = array<i32>} : memref<16xf32, #tpu.memory_space<vmem>>, vector<16xf32>,
    %get3A_83 = vector.shape_cast %get3A_82 : vector<16xf32> to vector<16xf32>
    %broadcast_in_dim3A = arith.constant 0.000000e+00 : f32
    %broadcast_in_dim3A_84 = vector.broadcast %broadcast_in_dim3A : f32 to vector<16xf32>
    %broadcast_in_dim3A_85 = arith.constant 0.000000e+00 : f32
    %broadcast_in_dim3A_86 = vector.broadcast %broadcast_in_dim3A_85 : f32 to vector<16xf32>
    %broadcast_in_dim3A_87 = arith.constant 0.000000e+00 : f32
    %broadcast_in_dim3A_88 = vector.broadcast %broadcast_in_dim3A_87 : f32 to vector<16xf32>
    %broadcast_in_dim3A_89 = arith.constant 0.000000e+00 : f32
    %broadcast_in_dim3A_90 = vector.broadcast %broadcast_in_dim3A_89 : f32 to vector<16xf32>
    %broadcast_in_dim3A_91 = arith.constant 0 : i32
    %broadcast_in_dim3A_92 = vector.broadcast %broadcast_in_dim3A_91 : i32 to vector<16xi32>
    %broadcast_in_dim3A_93 = arith.constant 0 : i32
    %broadcast_in_dim3A_94 = vector.broadcast %broadcast_in_dim3A_93 : i32 to vector<16xi32>
    %broadcast_in_dim3A_95 = arith.constant 0 : i32
    %broadcast_in_dim3A_96 = vector.broadcast %broadcast_in_dim3A_95 : i32 to vector<16xi32>
    %broadcast_in_dim3A_97 = arith.constant 0 : i32
    %broadcast_in_dim3A_98 = vector.broadcast %broadcast_in_dim3A_97 : i32 to vector<16xi32>
    %dma_wait3A = arith.constant 0 : i32
    %dma_wait3A_99 = arith.constant 0 : i32
    %dma_wait3A_100 = tpu.memref_slice %arg6[%dma_wait3A, %dma_wait3A_99] : memref<200x128xf32, #tpu.memory_space<vmem>> -> memref<48x128xf32, #tpu.memory_space<vmem>>
    %dma_wait3A_101 = arith.constant 0 : i32
    %dma_wait3A_102 = tpu.memref_slice %arg2[%dma_wait3A_101, %mul3A_2] : memref<200x16384xf32, #tpu.memory_space<hbm>> -> memref<48x128xf32, #tpu.memory_space<hbm>>
    %dma_wait3A_103 = arith.constant 0 : i32
    %dma_wait3A_104 = arith.constant 0 : i32
    %dma_wait3A_105 = tpu.memref_slice %arg6[%dma_wait3A_103, %dma_wait3A_104] : memref<200x128xf32, #tpu.memory_space<vmem>> -> memref<48x128xf32, #tpu.memory_space<vmem>>
    %dma_wait3A_106 = arith.constant 0 : i32
    %dma_wait3A_107 = tpu.memref_slice %arg2[%dma_wait3A_106, %mul3A_2] : memref<200x16384xf32, #tpu.memory_space<hbm>> -> memref<48x128xf32, #tpu.memory_space<hbm>>
    tpu.wait_dma2 semaphore(%arg10 : memref<!tpu.dma_semaphore, #tpu.memory_space<semaphore_mem>>) src(%dma_wait3A_107 : memref<48x128xf32, #tpu.memory_space<hbm>>) dst(%dma_wait3A_105 : memref<48x128xf32, #tpu.memory_space<vmem>>)
    %dma_wait3A_108 = arith.constant 0 : i32
    %dma_wait3A_109 = arith.constant 0 : i32
    %dma_wait3A_110 = tpu.memref_slice %arg7[%dma_wait3A_108, %dma_wait3A_109] : memref<200x128xf32, #tpu.memory_space<vmem>> -> memref<48x128xf32, #tpu.memory_space<vmem>>
    %dma_wait3A_111 = arith.constant 0 : i32
    %dma_wait3A_112 = tpu.memref_slice %arg3[%dma_wait3A_111, %mul3A_2] : memref<200x16384xf32, #tpu.memory_space<hbm>> -> memref<48x128xf32, #tpu.memory_space<hbm>>
    %dma_wait3A_113 = arith.constant 0 : i32
    %dma_wait3A_114 = arith.constant 0 : i32
    %dma_wait3A_115 = tpu.memref_slice %arg7[%dma_wait3A_113, %dma_wait3A_114] : memref<200x128xf32, #tpu.memory_space<vmem>> -> memref<48x128xf32, #tpu.memory_space<vmem>>
    %dma_wait3A_116 = arith.constant 0 : i32
    %dma_wait3A_117 = tpu.memref_slice %arg3[%dma_wait3A_116, %mul3A_2] : memref<200x16384xf32, #tpu.memory_space<hbm>> -> memref<48x128xf32, #tpu.memory_space<hbm>>
    tpu.wait_dma2 semaphore(%arg10 : memref<!tpu.dma_semaphore, #tpu.memory_space<semaphore_mem>>) src(%dma_wait3A_117 : memref<48x128xf32, #tpu.memory_space<hbm>>) dst(%dma_wait3A_115 : memref<48x128xf32, #tpu.memory_space<vmem>>)
    %scan3A = arith.constant 0 : i32
    %scan3A_118 = arith.constant 24 : i32
    %scan3A_119 = arith.addi %scan3A, %scan3A_118 : i32
    %scan3A_120 = arith.constant 1 : i32
    %scan3A_121:8 = scf.for %scan3A_214 = %scan3A to %scan3A_119 step %scan3A_120 iter_args(%scan3A_215 = %broadcast_in_dim3A_84, %scan3A_216 = %broadcast_in_dim3A_86, %scan3A_217 = %broadcast_in_dim3A_88, %scan3A_218 = %broadcast_in_dim3A_90, %scan3A_219 = %broadcast_in_dim3A_92, %scan3A_220 = %broadcast_in_dim3A_94, %scan3A_221 = %broadcast_in_dim3A_96, %scan3A_222 = %broadcast_in_dim3A_98) -> (vector<16xf32>, vector<16xf32>, vector<16xf32>, vector<16xf32>, vector<16xi32>, vector<16xi32>, vector<16xi32>, vector<16xi32>)  : i32 {
      %mul3A_223 = arith.constant 2 : i32
      %mul3A_224 = arith.muli %scan3A_214, %mul3A_223 : i32
      %add3A_225 = arith.constant 0 : i32
      %add3A_226 = arith.addi %add3A_225, %mul3A_224 : i32
      %add3A_227 = arith.constant 0 : i32
      %add3A_228 = arith.addi %add3A_226, %add3A_227 : i32
      %get3A_229 = arith.index_cast %add3A_228 : i32 to index
      %get3A_230 = arith.constant 0 : index
      %get3A_231 = tpu.vector_load %arg7[%get3A_229, %get3A_230] {strides = array<i32>} : memref<200x128xf32, #tpu.memory_space<vmem>>, vector<1x16xf32>,
      %get3A_232 = vector.shape_cast %get3A_231 : vector<1x16xf32> to vector<16xf32>
      %get3A_233 = arith.index_cast %add3A_228 : i32 to index
      %get3A_234 = arith.constant 0 : index
      %get3A_235 = tpu.vector_load %arg6[%get3A_233, %get3A_234] {strides = array<i32>} : memref<200x128xf32, #tpu.memory_space<vmem>>, vector<1x16xf32>,
      %get3A_236 = vector.shape_cast %get3A_235 : vector<1x16xf32> to vector<16xf32>
      %gt3A = arith.cmpf ogt, %get3A_232, %get3A_83 : vector<16xf32>
      %jit3A = arith.constant 0x7F800000 : f32
      %broadcast_in_dim3A_237 = vector.broadcast %jit3A : f32 to vector<16xf32>
      %select_n3A = arith.select %gt3A, %get3A_232, %broadcast_in_dim3A_237 : vector<16xi1>, vector<16xf32>
      %sub3A = arith.subf %get3A_232, %get3A_236 : vector<16xf32>
      %div3A = arith.divf %sub3A, %select_n3A : vector<16xf32>
      %abs3A = math.absf %div3A : vector<16xf32>
      %add3A_238 = arith.addf %scan3A_215, %abs3A : vector<16xf32>
      %jit3A_239 = arith.constant 1 : i32
      %jit3A_240 = arith.constant 0 : i32
      %broadcast_in_dim3A_241 = vector.broadcast %jit3A_239 : i32 to vector<16xi32>
      %broadcast_in_dim3A_242 = vector.broadcast %jit3A_240 : i32 to vector<16xi32>
      %select_n3A_243 = arith.select %gt3A, %broadcast_in_dim3A_241, %broadcast_in_dim3A_242 : vector<16xi1>, vector<16xi32>
      %add3A_244 = arith.addi %scan3A_219, %select_n3A_243 : vector<16xi32>
      %get3A_245 = arith.index_cast %add3A_228 : i32 to index
      %get3A_246 = arith.constant 16 : index
      %get3A_247 = tpu.vector_load %arg7[%get3A_245, %get3A_246] {strides = array<i32>} : memref<200x128xf32, #tpu.memory_space<vmem>>, vector<1x16xf32>,
      %get3A_248 = vector.shape_cast %get3A_247 : vector<1x16xf32> to vector<16xf32>
      %get3A_249 = arith.index_cast %add3A_228 : i32 to index
      %get3A_250 = arith.constant 16 : index
      %get3A_251 = tpu.vector_load %arg6[%get3A_249, %get3A_250] {strides = array<i32>} : memref<200x128xf32, #tpu.memory_space<vmem>>, vector<1x16xf32>,
      %get3A_252 = vector.shape_cast %get3A_251 : vector<1x16xf32> to vector<16xf32>
      %gt3A_253 = arith.cmpf ogt, %get3A_248, %get3A_83 : vector<16xf32>
      %jit3A_254 = arith.constant 0x7F800000 : f32
      %broadcast_in_dim3A_255 = vector.broadcast %jit3A_254 : f32 to vector<16xf32>
      %select_n3A_256 = arith.select %gt3A_253, %get3A_248, %broadcast_in_dim3A_255 : vector<16xi1>, vector<16xf32>
      %sub3A_257 = arith.subf %get3A_248, %get3A_252 : vector<16xf32>
      %div3A_258 = arith.divf %sub3A_257, %select_n3A_256 : vector<16xf32>
      %abs3A_259 = math.absf %div3A_258 : vector<16xf32>
      %add3A_260 = arith.addf %scan3A_216, %abs3A_259 : vector<16xf32>
      %jit3A_261 = arith.constant 1 : i32
      %jit3A_262 = arith.constant 0 : i32
      %broadcast_in_dim3A_263 = vector.broadcast %jit3A_261 : i32 to vector<16xi32>
      %broadcast_in_dim3A_264 = vector.broadcast %jit3A_262 : i32 to vector<16xi32>
      %select_n3A_265 = arith.select %gt3A_253, %broadcast_in_dim3A_263, %broadcast_in_dim3A_264 : vector<16xi1>, vector<16xi32>
      %add3A_266 = arith.addi %scan3A_220, %select_n3A_265 : vector<16xi32>
      %get3A_267 = arith.index_cast %add3A_228 : i32 to index
      %get3A_268 = arith.constant 32 : index
      %get3A_269 = tpu.vector_load %arg7[%get3A_267, %get3A_268] {strides = array<i32>} : memref<200x128xf32, #tpu.memory_space<vmem>>, vector<1x16xf32>,
      %get3A_270 = vector.shape_cast %get3A_269 : vector<1x16xf32> to vector<16xf32>
      %get3A_271 = arith.index_cast %add3A_228 : i32 to index
      %get3A_272 = arith.constant 32 : index
      %get3A_273 = tpu.vector_load %arg6[%get3A_271, %get3A_272] {strides = array<i32>} : memref<200x128xf32, #tpu.memory_space<vmem>>, vector<1x16xf32>,
      %get3A_274 = vector.shape_cast %get3A_273 : vector<1x16xf32> to vector<16xf32>
      %gt3A_275 = arith.cmpf ogt, %get3A_270, %get3A_83 : vector<16xf32>
      %jit3A_276 = arith.constant 0x7F800000 : f32
      %broadcast_in_dim3A_277 = vector.broadcast %jit3A_276 : f32 to vector<16xf32>
      %select_n3A_278 = arith.select %gt3A_275, %get3A_270, %broadcast_in_dim3A_277 : vector<16xi1>, vector<16xf32>
      %sub3A_279 = arith.subf %get3A_270, %get3A_274 : vector<16xf32>
      %div3A_280 = arith.divf %sub3A_279, %select_n3A_278 : vector<16xf32>
      %abs3A_281 = math.absf %div3A_280 : vector<16xf32>
      %add3A_282 = arith.addf %scan3A_217, %abs3A_281 : vector<16xf32>
      %jit3A_283 = arith.constant 1 : i32
      %jit3A_284 = arith.constant 0 : i32
      %broadcast_in_dim3A_285 = vector.broadcast %jit3A_283 : i32 to vector<16xi32>
      %broadcast_in_dim3A_286 = vector.broadcast %jit3A_284 : i32 to vector<16xi32>
      %select_n3A_287 = arith.select %gt3A_275, %broadcast_in_dim3A_285, %broadcast_in_dim3A_286 : vector<16xi1>, vector<16xi32>
      %add3A_288 = arith.addi %scan3A_221, %select_n3A_287 : vector<16xi32>
      %get3A_289 = arith.index_cast %add3A_228 : i32 to index
      %get3A_290 = arith.constant 48 : index
      %get3A_291 = tpu.vector_load %arg7[%get3A_289, %get3A_290] {strides = array<i32>} : memref<200x128xf32, #tpu.memory_space<vmem>>, vector<1x16xf32>,
      %get3A_292 = vector.shape_cast %get3A_291 : vector<1x16xf32> to vector<16xf32>
      %get3A_293 = arith.index_cast %add3A_228 : i32 to index
      %get3A_294 = arith.constant 48 : index
      %get3A_295 = tpu.vector_load %arg6[%get3A_293, %get3A_294] {strides = array<i32>} : memref<200x128xf32, #tpu.memory_space<vmem>>, vector<1x16xf32>,
      %get3A_296 = vector.shape_cast %get3A_295 : vector<1x16xf32> to vector<16xf32>
      %gt3A_297 = arith.cmpf ogt, %get3A_292, %get3A_83 : vector<16xf32>
      %jit3A_298 = arith.constant 0x7F800000 : f32
      %broadcast_in_dim3A_299 = vector.broadcast %jit3A_298 : f32 to vector<16xf32>
      %select_n3A_300 = arith.select %gt3A_297, %get3A_292, %broadcast_in_dim3A_299 : vector<16xi1>, vector<16xf32>
      %sub3A_301 = arith.subf %get3A_292, %get3A_296 : vector<16xf32>
      %div3A_302 = arith.divf %sub3A_301, %select_n3A_300 : vector<16xf32>
      %abs3A_303 = math.absf %div3A_302 : vector<16xf32>
      %add3A_304 = arith.addf %scan3A_218, %abs3A_303 : vector<16xf32>
      %jit3A_305 = arith.constant 1 : i32
      %jit3A_306 = arith.constant 0 : i32
      %broadcast_in_dim3A_307 = vector.broadcast %jit3A_305 : i32 to vector<16xi32>
      %broadcast_in_dim3A_308 = vector.broadcast %jit3A_306 : i32 to vector<16xi32>
      %select_n3A_309 = arith.select %gt3A_297, %broadcast_in_dim3A_307, %broadcast_in_dim3A_308 : vector<16xi1>, vector<16xi32>
      %add3A_310 = arith.addi %scan3A_222, %select_n3A_309 : vector<16xi32>
      %get3A_311 = arith.index_cast %add3A_228 : i32 to index
      %get3A_312 = arith.constant 64 : index
      %get3A_313 = tpu.vector_load %arg7[%get3A_311, %get3A_312] {strides = array<i32>} : memref<200x128xf32, #tpu.memory_space<vmem>>, vector<1x16xf32>,
      %get3A_314 = vector.shape_cast %get3A_313 : vector<1x16xf32> to vector<16xf32>
      %get3A_315 = arith.index_cast %add3A_228 : i32 to index
      %get3A_316 = arith.constant 64 : index
      %get3A_317 = tpu.vector_load %arg6[%get3A_315, %get3A_316] {strides = array<i32>} : memref<200x128xf32, #tpu.memory_space<vmem>>, vector<1x16xf32>,
      %get3A_318 = vector.shape_cast %get3A_317 : vector<1x16xf32> to vector<16xf32>
      %gt3A_319 = arith.cmpf ogt, %get3A_314, %get3A_83 : vector<16xf32>
      %jit3A_320 = arith.constant 0x7F800000 : f32
      %broadcast_in_dim3A_321 = vector.broadcast %jit3A_320 : f32 to vector<16xf32>
      %select_n3A_322 = arith.select %gt3A_319, %get3A_314, %broadcast_in_dim3A_321 : vector<16xi1>, vector<16xf32>
      %sub3A_323 = arith.subf %get3A_314, %get3A_318 : vector<16xf32>
      %div3A_324 = arith.divf %sub3A_323, %select_n3A_322 : vector<16xf32>
      %abs3A_325 = math.absf %div3A_324 : vector<16xf32>
      %add3A_326 = arith.addf %add3A_238, %abs3A_325 : vector<16xf32>
      %jit3A_327 = arith.constant 1 : i32
      %jit3A_328 = arith.constant 0 : i32
      %broadcast_in_dim3A_329 = vector.broadcast %jit3A_327 : i32 to vector<16xi32>
      %broadcast_in_dim3A_330 = vector.broadcast %jit3A_328 : i32 to vector<16xi32>
      %select_n3A_331 = arith.select %gt3A_319, %broadcast_in_dim3A_329, %broadcast_in_dim3A_330 : vector<16xi1>, vector<16xi32>
      %add3A_332 = arith.addi %add3A_244, %select_n3A_331 : vector<16xi32>
      %get3A_333 = arith.index_cast %add3A_228 : i32 to index
      %get3A_334 = arith.constant 80 : index
      %get3A_335 = tpu.vector_load %arg7[%get3A_333, %get3A_334] {strides = array<i32>} : memref<200x128xf32, #tpu.memory_space<vmem>>, vector<1x16xf32>,
      %get3A_336 = vector.shape_cast %get3A_335 : vector<1x16xf32> to vector<16xf32>
      %get3A_337 = arith.index_cast %add3A_228 : i32 to index
      %get3A_338 = arith.constant 80 : index
      %get3A_339 = tpu.vector_load %arg6[%get3A_337, %get3A_338] {strides = array<i32>} : memref<200x128xf32, #tpu.memory_space<vmem>>, vector<1x16xf32>,
      %get3A_340 = vector.shape_cast %get3A_339 : vector<1x16xf32> to vector<16xf32>
      %gt3A_341 = arith.cmpf ogt, %get3A_336, %get3A_83 : vector<16xf32>
      %jit3A_342 = arith.constant 0x7F800000 : f32
      %broadcast_in_dim3A_343 = vector.broadcast %jit3A_342 : f32 to vector<16xf32>
      %select_n3A_344 = arith.select %gt3A_341, %get3A_336, %broadcast_in_dim3A_343 : vector<16xi1>, vector<16xf32>
      %sub3A_345 = arith.subf %get3A_336, %get3A_340 : vector<16xf32>
      %div3A_346 = arith.divf %sub3A_345, %select_n3A_344 : vector<16xf32>
      %abs3A_347 = math.absf %div3A_346 : vector<16xf32>
      %add3A_348 = arith.addf %add3A_260, %abs3A_347 : vector<16xf32>
      %jit3A_349 = arith.constant 1 : i32
      %jit3A_350 = arith.constant 0 : i32
      %broadcast_in_dim3A_351 = vector.broadcast %jit3A_349 : i32 to vector<16xi32>
      %broadcast_in_dim3A_352 = vector.broadcast %jit3A_350 : i32 to vector<16xi32>
      %select_n3A_353 = arith.select %gt3A_341, %broadcast_in_dim3A_351, %broadcast_in_dim3A_352 : vector<16xi1>, vector<16xi32>
      %add3A_354 = arith.addi %add3A_266, %select_n3A_353 : vector<16xi32>
      %get3A_355 = arith.index_cast %add3A_228 : i32 to index
      %get3A_356 = arith.constant 96 : index
      %get3A_357 = tpu.vector_load %arg7[%get3A_355, %get3A_356] {strides = array<i32>} : memref<200x128xf32, #tpu.memory_space<vmem>>, vector<1x16xf32>,
      %get3A_358 = vector.shape_cast %get3A_357 : vector<1x16xf32> to vector<16xf32>
      %get3A_359 = arith.index_cast %add3A_228 : i32 to index
      %get3A_360 = arith.constant 96 : index
      %get3A_361 = tpu.vector_load %arg6[%get3A_359, %get3A_360] {strides = array<i32>} : memref<200x128xf32, #tpu.memory_space<vmem>>, vector<1x16xf32>,
      %get3A_362 = vector.shape_cast %get3A_361 : vector<1x16xf32> to vector<16xf32>
      %gt3A_363 = arith.cmpf ogt, %get3A_358, %get3A_83 : vector<16xf32>
      %jit3A_364 = arith.constant 0x7F800000 : f32
      %broadcast_in_dim3A_365 = vector.broadcast %jit3A_364 : f32 to vector<16xf32>
      %select_n3A_366 = arith.select %gt3A_363, %get3A_358, %broadcast_in_dim3A_365 : vector<16xi1>, vector<16xf32>
      %sub3A_367 = arith.subf %get3A_358, %get3A_362 : vector<16xf32>
      %div3A_368 = arith.divf %sub3A_367, %select_n3A_366 : vector<16xf32>
      %abs3A_369 = math.absf %div3A_368 : vector<16xf32>
      %add3A_370 = arith.addf %add3A_282, %abs3A_369 : vector<16xf32>
      %jit3A_371 = arith.constant 1 : i32
      %jit3A_372 = arith.constant 0 : i32
      %broadcast_in_dim3A_373 = vector.broadcast %jit3A_371 : i32 to vector<16xi32>
      %broadcast_in_dim3A_374 = vector.broadcast %jit3A_372 : i32 to vector<16xi32>
      %select_n3A_375 = arith.select %gt3A_363, %broadcast_in_dim3A_373, %broadcast_in_dim3A_374 : vector<16xi1>, vector<16xi32>
      %add3A_376 = arith.addi %add3A_288, %select_n3A_375 : vector<16xi32>
      %get3A_377 = arith.index_cast %add3A_228 : i32 to index
      %get3A_378 = arith.constant 112 : index
      %get3A_379 = tpu.vector_load %arg7[%get3A_377, %get3A_378] {strides = array<i32>} : memref<200x128xf32, #tpu.memory_space<vmem>>, vector<1x16xf32>,
      %get3A_380 = vector.shape_cast %get3A_379 : vector<1x16xf32> to vector<16xf32>
      %get3A_381 = arith.index_cast %add3A_228 : i32 to index
      %get3A_382 = arith.constant 112 : index
      %get3A_383 = tpu.vector_load %arg6[%get3A_381, %get3A_382] {strides = array<i32>} : memref<200x128xf32, #tpu.memory_space<vmem>>, vector<1x16xf32>,
      %get3A_384 = vector.shape_cast %get3A_383 : vector<1x16xf32> to vector<16xf32>
      %gt3A_385 = arith.cmpf ogt, %get3A_380, %get3A_83 : vector<16xf32>
      %jit3A_386 = arith.constant 0x7F800000 : f32
      %broadcast_in_dim3A_387 = vector.broadcast %jit3A_386 : f32 to vector<16xf32>
      %select_n3A_388 = arith.select %gt3A_385, %get3A_380, %broadcast_in_dim3A_387 : vector<16xi1>, vector<16xf32>
      %sub3A_389 = arith.subf %get3A_380, %get3A_384 : vector<16xf32>
      %div3A_390 = arith.divf %sub3A_389, %select_n3A_388 : vector<16xf32>
      %abs3A_391 = math.absf %div3A_390 : vector<16xf32>
      %add3A_392 = arith.addf %add3A_304, %abs3A_391 : vector<16xf32>
      %jit3A_393 = arith.constant 1 : i32
      %jit3A_394 = arith.constant 0 : i32
      %broadcast_in_dim3A_395 = vector.broadcast %jit3A_393 : i32 to vector<16xi32>
      %broadcast_in_dim3A_396 = vector.broadcast %jit3A_394 : i32 to vector<16xi32>
      %select_n3A_397 = arith.select %gt3A_385, %broadcast_in_dim3A_395, %broadcast_in_dim3A_396 : vector<16xi1>, vector<16xi32>
      %add3A_398 = arith.addi %add3A_310, %select_n3A_397 : vector<16xi32>
      %mul3A_399 = arith.constant 2 : i32
      %mul3A_400 = arith.muli %scan3A_214, %mul3A_399 : i32
      %add3A_401 = arith.constant 0 : i32
      %add3A_402 = arith.addi %add3A_401, %mul3A_400 : i32
      %add3A_403 = arith.constant 1 : i32
      %add3A_404 = arith.addi %add3A_402, %add3A_403 : i32
      %get3A_405 = arith.index_cast %add3A_404 : i32 to index
      %get3A_406 = arith.constant 0 : index
      %get3A_407 = tpu.vector_load %arg7[%get3A_405, %get3A_406] {strides = array<i32>} : memref<200x128xf32, #tpu.memory_space<vmem>>, vector<1x16xf32>,
      %get3A_408 = vector.shape_cast %get3A_407 : vector<1x16xf32> to vector<16xf32>
      %get3A_409 = arith.index_cast %add3A_404 : i32 to index
      %get3A_410 = arith.constant 0 : index
      %get3A_411 = tpu.vector_load %arg6[%get3A_409, %get3A_410] {strides = array<i32>} : memref<200x128xf32, #tpu.memory_space<vmem>>, vector<1x16xf32>,
      %get3A_412 = vector.shape_cast %get3A_411 : vector<1x16xf32> to vector<16xf32>
      %gt3A_413 = arith.cmpf ogt, %get3A_408, %get3A_83 : vector<16xf32>
      %jit3A_414 = arith.constant 0x7F800000 : f32
      %broadcast_in_dim3A_415 = vector.broadcast %jit3A_414 : f32 to vector<16xf32>
      %select_n3A_416 = arith.select %gt3A_413, %get3A_408, %broadcast_in_dim3A_415 : vector<16xi1>, vector<16xf32>
      %sub3A_417 = arith.subf %get3A_408, %get3A_412 : vector<16xf32>
      %div3A_418 = arith.divf %sub3A_417, %select_n3A_416 : vector<16xf32>
      %abs3A_419 = math.absf %div3A_418 : vector<16xf32>
      %add3A_420 = arith.addf %add3A_326, %abs3A_419 : vector<16xf32>
      %jit3A_421 = arith.constant 1 : i32
      %jit3A_422 = arith.constant 0 : i32
      %broadcast_in_dim3A_423 = vector.broadcast %jit3A_421 : i32 to vector<16xi32>
      %broadcast_in_dim3A_424 = vector.broadcast %jit3A_422 : i32 to vector<16xi32>
      %select_n3A_425 = arith.select %gt3A_413, %broadcast_in_dim3A_423, %broadcast_in_dim3A_424 : vector<16xi1>, vector<16xi32>
      %add3A_426 = arith.addi %add3A_332, %select_n3A_425 : vector<16xi32>
      %get3A_427 = arith.index_cast %add3A_404 : i32 to index
      %get3A_428 = arith.constant 16 : index
      %get3A_429 = tpu.vector_load %arg7[%get3A_427, %get3A_428] {strides = array<i32>} : memref<200x128xf32, #tpu.memory_space<vmem>>, vector<1x16xf32>,
      %get3A_430 = vector.shape_cast %get3A_429 : vector<1x16xf32> to vector<16xf32>
      %get3A_431 = arith.index_cast %add3A_404 : i32 to index
      %get3A_432 = arith.constant 16 : index
      %get3A_433 = tpu.vector_load %arg6[%get3A_431, %get3A_432] {strides = array<i32>} : memref<200x128xf32, #tpu.memory_space<vmem>>, vector<1x16xf32>,
      %get3A_434 = vector.shape_cast %get3A_433 : vector<1x16xf32> to vector<16xf32>
      %gt3A_435 = arith.cmpf ogt, %get3A_430, %get3A_83 : vector<16xf32>
      %jit3A_436 = arith.constant 0x7F800000 : f32
      %broadcast_in_dim3A_437 = vector.broadcast %jit3A_436 : f32 to vector<16xf32>
      %select_n3A_438 = arith.select %gt3A_435, %get3A_430, %broadcast_in_dim3A_437 : vector<16xi1>, vector<16xf32>
      %sub3A_439 = arith.subf %get3A_430, %get3A_434 : vector<16xf32>
      %div3A_440 = arith.divf %sub3A_439, %select_n3A_438 : vector<16xf32>
      %abs3A_441 = math.absf %div3A_440 : vector<16xf32>
      %add3A_442 = arith.addf %add3A_348, %abs3A_441 : vector<16xf32>
      %jit3A_443 = arith.constant 1 : i32
      %jit3A_444 = arith.constant 0 : i32
      %broadcast_in_dim3A_445 = vector.broadcast %jit3A_443 : i32 to vector<16xi32>
      %broadcast_in_dim3A_446 = vector.broadcast %jit3A_444 : i32 to vector<16xi32>
      %select_n3A_447 = arith.select %gt3A_435, %broadcast_in_dim3A_445, %broadcast_in_dim3A_446 : vector<16xi1>, vector<16xi32>
      %add3A_448 = arith.addi %add3A_354, %select_n3A_447 : vector<16xi32>
      %get3A_449 = arith.index_cast %add3A_404 : i32 to index
      %get3A_450 = arith.constant 32 : index
      %get3A_451 = tpu.vector_load %arg7[%get3A_449, %get3A_450] {strides = array<i32>} : memref<200x128xf32, #tpu.memory_space<vmem>>, vector<1x16xf32>,
      %get3A_452 = vector.shape_cast %get3A_451 : vector<1x16xf32> to vector<16xf32>
      %get3A_453 = arith.index_cast %add3A_404 : i32 to index
      %get3A_454 = arith.constant 32 : index
      %get3A_455 = tpu.vector_load %arg6[%get3A_453, %get3A_454] {strides = array<i32>} : memref<200x128xf32, #tpu.memory_space<vmem>>, vector<1x16xf32>,
      %get3A_456 = vector.shape_cast %get3A_455 : vector<1x16xf32> to vector<16xf32>
      %gt3A_457 = arith.cmpf ogt, %get3A_452, %get3A_83 : vector<16xf32>
      %jit3A_458 = arith.constant 0x7F800000 : f32
      %broadcast_in_dim3A_459 = vector.broadcast %jit3A_458 : f32 to vector<16xf32>
      %select_n3A_460 = arith.select %gt3A_457, %get3A_452, %broadcast_in_dim3A_459 : vector<16xi1>, vector<16xf32>
      %sub3A_461 = arith.subf %get3A_452, %get3A_456 : vector<16xf32>
      %div3A_462 = arith.divf %sub3A_461, %select_n3A_460 : vector<16xf32>
      %abs3A_463 = math.absf %div3A_462 : vector<16xf32>
      %add3A_464 = arith.addf %add3A_370, %abs3A_463 : vector<16xf32>
      %jit3A_465 = arith.constant 1 : i32
      %jit3A_466 = arith.constant 0 : i32
      %broadcast_in_dim3A_467 = vector.broadcast %jit3A_465 : i32 to vector<16xi32>
      %broadcast_in_dim3A_468 = vector.broadcast %jit3A_466 : i32 to vector<16xi32>
      %select_n3A_469 = arith.select %gt3A_457, %broadcast_in_dim3A_467, %broadcast_in_dim3A_468 : vector<16xi1>, vector<16xi32>
      %add3A_470 = arith.addi %add3A_376, %select_n3A_469 : vector<16xi32>
      %get3A_471 = arith.index_cast %add3A_404 : i32 to index
      %get3A_472 = arith.constant 48 : index
      %get3A_473 = tpu.vector_load %arg7[%get3A_471, %get3A_472] {strides = array<i32>} : memref<200x128xf32, #tpu.memory_space<vmem>>, vector<1x16xf32>,
      %get3A_474 = vector.shape_cast %get3A_473 : vector<1x16xf32> to vector<16xf32>
      %get3A_475 = arith.index_cast %add3A_404 : i32 to index
      %get3A_476 = arith.constant 48 : index
      %get3A_477 = tpu.vector_load %arg6[%get3A_475, %get3A_476] {strides = array<i32>} : memref<200x128xf32, #tpu.memory_space<vmem>>, vector<1x16xf32>,
      %get3A_478 = vector.shape_cast %get3A_477 : vector<1x16xf32> to vector<16xf32>
      %gt3A_479 = arith.cmpf ogt, %get3A_474, %get3A_83 : vector<16xf32>
      %jit3A_480 = arith.constant 0x7F800000 : f32
      %broadcast_in_dim3A_481 = vector.broadcast %jit3A_480 : f32 to vector<16xf32>
      %select_n3A_482 = arith.select %gt3A_479, %get3A_474, %broadcast_in_dim3A_481 : vector<16xi1>, vector<16xf32>
      %sub3A_483 = arith.subf %get3A_474, %get3A_478 : vector<16xf32>
      %div3A_484 = arith.divf %sub3A_483, %select_n3A_482 : vector<16xf32>
      %abs3A_485 = math.absf %div3A_484 : vector<16xf32>
      %add3A_486 = arith.addf %add3A_392, %abs3A_485 : vector<16xf32>
      %jit3A_487 = arith.constant 1 : i32
      %jit3A_488 = arith.constant 0 : i32
      %broadcast_in_dim3A_489 = vector.broadcast %jit3A_487 : i32 to vector<16xi32>
      %broadcast_in_dim3A_490 = vector.broadcast %jit3A_488 : i32 to vector<16xi32>
      %select_n3A_491 = arith.select %gt3A_479, %broadcast_in_dim3A_489, %broadcast_in_dim3A_490 : vector<16xi1>, vector<16xi32>
      %add3A_492 = arith.addi %add3A_398, %select_n3A_491 : vector<16xi32>
      %get3A_493 = arith.index_cast %add3A_404 : i32 to index
      %get3A_494 = arith.constant 64 : index
      %get3A_495 = tpu.vector_load %arg7[%get3A_493, %get3A_494] {strides = array<i32>} : memref<200x128xf32, #tpu.memory_space<vmem>>, vector<1x16xf32>,
      %get3A_496 = vector.shape_cast %get3A_495 : vector<1x16xf32> to vector<16xf32>
      %get3A_497 = arith.index_cast %add3A_404 : i32 to index
      %get3A_498 = arith.constant 64 : index
      %get3A_499 = tpu.vector_load %arg6[%get3A_497, %get3A_498] {strides = array<i32>} : memref<200x128xf32, #tpu.memory_space<vmem>>, vector<1x16xf32>,
      %get3A_500 = vector.shape_cast %get3A_499 : vector<1x16xf32> to vector<16xf32>
      %gt3A_501 = arith.cmpf ogt, %get3A_496, %get3A_83 : vector<16xf32>
      %jit3A_502 = arith.constant 0x7F800000 : f32
      %broadcast_in_dim3A_503 = vector.broadcast %jit3A_502 : f32 to vector<16xf32>
      %select_n3A_504 = arith.select %gt3A_501, %get3A_496, %broadcast_in_dim3A_503 : vector<16xi1>, vector<16xf32>
      %sub3A_505 = arith.subf %get3A_496, %get3A_500 : vector<16xf32>
      %div3A_506 = arith.divf %sub3A_505, %select_n3A_504 : vector<16xf32>
      %abs3A_507 = math.absf %div3A_506 : vector<16xf32>
      %add3A_508 = arith.addf %add3A_420, %abs3A_507 : vector<16xf32>
      %jit3A_509 = arith.constant 1 : i32
      %jit3A_510 = arith.constant 0 : i32
      %broadcast_in_dim3A_511 = vector.broadcast %jit3A_509 : i32 to vector<16xi32>
      %broadcast_in_dim3A_512 = vector.broadcast %jit3A_510 : i32 to vector<16xi32>
      %select_n3A_513 = arith.select %gt3A_501, %broadcast_in_dim3A_511, %broadcast_in_dim3A_512 : vector<16xi1>, vector<16xi32>
      %add3A_514 = arith.addi %add3A_426, %select_n3A_513 : vector<16xi32>
      %get3A_515 = arith.index_cast %add3A_404 : i32 to index
      %get3A_516 = arith.constant 80 : index
      %get3A_517 = tpu.vector_load %arg7[%get3A_515, %get3A_516] {strides = array<i32>} : memref<200x128xf32, #tpu.memory_space<vmem>>, vector<1x16xf32>,
      %get3A_518 = vector.shape_cast %get3A_517 : vector<1x16xf32> to vector<16xf32>
      %get3A_519 = arith.index_cast %add3A_404 : i32 to index
      %get3A_520 = arith.constant 80 : index
      %get3A_521 = tpu.vector_load %arg6[%get3A_519, %get3A_520] {strides = array<i32>} : memref<200x128xf32, #tpu.memory_space<vmem>>, vector<1x16xf32>,
      %get3A_522 = vector.shape_cast %get3A_521 : vector<1x16xf32> to vector<16xf32>
      %gt3A_523 = arith.cmpf ogt, %get3A_518, %get3A_83 : vector<16xf32>
      %jit3A_524 = arith.constant 0x7F800000 : f32
      %broadcast_in_dim3A_525 = vector.broadcast %jit3A_524 : f32 to vector<16xf32>
      %select_n3A_526 = arith.select %gt3A_523, %get3A_518, %broadcast_in_dim3A_525 : vector<16xi1>, vector<16xf32>
      %sub3A_527 = arith.subf %get3A_518, %get3A_522 : vector<16xf32>
      %div3A_528 = arith.divf %sub3A_527, %select_n3A_526 : vector<16xf32>
      %abs3A_529 = math.absf %div3A_528 : vector<16xf32>
      %add3A_530 = arith.addf %add3A_442, %abs3A_529 : vector<16xf32>
      %jit3A_531 = arith.constant 1 : i32
      %jit3A_532 = arith.constant 0 : i32
      %broadcast_in_dim3A_533 = vector.broadcast %jit3A_531 : i32 to vector<16xi32>
      %broadcast_in_dim3A_534 = vector.broadcast %jit3A_532 : i32 to vector<16xi32>
      %select_n3A_535 = arith.select %gt3A_523, %broadcast_in_dim3A_533, %broadcast_in_dim3A_534 : vector<16xi1>, vector<16xi32>
      %add3A_536 = arith.addi %add3A_448, %select_n3A_535 : vector<16xi32>
      %get3A_537 = arith.index_cast %add3A_404 : i32 to index
      %get3A_538 = arith.constant 96 : index
      %get3A_539 = tpu.vector_load %arg7[%get3A_537, %get3A_538] {strides = array<i32>} : memref<200x128xf32, #tpu.memory_space<vmem>>, vector<1x16xf32>,
      %get3A_540 = vector.shape_cast %get3A_539 : vector<1x16xf32> to vector<16xf32>
      %get3A_541 = arith.index_cast %add3A_404 : i32 to index
      %get3A_542 = arith.constant 96 : index
      %get3A_543 = tpu.vector_load %arg6[%get3A_541, %get3A_542] {strides = array<i32>} : memref<200x128xf32, #tpu.memory_space<vmem>>, vector<1x16xf32>,
      %get3A_544 = vector.shape_cast %get3A_543 : vector<1x16xf32> to vector<16xf32>
      %gt3A_545 = arith.cmpf ogt, %get3A_540, %get3A_83 : vector<16xf32>
      %jit3A_546 = arith.constant 0x7F800000 : f32
      %broadcast_in_dim3A_547 = vector.broadcast %jit3A_546 : f32 to vector<16xf32>
      %select_n3A_548 = arith.select %gt3A_545, %get3A_540, %broadcast_in_dim3A_547 : vector<16xi1>, vector<16xf32>
      %sub3A_549 = arith.subf %get3A_540, %get3A_544 : vector<16xf32>
      %div3A_550 = arith.divf %sub3A_549, %select_n3A_548 : vector<16xf32>
      %abs3A_551 = math.absf %div3A_550 : vector<16xf32>
      %add3A_552 = arith.addf %add3A_464, %abs3A_551 : vector<16xf32>
      %jit3A_553 = arith.constant 1 : i32
      %jit3A_554 = arith.constant 0 : i32
      %broadcast_in_dim3A_555 = vector.broadcast %jit3A_553 : i32 to vector<16xi32>
      %broadcast_in_dim3A_556 = vector.broadcast %jit3A_554 : i32 to vector<16xi32>
      %select_n3A_557 = arith.select %gt3A_545, %broadcast_in_dim3A_555, %broadcast_in_dim3A_556 : vector<16xi1>, vector<16xi32>
      %add3A_558 = arith.addi %add3A_470, %select_n3A_557 : vector<16xi32>
      %get3A_559 = arith.index_cast %add3A_404 : i32 to index
      %get3A_560 = arith.constant 112 : index
      %get3A_561 = tpu.vector_load %arg7[%get3A_559, %get3A_560] {strides = array<i32>} : memref<200x128xf32, #tpu.memory_space<vmem>>, vector<1x16xf32>,
      %get3A_562 = vector.shape_cast %get3A_561 : vector<1x16xf32> to vector<16xf32>
      %get3A_563 = arith.index_cast %add3A_404 : i32 to index
      %get3A_564 = arith.constant 112 : index
      %get3A_565 = tpu.vector_load %arg6[%get3A_563, %get3A_564] {strides = array<i32>} : memref<200x128xf32, #tpu.memory_space<vmem>>, vector<1x16xf32>,
      %get3A_566 = vector.shape_cast %get3A_565 : vector<1x16xf32> to vector<16xf32>
      %gt3A_567 = arith.cmpf ogt, %get3A_562, %get3A_83 : vector<16xf32>
      %jit3A_568 = arith.constant 0x7F800000 : f32
      %broadcast_in_dim3A_569 = vector.broadcast %jit3A_568 : f32 to vector<16xf32>
      %select_n3A_570 = arith.select %gt3A_567, %get3A_562, %broadcast_in_dim3A_569 : vector<16xi1>, vector<16xf32>
      %sub3A_571 = arith.subf %get3A_562, %get3A_566 : vector<16xf32>
      %div3A_572 = arith.divf %sub3A_571, %select_n3A_570 : vector<16xf32>
      %abs3A_573 = math.absf %div3A_572 : vector<16xf32>
      %add3A_574 = arith.addf %add3A_486, %abs3A_573 : vector<16xf32>
      %jit3A_575 = arith.constant 1 : i32
      %jit3A_576 = arith.constant 0 : i32
      %broadcast_in_dim3A_577 = vector.broadcast %jit3A_575 : i32 to vector<16xi32>
      %broadcast_in_dim3A_578 = vector.broadcast %jit3A_576 : i32 to vector<16xi32>
      %select_n3A_579 = arith.select %gt3A_567, %broadcast_in_dim3A_577, %broadcast_in_dim3A_578 : vector<16xi1>, vector<16xi32>
      %add3A_580 = arith.addi %add3A_492, %select_n3A_579 : vector<16xi32>
      scf.yield %add3A_508, %add3A_530, %add3A_552, %add3A_574, %add3A_514, %add3A_536, %add3A_558, %add3A_580 : vector<16xf32>, vector<16xf32>, vector<16xf32>, vector<16xf32>, vector<16xi32>, vector<16xi32>, vector<16xi32>, vector<16xi32>
    }
    %scan3A_122 = arith.constant 24 : i32
    %dma_wait3A_123 = arith.constant 48 : i32
    %dma_wait3A_124 = arith.constant 0 : i32
    %dma_wait3A_125 = tpu.memref_slice %arg6[%dma_wait3A_123, %dma_wait3A_124] : memref<200x128xf32, #tpu.memory_space<vmem>> -> memref<48x128xf32, #tpu.memory_space<vmem>>
    %dma_wait3A_126 = arith.constant 48 : i32
    %dma_wait3A_127 = tpu.memref_slice %arg2[%dma_wait3A_126, %mul3A_2] : memref<200x16384xf32, #tpu.memory_space<hbm>> -> memref<48x128xf32, #tpu.memory_space<hbm>>
    %dma_wait3A_128 = arith.constant 48 : i32
    %dma_wait3A_129 = arith.constant 0 : i32
    %dma_wait3A_130 = tpu.memref_slice %arg6[%dma_wait3A_128, %dma_wait3A_129] : memref<200x128xf32, #tpu.memory_space<vmem>> -> memref<48x128xf32, #tpu.memory_space<vmem>>
    %dma_wait3A_131 = arith.constant 48 : i32
    %dma_wait3A_132 = tpu.memref_slice %arg2[%dma_wait3A_131, %mul3A_2] : memref<200x16384xf32, #tpu.memory_space<hbm>> -> memref<48x128xf32, #tpu.memory_space<hbm>>
    tpu.wait_dma2 semaphore(%arg11 : memref<!tpu.dma_semaphore, #tpu.memory_space<semaphore_mem>>) src(%dma_wait3A_132 : memref<48x128xf32, #tpu.memory_space<hbm>>) dst(%dma_wait3A_130 : memref<48x128xf32, #tpu.memory_space<vmem>>)
    %dma_wait3A_133 = arith.constant 48 : i32
    %dma_wait3A_134 = arith.constant 0 : i32
    %dma_wait3A_135 = tpu.memref_slice %arg7[%dma_wait3A_133, %dma_wait3A_134] : memref<200x128xf32, #tpu.memory_space<vmem>> -> memref<48x128xf32, #tpu.memory_space<vmem>>
    %dma_wait3A_136 = arith.constant 48 : i32
    %dma_wait3A_137 = tpu.memref_slice %arg3[%dma_wait3A_136, %mul3A_2] : memref<200x16384xf32, #tpu.memory_space<hbm>> -> memref<48x128xf32, #tpu.memory_space<hbm>>
    %dma_wait3A_138 = arith.constant 48 : i32
    %dma_wait3A_139 = arith.constant 0 : i32
    %dma_wait3A_140 = tpu.memref_slice %arg7[%dma_wait3A_138, %dma_wait3A_139] : memref<200x128xf32, #tpu.memory_space<vmem>> -> memref<48x128xf32, #tpu.memory_space<vmem>>
    %dma_wait3A_141 = arith.constant 48 : i32
    %dma_wait3A_142 = tpu.memref_slice %arg3[%dma_wait3A_141, %mul3A_2] : memref<200x16384xf32, #tpu.memory_space<hbm>> -> memref<48x128xf32, #tpu.memory_space<hbm>>
    tpu.wait_dma2 semaphore(%arg11 : memref<!tpu.dma_semaphore, #tpu.memory_space<semaphore_mem>>) src(%dma_wait3A_142 : memref<48x128xf32, #tpu.memory_space<hbm>>) dst(%dma_wait3A_140 : memref<48x128xf32, #tpu.memory_space<vmem>>)
    %scan3A_143 = arith.constant 0 : i32
    %scan3A_144 = arith.constant 24 : i32
    %scan3A_145 = arith.addi %scan3A_143, %scan3A_144 : i32
    %scan3A_146 = arith.constant 1 : i32
    %scan3A_147:8 = scf.for %scan3A_214 = %scan3A_143 to %scan3A_145 step %scan3A_146 iter_args(%scan3A_215 = %scan3A_121#0, %scan3A_216 = %scan3A_121#1, %scan3A_217 = %scan3A_121#2, %scan3A_218 = %scan3A_121#3, %scan3A_219 = %scan3A_121#4, %scan3A_220 = %scan3A_121#5, %scan3A_221 = %scan3A_121#6, %scan3A_222 = %scan3A_121#7) -> (vector<16xf32>, vector<16xf32>, vector<16xf32>, vector<16xf32>, vector<16xi32>, vector<16xi32>, vector<16xi32>, vector<16xi32>)  : i32 {
      %mul3A_223 = arith.constant 2 : i32
      %mul3A_224 = arith.muli %scan3A_214, %mul3A_223 : i32
      %add3A_225 = arith.constant 48 : i32
      %add3A_226 = arith.addi %add3A_225, %mul3A_224 : i32
      %add3A_227 = arith.constant 0 : i32
      %add3A_228 = arith.addi %add3A_226, %add3A_227 : i32
      %get3A_229 = arith.index_cast %add3A_228 : i32 to index
      %get3A_230 = arith.constant 0 : index
      %get3A_231 = tpu.vector_load %arg7[%get3A_229, %get3A_230] {strides = array<i32>} : memref<200x128xf32, #tpu.memory_space<vmem>>, vector<1x16xf32>,
      %get3A_232 = vector.shape_cast %get3A_231 : vector<1x16xf32> to vector<16xf32>
      %get3A_233 = arith.index_cast %add3A_228 : i32 to index
      %get3A_234 = arith.constant 0 : index
      %get3A_235 = tpu.vector_load %arg6[%get3A_233, %get3A_234] {strides = array<i32>} : memref<200x128xf32, #tpu.memory_space<vmem>>, vector<1x16xf32>,
      %get3A_236 = vector.shape_cast %get3A_235 : vector<1x16xf32> to vector<16xf32>
      %gt3A = arith.cmpf ogt, %get3A_232, %get3A_83 : vector<16xf32>
      %jit3A = arith.constant 0x7F800000 : f32
      %broadcast_in_dim3A_237 = vector.broadcast %jit3A : f32 to vector<16xf32>
      %select_n3A = arith.select %gt3A, %get3A_232, %broadcast_in_dim3A_237 : vector<16xi1>, vector<16xf32>
      %sub3A = arith.subf %get3A_232, %get3A_236 : vector<16xf32>
      %div3A = arith.divf %sub3A, %select_n3A : vector<16xf32>
      %abs3A = math.absf %div3A : vector<16xf32>
      %add3A_238 = arith.addf %scan3A_215, %abs3A : vector<16xf32>
      %jit3A_239 = arith.constant 1 : i32
      %jit3A_240 = arith.constant 0 : i32
      %broadcast_in_dim3A_241 = vector.broadcast %jit3A_239 : i32 to vector<16xi32>
      %broadcast_in_dim3A_242 = vector.broadcast %jit3A_240 : i32 to vector<16xi32>
      %select_n3A_243 = arith.select %gt3A, %broadcast_in_dim3A_241, %broadcast_in_dim3A_242 : vector<16xi1>, vector<16xi32>
      %add3A_244 = arith.addi %scan3A_219, %select_n3A_243 : vector<16xi32>
      %get3A_245 = arith.index_cast %add3A_228 : i32 to index
      %get3A_246 = arith.constant 16 : index
      %get3A_247 = tpu.vector_load %arg7[%get3A_245, %get3A_246] {strides = array<i32>} : memref<200x128xf32, #tpu.memory_space<vmem>>, vector<1x16xf32>,
      %get3A_248 = vector.shape_cast %get3A_247 : vector<1x16xf32> to vector<16xf32>
      %get3A_249 = arith.index_cast %add3A_228 : i32 to index
      %get3A_250 = arith.constant 16 : index
      %get3A_251 = tpu.vector_load %arg6[%get3A_249, %get3A_250] {strides = array<i32>} : memref<200x128xf32, #tpu.memory_space<vmem>>, vector<1x16xf32>,
      %get3A_252 = vector.shape_cast %get3A_251 : vector<1x16xf32> to vector<16xf32>
      %gt3A_253 = arith.cmpf ogt, %get3A_248, %get3A_83 : vector<16xf32>
      %jit3A_254 = arith.constant 0x7F800000 : f32
      %broadcast_in_dim3A_255 = vector.broadcast %jit3A_254 : f32 to vector<16xf32>
      %select_n3A_256 = arith.select %gt3A_253, %get3A_248, %broadcast_in_dim3A_255 : vector<16xi1>, vector<16xf32>
      %sub3A_257 = arith.subf %get3A_248, %get3A_252 : vector<16xf32>
      %div3A_258 = arith.divf %sub3A_257, %select_n3A_256 : vector<16xf32>
      %abs3A_259 = math.absf %div3A_258 : vector<16xf32>
      %add3A_260 = arith.addf %scan3A_216, %abs3A_259 : vector<16xf32>
      %jit3A_261 = arith.constant 1 : i32
      %jit3A_262 = arith.constant 0 : i32
      %broadcast_in_dim3A_263 = vector.broadcast %jit3A_261 : i32 to vector<16xi32>
      %broadcast_in_dim3A_264 = vector.broadcast %jit3A_262 : i32 to vector<16xi32>
      %select_n3A_265 = arith.select %gt3A_253, %broadcast_in_dim3A_263, %broadcast_in_dim3A_264 : vector<16xi1>, vector<16xi32>
      %add3A_266 = arith.addi %scan3A_220, %select_n3A_265 : vector<16xi32>
      %get3A_267 = arith.index_cast %add3A_228 : i32 to index
      %get3A_268 = arith.constant 32 : index
      %get3A_269 = tpu.vector_load %arg7[%get3A_267, %get3A_268] {strides = array<i32>} : memref<200x128xf32, #tpu.memory_space<vmem>>, vector<1x16xf32>,
      %get3A_270 = vector.shape_cast %get3A_269 : vector<1x16xf32> to vector<16xf32>
      %get3A_271 = arith.index_cast %add3A_228 : i32 to index
      %get3A_272 = arith.constant 32 : index
      %get3A_273 = tpu.vector_load %arg6[%get3A_271, %get3A_272] {strides = array<i32>} : memref<200x128xf32, #tpu.memory_space<vmem>>, vector<1x16xf32>,
      %get3A_274 = vector.shape_cast %get3A_273 : vector<1x16xf32> to vector<16xf32>
      %gt3A_275 = arith.cmpf ogt, %get3A_270, %get3A_83 : vector<16xf32>
      %jit3A_276 = arith.constant 0x7F800000 : f32
      %broadcast_in_dim3A_277 = vector.broadcast %jit3A_276 : f32 to vector<16xf32>
      %select_n3A_278 = arith.select %gt3A_275, %get3A_270, %broadcast_in_dim3A_277 : vector<16xi1>, vector<16xf32>
      %sub3A_279 = arith.subf %get3A_270, %get3A_274 : vector<16xf32>
      %div3A_280 = arith.divf %sub3A_279, %select_n3A_278 : vector<16xf32>
      %abs3A_281 = math.absf %div3A_280 : vector<16xf32>
      %add3A_282 = arith.addf %scan3A_217, %abs3A_281 : vector<16xf32>
      %jit3A_283 = arith.constant 1 : i32
      %jit3A_284 = arith.constant 0 : i32
      %broadcast_in_dim3A_285 = vector.broadcast %jit3A_283 : i32 to vector<16xi32>
      %broadcast_in_dim3A_286 = vector.broadcast %jit3A_284 : i32 to vector<16xi32>
      %select_n3A_287 = arith.select %gt3A_275, %broadcast_in_dim3A_285, %broadcast_in_dim3A_286 : vector<16xi1>, vector<16xi32>
      %add3A_288 = arith.addi %scan3A_221, %select_n3A_287 : vector<16xi32>
      %get3A_289 = arith.index_cast %add3A_228 : i32 to index
      %get3A_290 = arith.constant 48 : index
      %get3A_291 = tpu.vector_load %arg7[%get3A_289, %get3A_290] {strides = array<i32>} : memref<200x128xf32, #tpu.memory_space<vmem>>, vector<1x16xf32>,
      %get3A_292 = vector.shape_cast %get3A_291 : vector<1x16xf32> to vector<16xf32>
      %get3A_293 = arith.index_cast %add3A_228 : i32 to index
      %get3A_294 = arith.constant 48 : index
      %get3A_295 = tpu.vector_load %arg6[%get3A_293, %get3A_294] {strides = array<i32>} : memref<200x128xf32, #tpu.memory_space<vmem>>, vector<1x16xf32>,
      %get3A_296 = vector.shape_cast %get3A_295 : vector<1x16xf32> to vector<16xf32>
      %gt3A_297 = arith.cmpf ogt, %get3A_292, %get3A_83 : vector<16xf32>
      %jit3A_298 = arith.constant 0x7F800000 : f32
      %broadcast_in_dim3A_299 = vector.broadcast %jit3A_298 : f32 to vector<16xf32>
      %select_n3A_300 = arith.select %gt3A_297, %get3A_292, %broadcast_in_dim3A_299 : vector<16xi1>, vector<16xf32>
      %sub3A_301 = arith.subf %get3A_292, %get3A_296 : vector<16xf32>
      %div3A_302 = arith.divf %sub3A_301, %select_n3A_300 : vector<16xf32>
      %abs3A_303 = math.absf %div3A_302 : vector<16xf32>
      %add3A_304 = arith.addf %scan3A_218, %abs3A_303 : vector<16xf32>
      %jit3A_305 = arith.constant 1 : i32
      %jit3A_306 = arith.constant 0 : i32
      %broadcast_in_dim3A_307 = vector.broadcast %jit3A_305 : i32 to vector<16xi32>
      %broadcast_in_dim3A_308 = vector.broadcast %jit3A_306 : i32 to vector<16xi32>
      %select_n3A_309 = arith.select %gt3A_297, %broadcast_in_dim3A_307, %broadcast_in_dim3A_308 : vector<16xi1>, vector<16xi32>
      %add3A_310 = arith.addi %scan3A_222, %select_n3A_309 : vector<16xi32>
      %get3A_311 = arith.index_cast %add3A_228 : i32 to index
      %get3A_312 = arith.constant 64 : index
      %get3A_313 = tpu.vector_load %arg7[%get3A_311, %get3A_312] {strides = array<i32>} : memref<200x128xf32, #tpu.memory_space<vmem>>, vector<1x16xf32>,
      %get3A_314 = vector.shape_cast %get3A_313 : vector<1x16xf32> to vector<16xf32>
      %get3A_315 = arith.index_cast %add3A_228 : i32 to index
      %get3A_316 = arith.constant 64 : index
      %get3A_317 = tpu.vector_load %arg6[%get3A_315, %get3A_316] {strides = array<i32>} : memref<200x128xf32, #tpu.memory_space<vmem>>, vector<1x16xf32>,
      %get3A_318 = vector.shape_cast %get3A_317 : vector<1x16xf32> to vector<16xf32>
      %gt3A_319 = arith.cmpf ogt, %get3A_314, %get3A_83 : vector<16xf32>
      %jit3A_320 = arith.constant 0x7F800000 : f32
      %broadcast_in_dim3A_321 = vector.broadcast %jit3A_320 : f32 to vector<16xf32>
      %select_n3A_322 = arith.select %gt3A_319, %get3A_314, %broadcast_in_dim3A_321 : vector<16xi1>, vector<16xf32>
      %sub3A_323 = arith.subf %get3A_314, %get3A_318 : vector<16xf32>
      %div3A_324 = arith.divf %sub3A_323, %select_n3A_322 : vector<16xf32>
      %abs3A_325 = math.absf %div3A_324 : vector<16xf32>
      %add3A_326 = arith.addf %add3A_238, %abs3A_325 : vector<16xf32>
      %jit3A_327 = arith.constant 1 : i32
      %jit3A_328 = arith.constant 0 : i32
      %broadcast_in_dim3A_329 = vector.broadcast %jit3A_327 : i32 to vector<16xi32>
      %broadcast_in_dim3A_330 = vector.broadcast %jit3A_328 : i32 to vector<16xi32>
      %select_n3A_331 = arith.select %gt3A_319, %broadcast_in_dim3A_329, %broadcast_in_dim3A_330 : vector<16xi1>, vector<16xi32>
      %add3A_332 = arith.addi %add3A_244, %select_n3A_331 : vector<16xi32>
      %get3A_333 = arith.index_cast %add3A_228 : i32 to index
      %get3A_334 = arith.constant 80 : index
      %get3A_335 = tpu.vector_load %arg7[%get3A_333, %get3A_334] {strides = array<i32>} : memref<200x128xf32, #tpu.memory_space<vmem>>, vector<1x16xf32>,
      %get3A_336 = vector.shape_cast %get3A_335 : vector<1x16xf32> to vector<16xf32>
      %get3A_337 = arith.index_cast %add3A_228 : i32 to index
      %get3A_338 = arith.constant 80 : index
      %get3A_339 = tpu.vector_load %arg6[%get3A_337, %get3A_338] {strides = array<i32>} : memref<200x128xf32, #tpu.memory_space<vmem>>, vector<1x16xf32>,
      %get3A_340 = vector.shape_cast %get3A_339 : vector<1x16xf32> to vector<16xf32>
      %gt3A_341 = arith.cmpf ogt, %get3A_336, %get3A_83 : vector<16xf32>
      %jit3A_342 = arith.constant 0x7F800000 : f32
      %broadcast_in_dim3A_343 = vector.broadcast %jit3A_342 : f32 to vector<16xf32>
      %select_n3A_344 = arith.select %gt3A_341, %get3A_336, %broadcast_in_dim3A_343 : vector<16xi1>, vector<16xf32>
      %sub3A_345 = arith.subf %get3A_336, %get3A_340 : vector<16xf32>
      %div3A_346 = arith.divf %sub3A_345, %select_n3A_344 : vector<16xf32>
      %abs3A_347 = math.absf %div3A_346 : vector<16xf32>
      %add3A_348 = arith.addf %add3A_260, %abs3A_347 : vector<16xf32>
      %jit3A_349 = arith.constant 1 : i32
      %jit3A_350 = arith.constant 0 : i32
      %broadcast_in_dim3A_351 = vector.broadcast %jit3A_349 : i32 to vector<16xi32>
      %broadcast_in_dim3A_352 = vector.broadcast %jit3A_350 : i32 to vector<16xi32>
      %select_n3A_353 = arith.select %gt3A_341, %broadcast_in_dim3A_351, %broadcast_in_dim3A_352 : vector<16xi1>, vector<16xi32>
      %add3A_354 = arith.addi %add3A_266, %select_n3A_353 : vector<16xi32>
      %get3A_355 = arith.index_cast %add3A_228 : i32 to index
      %get3A_356 = arith.constant 96 : index
      %get3A_357 = tpu.vector_load %arg7[%get3A_355, %get3A_356] {strides = array<i32>} : memref<200x128xf32, #tpu.memory_space<vmem>>, vector<1x16xf32>,
      %get3A_358 = vector.shape_cast %get3A_357 : vector<1x16xf32> to vector<16xf32>
      %get3A_359 = arith.index_cast %add3A_228 : i32 to index
      %get3A_360 = arith.constant 96 : index
      %get3A_361 = tpu.vector_load %arg6[%get3A_359, %get3A_360] {strides = array<i32>} : memref<200x128xf32, #tpu.memory_space<vmem>>, vector<1x16xf32>,
      %get3A_362 = vector.shape_cast %get3A_361 : vector<1x16xf32> to vector<16xf32>
      %gt3A_363 = arith.cmpf ogt, %get3A_358, %get3A_83 : vector<16xf32>
      %jit3A_364 = arith.constant 0x7F800000 : f32
      %broadcast_in_dim3A_365 = vector.broadcast %jit3A_364 : f32 to vector<16xf32>
      %select_n3A_366 = arith.select %gt3A_363, %get3A_358, %broadcast_in_dim3A_365 : vector<16xi1>, vector<16xf32>
      %sub3A_367 = arith.subf %get3A_358, %get3A_362 : vector<16xf32>
      %div3A_368 = arith.divf %sub3A_367, %select_n3A_366 : vector<16xf32>
      %abs3A_369 = math.absf %div3A_368 : vector<16xf32>
      %add3A_370 = arith.addf %add3A_282, %abs3A_369 : vector<16xf32>
      %jit3A_371 = arith.constant 1 : i32
      %jit3A_372 = arith.constant 0 : i32
      %broadcast_in_dim3A_373 = vector.broadcast %jit3A_371 : i32 to vector<16xi32>
      %broadcast_in_dim3A_374 = vector.broadcast %jit3A_372 : i32 to vector<16xi32>
      %select_n3A_375 = arith.select %gt3A_363, %broadcast_in_dim3A_373, %broadcast_in_dim3A_374 : vector<16xi1>, vector<16xi32>
      %add3A_376 = arith.addi %add3A_288, %select_n3A_375 : vector<16xi32>
      %get3A_377 = arith.index_cast %add3A_228 : i32 to index
      %get3A_378 = arith.constant 112 : index
      %get3A_379 = tpu.vector_load %arg7[%get3A_377, %get3A_378] {strides = array<i32>} : memref<200x128xf32, #tpu.memory_space<vmem>>, vector<1x16xf32>,
      %get3A_380 = vector.shape_cast %get3A_379 : vector<1x16xf32> to vector<16xf32>
      %get3A_381 = arith.index_cast %add3A_228 : i32 to index
      %get3A_382 = arith.constant 112 : index
      %get3A_383 = tpu.vector_load %arg6[%get3A_381, %get3A_382] {strides = array<i32>} : memref<200x128xf32, #tpu.memory_space<vmem>>, vector<1x16xf32>,
      %get3A_384 = vector.shape_cast %get3A_383 : vector<1x16xf32> to vector<16xf32>
      %gt3A_385 = arith.cmpf ogt, %get3A_380, %get3A_83 : vector<16xf32>
      %jit3A_386 = arith.constant 0x7F800000 : f32
      %broadcast_in_dim3A_387 = vector.broadcast %jit3A_386 : f32 to vector<16xf32>
      %select_n3A_388 = arith.select %gt3A_385, %get3A_380, %broadcast_in_dim3A_387 : vector<16xi1>, vector<16xf32>
      %sub3A_389 = arith.subf %get3A_380, %get3A_384 : vector<16xf32>
      %div3A_390 = arith.divf %sub3A_389, %select_n3A_388 : vector<16xf32>
      %abs3A_391 = math.absf %div3A_390 : vector<16xf32>
      %add3A_392 = arith.addf %add3A_304, %abs3A_391 : vector<16xf32>
      %jit3A_393 = arith.constant 1 : i32
      %jit3A_394 = arith.constant 0 : i32
      %broadcast_in_dim3A_395 = vector.broadcast %jit3A_393 : i32 to vector<16xi32>
      %broadcast_in_dim3A_396 = vector.broadcast %jit3A_394 : i32 to vector<16xi32>
      %select_n3A_397 = arith.select %gt3A_385, %broadcast_in_dim3A_395, %broadcast_in_dim3A_396 : vector<16xi1>, vector<16xi32>
      %add3A_398 = arith.addi %add3A_310, %select_n3A_397 : vector<16xi32>
      %mul3A_399 = arith.constant 2 : i32
      %mul3A_400 = arith.muli %scan3A_214, %mul3A_399 : i32
      %add3A_401 = arith.constant 48 : i32
      %add3A_402 = arith.addi %add3A_401, %mul3A_400 : i32
      %add3A_403 = arith.constant 1 : i32
      %add3A_404 = arith.addi %add3A_402, %add3A_403 : i32
      %get3A_405 = arith.index_cast %add3A_404 : i32 to index
      %get3A_406 = arith.constant 0 : index
      %get3A_407 = tpu.vector_load %arg7[%get3A_405, %get3A_406] {strides = array<i32>} : memref<200x128xf32, #tpu.memory_space<vmem>>, vector<1x16xf32>,
      %get3A_408 = vector.shape_cast %get3A_407 : vector<1x16xf32> to vector<16xf32>
      %get3A_409 = arith.index_cast %add3A_404 : i32 to index
      %get3A_410 = arith.constant 0 : index
      %get3A_411 = tpu.vector_load %arg6[%get3A_409, %get3A_410] {strides = array<i32>} : memref<200x128xf32, #tpu.memory_space<vmem>>, vector<1x16xf32>,
      %get3A_412 = vector.shape_cast %get3A_411 : vector<1x16xf32> to vector<16xf32>
      %gt3A_413 = arith.cmpf ogt, %get3A_408, %get3A_83 : vector<16xf32>
      %jit3A_414 = arith.constant 0x7F800000 : f32
      %broadcast_in_dim3A_415 = vector.broadcast %jit3A_414 : f32 to vector<16xf32>
      %select_n3A_416 = arith.select %gt3A_413, %get3A_408, %broadcast_in_dim3A_415 : vector<16xi1>, vector<16xf32>
      %sub3A_417 = arith.subf %get3A_408, %get3A_412 : vector<16xf32>
      %div3A_418 = arith.divf %sub3A_417, %select_n3A_416 : vector<16xf32>
      %abs3A_419 = math.absf %div3A_418 : vector<16xf32>
      %add3A_420 = arith.addf %add3A_326, %abs3A_419 : vector<16xf32>
      %jit3A_421 = arith.constant 1 : i32
      %jit3A_422 = arith.constant 0 : i32
      %broadcast_in_dim3A_423 = vector.broadcast %jit3A_421 : i32 to vector<16xi32>
      %broadcast_in_dim3A_424 = vector.broadcast %jit3A_422 : i32 to vector<16xi32>
      %select_n3A_425 = arith.select %gt3A_413, %broadcast_in_dim3A_423, %broadcast_in_dim3A_424 : vector<16xi1>, vector<16xi32>
      %add3A_426 = arith.addi %add3A_332, %select_n3A_425 : vector<16xi32>
      %get3A_427 = arith.index_cast %add3A_404 : i32 to index
      %get3A_428 = arith.constant 16 : index
      %get3A_429 = tpu.vector_load %arg7[%get3A_427, %get3A_428] {strides = array<i32>} : memref<200x128xf32, #tpu.memory_space<vmem>>, vector<1x16xf32>,
      %get3A_430 = vector.shape_cast %get3A_429 : vector<1x16xf32> to vector<16xf32>
      %get3A_431 = arith.index_cast %add3A_404 : i32 to index
      %get3A_432 = arith.constant 16 : index
      %get3A_433 = tpu.vector_load %arg6[%get3A_431, %get3A_432] {strides = array<i32>} : memref<200x128xf32, #tpu.memory_space<vmem>>, vector<1x16xf32>,
      %get3A_434 = vector.shape_cast %get3A_433 : vector<1x16xf32> to vector<16xf32>
      %gt3A_435 = arith.cmpf ogt, %get3A_430, %get3A_83 : vector<16xf32>
      %jit3A_436 = arith.constant 0x7F800000 : f32
      %broadcast_in_dim3A_437 = vector.broadcast %jit3A_436 : f32 to vector<16xf32>
      %select_n3A_438 = arith.select %gt3A_435, %get3A_430, %broadcast_in_dim3A_437 : vector<16xi1>, vector<16xf32>
      %sub3A_439 = arith.subf %get3A_430, %get3A_434 : vector<16xf32>
      %div3A_440 = arith.divf %sub3A_439, %select_n3A_438 : vector<16xf32>
      %abs3A_441 = math.absf %div3A_440 : vector<16xf32>
      %add3A_442 = arith.addf %add3A_348, %abs3A_441 : vector<16xf32>
      %jit3A_443 = arith.constant 1 : i32
      %jit3A_444 = arith.constant 0 : i32
      %broadcast_in_dim3A_445 = vector.broadcast %jit3A_443 : i32 to vector<16xi32>
      %broadcast_in_dim3A_446 = vector.broadcast %jit3A_444 : i32 to vector<16xi32>
      %select_n3A_447 = arith.select %gt3A_435, %broadcast_in_dim3A_445, %broadcast_in_dim3A_446 : vector<16xi1>, vector<16xi32>
      %add3A_448 = arith.addi %add3A_354, %select_n3A_447 : vector<16xi32>
      %get3A_449 = arith.index_cast %add3A_404 : i32 to index
      %get3A_450 = arith.constant 32 : index
      %get3A_451 = tpu.vector_load %arg7[%get3A_449, %get3A_450] {strides = array<i32>} : memref<200x128xf32, #tpu.memory_space<vmem>>, vector<1x16xf32>,
      %get3A_452 = vector.shape_cast %get3A_451 : vector<1x16xf32> to vector<16xf32>
      %get3A_453 = arith.index_cast %add3A_404 : i32 to index
      %get3A_454 = arith.constant 32 : index
      %get3A_455 = tpu.vector_load %arg6[%get3A_453, %get3A_454] {strides = array<i32>} : memref<200x128xf32, #tpu.memory_space<vmem>>, vector<1x16xf32>,
      %get3A_456 = vector.shape_cast %get3A_455 : vector<1x16xf32> to vector<16xf32>
      %gt3A_457 = arith.cmpf ogt, %get3A_452, %get3A_83 : vector<16xf32>
      %jit3A_458 = arith.constant 0x7F800000 : f32
      %broadcast_in_dim3A_459 = vector.broadcast %jit3A_458 : f32 to vector<16xf32>
      %select_n3A_460 = arith.select %gt3A_457, %get3A_452, %broadcast_in_dim3A_459 : vector<16xi1>, vector<16xf32>
      %sub3A_461 = arith.subf %get3A_452, %get3A_456 : vector<16xf32>
      %div3A_462 = arith.divf %sub3A_461, %select_n3A_460 : vector<16xf32>
      %abs3A_463 = math.absf %div3A_462 : vector<16xf32>
      %add3A_464 = arith.addf %add3A_370, %abs3A_463 : vector<16xf32>
      %jit3A_465 = arith.constant 1 : i32
      %jit3A_466 = arith.constant 0 : i32
      %broadcast_in_dim3A_467 = vector.broadcast %jit3A_465 : i32 to vector<16xi32>
      %broadcast_in_dim3A_468 = vector.broadcast %jit3A_466 : i32 to vector<16xi32>
      %select_n3A_469 = arith.select %gt3A_457, %broadcast_in_dim3A_467, %broadcast_in_dim3A_468 : vector<16xi1>, vector<16xi32>
      %add3A_470 = arith.addi %add3A_376, %select_n3A_469 : vector<16xi32>
      %get3A_471 = arith.index_cast %add3A_404 : i32 to index
      %get3A_472 = arith.constant 48 : index
      %get3A_473 = tpu.vector_load %arg7[%get3A_471, %get3A_472] {strides = array<i32>} : memref<200x128xf32, #tpu.memory_space<vmem>>, vector<1x16xf32>,
      %get3A_474 = vector.shape_cast %get3A_473 : vector<1x16xf32> to vector<16xf32>
      %get3A_475 = arith.index_cast %add3A_404 : i32 to index
      %get3A_476 = arith.constant 48 : index
      %get3A_477 = tpu.vector_load %arg6[%get3A_475, %get3A_476] {strides = array<i32>} : memref<200x128xf32, #tpu.memory_space<vmem>>, vector<1x16xf32>,
      %get3A_478 = vector.shape_cast %get3A_477 : vector<1x16xf32> to vector<16xf32>
      %gt3A_479 = arith.cmpf ogt, %get3A_474, %get3A_83 : vector<16xf32>
      %jit3A_480 = arith.constant 0x7F800000 : f32
      %broadcast_in_dim3A_481 = vector.broadcast %jit3A_480 : f32 to vector<16xf32>
      %select_n3A_482 = arith.select %gt3A_479, %get3A_474, %broadcast_in_dim3A_481 : vector<16xi1>, vector<16xf32>
      %sub3A_483 = arith.subf %get3A_474, %get3A_478 : vector<16xf32>
      %div3A_484 = arith.divf %sub3A_483, %select_n3A_482 : vector<16xf32>
      %abs3A_485 = math.absf %div3A_484 : vector<16xf32>
      %add3A_486 = arith.addf %add3A_392, %abs3A_485 : vector<16xf32>
      %jit3A_487 = arith.constant 1 : i32
      %jit3A_488 = arith.constant 0 : i32
      %broadcast_in_dim3A_489 = vector.broadcast %jit3A_487 : i32 to vector<16xi32>
      %broadcast_in_dim3A_490 = vector.broadcast %jit3A_488 : i32 to vector<16xi32>
      %select_n3A_491 = arith.select %gt3A_479, %broadcast_in_dim3A_489, %broadcast_in_dim3A_490 : vector<16xi1>, vector<16xi32>
      %add3A_492 = arith.addi %add3A_398, %select_n3A_491 : vector<16xi32>
      %get3A_493 = arith.index_cast %add3A_404 : i32 to index
      %get3A_494 = arith.constant 64 : index
      %get3A_495 = tpu.vector_load %arg7[%get3A_493, %get3A_494] {strides = array<i32>} : memref<200x128xf32, #tpu.memory_space<vmem>>, vector<1x16xf32>,
      %get3A_496 = vector.shape_cast %get3A_495 : vector<1x16xf32> to vector<16xf32>
      %get3A_497 = arith.index_cast %add3A_404 : i32 to index
      %get3A_498 = arith.constant 64 : index
      %get3A_499 = tpu.vector_load %arg6[%get3A_497, %get3A_498] {strides = array<i32>} : memref<200x128xf32, #tpu.memory_space<vmem>>, vector<1x16xf32>,
      %get3A_500 = vector.shape_cast %get3A_499 : vector<1x16xf32> to vector<16xf32>
      %gt3A_501 = arith.cmpf ogt, %get3A_496, %get3A_83 : vector<16xf32>
      %jit3A_502 = arith.constant 0x7F800000 : f32
      %broadcast_in_dim3A_503 = vector.broadcast %jit3A_502 : f32 to vector<16xf32>
      %select_n3A_504 = arith.select %gt3A_501, %get3A_496, %broadcast_in_dim3A_503 : vector<16xi1>, vector<16xf32>
      %sub3A_505 = arith.subf %get3A_496, %get3A_500 : vector<16xf32>
      %div3A_506 = arith.divf %sub3A_505, %select_n3A_504 : vector<16xf32>
      %abs3A_507 = math.absf %div3A_506 : vector<16xf32>
      %add3A_508 = arith.addf %add3A_420, %abs3A_507 : vector<16xf32>
      %jit3A_509 = arith.constant 1 : i32
      %jit3A_510 = arith.constant 0 : i32
      %broadcast_in_dim3A_511 = vector.broadcast %jit3A_509 : i32 to vector<16xi32>
      %broadcast_in_dim3A_512 = vector.broadcast %jit3A_510 : i32 to vector<16xi32>
      %select_n3A_513 = arith.select %gt3A_501, %broadcast_in_dim3A_511, %broadcast_in_dim3A_512 : vector<16xi1>, vector<16xi32>
      %add3A_514 = arith.addi %add3A_426, %select_n3A_513 : vector<16xi32>
      %get3A_515 = arith.index_cast %add3A_404 : i32 to index
      %get3A_516 = arith.constant 80 : index
      %get3A_517 = tpu.vector_load %arg7[%get3A_515, %get3A_516] {strides = array<i32>} : memref<200x128xf32, #tpu.memory_space<vmem>>, vector<1x16xf32>,
      %get3A_518 = vector.shape_cast %get3A_517 : vector<1x16xf32> to vector<16xf32>
      %get3A_519 = arith.index_cast %add3A_404 : i32 to index
      %get3A_520 = arith.constant 80 : index
      %get3A_521 = tpu.vector_load %arg6[%get3A_519, %get3A_520] {strides = array<i32>} : memref<200x128xf32, #tpu.memory_space<vmem>>, vector<1x16xf32>,
      %get3A_522 = vector.shape_cast %get3A_521 : vector<1x16xf32> to vector<16xf32>
      %gt3A_523 = arith.cmpf ogt, %get3A_518, %get3A_83 : vector<16xf32>
      %jit3A_524 = arith.constant 0x7F800000 : f32
      %broadcast_in_dim3A_525 = vector.broadcast %jit3A_524 : f32 to vector<16xf32>
      %select_n3A_526 = arith.select %gt3A_523, %get3A_518, %broadcast_in_dim3A_525 : vector<16xi1>, vector<16xf32>
      %sub3A_527 = arith.subf %get3A_518, %get3A_522 : vector<16xf32>
      %div3A_528 = arith.divf %sub3A_527, %select_n3A_526 : vector<16xf32>
      %abs3A_529 = math.absf %div3A_528 : vector<16xf32>
      %add3A_530 = arith.addf %add3A_442, %abs3A_529 : vector<16xf32>
      %jit3A_531 = arith.constant 1 : i32
      %jit3A_532 = arith.constant 0 : i32
      %broadcast_in_dim3A_533 = vector.broadcast %jit3A_531 : i32 to vector<16xi32>
      %broadcast_in_dim3A_534 = vector.broadcast %jit3A_532 : i32 to vector<16xi32>
      %select_n3A_535 = arith.select %gt3A_523, %broadcast_in_dim3A_533, %broadcast_in_dim3A_534 : vector<16xi1>, vector<16xi32>
      %add3A_536 = arith.addi %add3A_448, %select_n3A_535 : vector<16xi32>
      %get3A_537 = arith.index_cast %add3A_404 : i32 to index
      %get3A_538 = arith.constant 96 : index
      %get3A_539 = tpu.vector_load %arg7[%get3A_537, %get3A_538] {strides = array<i32>} : memref<200x128xf32, #tpu.memory_space<vmem>>, vector<1x16xf32>,
      %get3A_540 = vector.shape_cast %get3A_539 : vector<1x16xf32> to vector<16xf32>
      %get3A_541 = arith.index_cast %add3A_404 : i32 to index
      %get3A_542 = arith.constant 96 : index
      %get3A_543 = tpu.vector_load %arg6[%get3A_541, %get3A_542] {strides = array<i32>} : memref<200x128xf32, #tpu.memory_space<vmem>>, vector<1x16xf32>,
      %get3A_544 = vector.shape_cast %get3A_543 : vector<1x16xf32> to vector<16xf32>
      %gt3A_545 = arith.cmpf ogt, %get3A_540, %get3A_83 : vector<16xf32>
      %jit3A_546 = arith.constant 0x7F800000 : f32
      %broadcast_in_dim3A_547 = vector.broadcast %jit3A_546 : f32 to vector<16xf32>
      %select_n3A_548 = arith.select %gt3A_545, %get3A_540, %broadcast_in_dim3A_547 : vector<16xi1>, vector<16xf32>
      %sub3A_549 = arith.subf %get3A_540, %get3A_544 : vector<16xf32>
      %div3A_550 = arith.divf %sub3A_549, %select_n3A_548 : vector<16xf32>
      %abs3A_551 = math.absf %div3A_550 : vector<16xf32>
      %add3A_552 = arith.addf %add3A_464, %abs3A_551 : vector<16xf32>
      %jit3A_553 = arith.constant 1 : i32
      %jit3A_554 = arith.constant 0 : i32
      %broadcast_in_dim3A_555 = vector.broadcast %jit3A_553 : i32 to vector<16xi32>
      %broadcast_in_dim3A_556 = vector.broadcast %jit3A_554 : i32 to vector<16xi32>
      %select_n3A_557 = arith.select %gt3A_545, %broadcast_in_dim3A_555, %broadcast_in_dim3A_556 : vector<16xi1>, vector<16xi32>
      %add3A_558 = arith.addi %add3A_470, %select_n3A_557 : vector<16xi32>
      %get3A_559 = arith.index_cast %add3A_404 : i32 to index
      %get3A_560 = arith.constant 112 : index
      %get3A_561 = tpu.vector_load %arg7[%get3A_559, %get3A_560] {strides = array<i32>} : memref<200x128xf32, #tpu.memory_space<vmem>>, vector<1x16xf32>,
      %get3A_562 = vector.shape_cast %get3A_561 : vector<1x16xf32> to vector<16xf32>
      %get3A_563 = arith.index_cast %add3A_404 : i32 to index
      %get3A_564 = arith.constant 112 : index
      %get3A_565 = tpu.vector_load %arg6[%get3A_563, %get3A_564] {strides = array<i32>} : memref<200x128xf32, #tpu.memory_space<vmem>>, vector<1x16xf32>,
      %get3A_566 = vector.shape_cast %get3A_565 : vector<1x16xf32> to vector<16xf32>
      %gt3A_567 = arith.cmpf ogt, %get3A_562, %get3A_83 : vector<16xf32>
      %jit3A_568 = arith.constant 0x7F800000 : f32
      %broadcast_in_dim3A_569 = vector.broadcast %jit3A_568 : f32 to vector<16xf32>
      %select_n3A_570 = arith.select %gt3A_567, %get3A_562, %broadcast_in_dim3A_569 : vector<16xi1>, vector<16xf32>
      %sub3A_571 = arith.subf %get3A_562, %get3A_566 : vector<16xf32>
      %div3A_572 = arith.divf %sub3A_571, %select_n3A_570 : vector<16xf32>
      %abs3A_573 = math.absf %div3A_572 : vector<16xf32>
      %add3A_574 = arith.addf %add3A_486, %abs3A_573 : vector<16xf32>
      %jit3A_575 = arith.constant 1 : i32
      %jit3A_576 = arith.constant 0 : i32
      %broadcast_in_dim3A_577 = vector.broadcast %jit3A_575 : i32 to vector<16xi32>
      %broadcast_in_dim3A_578 = vector.broadcast %jit3A_576 : i32 to vector<16xi32>
      %select_n3A_579 = arith.select %gt3A_567, %broadcast_in_dim3A_577, %broadcast_in_dim3A_578 : vector<16xi1>, vector<16xi32>
      %add3A_580 = arith.addi %add3A_492, %select_n3A_579 : vector<16xi32>
      scf.yield %add3A_508, %add3A_530, %add3A_552, %add3A_574, %add3A_514, %add3A_536, %add3A_558, %add3A_580 : vector<16xf32>, vector<16xf32>, vector<16xf32>, vector<16xf32>, vector<16xi32>, vector<16xi32>, vector<16xi32>, vector<16xi32>
    }
    %scan3A_148 = arith.constant 24 : i32
    %dma_wait3A_149 = arith.constant 96 : i32
    %dma_wait3A_150 = arith.constant 0 : i32
    %dma_wait3A_151 = tpu.memref_slice %arg6[%dma_wait3A_149, %dma_wait3A_150] : memref<200x128xf32, #tpu.memory_space<vmem>> -> memref<48x128xf32, #tpu.memory_space<vmem>>
    %dma_wait3A_152 = arith.constant 96 : i32
    %dma_wait3A_153 = tpu.memref_slice %arg2[%dma_wait3A_152, %mul3A_2] : memref<200x16384xf32, #tpu.memory_space<hbm>> -> memref<48x128xf32, #tpu.memory_space<hbm>>
    %dma_wait3A_154 = arith.constant 96 : i32
    %dma_wait3A_155 = arith.constant 0 : i32
    %dma_wait3A_156 = tpu.memref_slice %arg6[%dma_wait3A_154, %dma_wait3A_155] : memref<200x128xf32, #tpu.memory_space<vmem>> -> memref<48x128xf32, #tpu.memory_space<vmem>>
    %dma_wait3A_157 = arith.constant 96 : i32
    %dma_wait3A_158 = tpu.memref_slice %arg2[%dma_wait3A_157, %mul3A_2] : memref<200x16384xf32, #tpu.memory_space<hbm>> -> memref<48x128xf32, #tpu.memory_space<hbm>>
    tpu.wait_dma2 semaphore(%arg12 : memref<!tpu.dma_semaphore, #tpu.memory_space<semaphore_mem>>) src(%dma_wait3A_158 : memref<48x128xf32, #tpu.memory_space<hbm>>) dst(%dma_wait3A_156 : memref<48x128xf32, #tpu.memory_space<vmem>>)
    %dma_wait3A_159 = arith.constant 96 : i32
    %dma_wait3A_160 = arith.constant 0 : i32
    %dma_wait3A_161 = tpu.memref_slice %arg7[%dma_wait3A_159, %dma_wait3A_160] : memref<200x128xf32, #tpu.memory_space<vmem>> -> memref<48x128xf32, #tpu.memory_space<vmem>>
    %dma_wait3A_162 = arith.constant 96 : i32
    %dma_wait3A_163 = tpu.memref_slice %arg3[%dma_wait3A_162, %mul3A_2] : memref<200x16384xf32, #tpu.memory_space<hbm>> -> memref<48x128xf32, #tpu.memory_space<hbm>>
    %dma_wait3A_164 = arith.constant 96 : i32
    %dma_wait3A_165 = arith.constant 0 : i32
    %dma_wait3A_166 = tpu.memref_slice %arg7[%dma_wait3A_164, %dma_wait3A_165] : memref<200x128xf32, #tpu.memory_space<vmem>> -> memref<48x128xf32, #tpu.memory_space<vmem>>
    %dma_wait3A_167 = arith.constant 96 : i32
    %dma_wait3A_168 = tpu.memref_slice %arg3[%dma_wait3A_167, %mul3A_2] : memref<200x16384xf32, #tpu.memory_space<hbm>> -> memref<48x128xf32, #tpu.memory_space<hbm>>
    tpu.wait_dma2 semaphore(%arg12 : memref<!tpu.dma_semaphore, #tpu.memory_space<semaphore_mem>>) src(%dma_wait3A_168 : memref<48x128xf32, #tpu.memory_space<hbm>>) dst(%dma_wait3A_166 : memref<48x128xf32, #tpu.memory_space<vmem>>)
    %scan3A_169 = arith.constant 0 : i32
    %scan3A_170 = arith.constant 24 : i32
    %scan3A_171 = arith.addi %scan3A_169, %scan3A_170 : i32
    %scan3A_172 = arith.constant 1 : i32
    %scan3A_173:8 = scf.for %scan3A_214 = %scan3A_169 to %scan3A_171 step %scan3A_172 iter_args(%scan3A_215 = %scan3A_147#0, %scan3A_216 = %scan3A_147#1, %scan3A_217 = %scan3A_147#2, %scan3A_218 = %scan3A_147#3, %scan3A_219 = %scan3A_147#4, %scan3A_220 = %scan3A_147#5, %scan3A_221 = %scan3A_147#6, %scan3A_222 = %scan3A_147#7) -> (vector<16xf32>, vector<16xf32>, vector<16xf32>, vector<16xf32>, vector<16xi32>, vector<16xi32>, vector<16xi32>, vector<16xi32>)  : i32 {
      %mul3A_223 = arith.constant 2 : i32
      %mul3A_224 = arith.muli %scan3A_214, %mul3A_223 : i32
      %add3A_225 = arith.constant 96 : i32
      %add3A_226 = arith.addi %add3A_225, %mul3A_224 : i32
      %add3A_227 = arith.constant 0 : i32
      %add3A_228 = arith.addi %add3A_226, %add3A_227 : i32
      %get3A_229 = arith.index_cast %add3A_228 : i32 to index
      %get3A_230 = arith.constant 0 : index
      %get3A_231 = tpu.vector_load %arg7[%get3A_229, %get3A_230] {strides = array<i32>} : memref<200x128xf32, #tpu.memory_space<vmem>>, vector<1x16xf32>,
      %get3A_232 = vector.shape_cast %get3A_231 : vector<1x16xf32> to vector<16xf32>
      %get3A_233 = arith.index_cast %add3A_228 : i32 to index
      %get3A_234 = arith.constant 0 : index
      %get3A_235 = tpu.vector_load %arg6[%get3A_233, %get3A_234] {strides = array<i32>} : memref<200x128xf32, #tpu.memory_space<vmem>>, vector<1x16xf32>,
      %get3A_236 = vector.shape_cast %get3A_235 : vector<1x16xf32> to vector<16xf32>
      %gt3A = arith.cmpf ogt, %get3A_232, %get3A_83 : vector<16xf32>
      %jit3A = arith.constant 0x7F800000 : f32
      %broadcast_in_dim3A_237 = vector.broadcast %jit3A : f32 to vector<16xf32>
      %select_n3A = arith.select %gt3A, %get3A_232, %broadcast_in_dim3A_237 : vector<16xi1>, vector<16xf32>
      %sub3A = arith.subf %get3A_232, %get3A_236 : vector<16xf32>
      %div3A = arith.divf %sub3A, %select_n3A : vector<16xf32>
      %abs3A = math.absf %div3A : vector<16xf32>
      %add3A_238 = arith.addf %scan3A_215, %abs3A : vector<16xf32>
      %jit3A_239 = arith.constant 1 : i32
      %jit3A_240 = arith.constant 0 : i32
      %broadcast_in_dim3A_241 = vector.broadcast %jit3A_239 : i32 to vector<16xi32>
      %broadcast_in_dim3A_242 = vector.broadcast %jit3A_240 : i32 to vector<16xi32>
      %select_n3A_243 = arith.select %gt3A, %broadcast_in_dim3A_241, %broadcast_in_dim3A_242 : vector<16xi1>, vector<16xi32>
      %add3A_244 = arith.addi %scan3A_219, %select_n3A_243 : vector<16xi32>
      %get3A_245 = arith.index_cast %add3A_228 : i32 to index
      %get3A_246 = arith.constant 16 : index
      %get3A_247 = tpu.vector_load %arg7[%get3A_245, %get3A_246] {strides = array<i32>} : memref<200x128xf32, #tpu.memory_space<vmem>>, vector<1x16xf32>,
      %get3A_248 = vector.shape_cast %get3A_247 : vector<1x16xf32> to vector<16xf32>
      %get3A_249 = arith.index_cast %add3A_228 : i32 to index
      %get3A_250 = arith.constant 16 : index
      %get3A_251 = tpu.vector_load %arg6[%get3A_249, %get3A_250] {strides = array<i32>} : memref<200x128xf32, #tpu.memory_space<vmem>>, vector<1x16xf32>,
      %get3A_252 = vector.shape_cast %get3A_251 : vector<1x16xf32> to vector<16xf32>
      %gt3A_253 = arith.cmpf ogt, %get3A_248, %get3A_83 : vector<16xf32>
      %jit3A_254 = arith.constant 0x7F800000 : f32
      %broadcast_in_dim3A_255 = vector.broadcast %jit3A_254 : f32 to vector<16xf32>
      %select_n3A_256 = arith.select %gt3A_253, %get3A_248, %broadcast_in_dim3A_255 : vector<16xi1>, vector<16xf32>
      %sub3A_257 = arith.subf %get3A_248, %get3A_252 : vector<16xf32>
      %div3A_258 = arith.divf %sub3A_257, %select_n3A_256 : vector<16xf32>
      %abs3A_259 = math.absf %div3A_258 : vector<16xf32>
      %add3A_260 = arith.addf %scan3A_216, %abs3A_259 : vector<16xf32>
      %jit3A_261 = arith.constant 1 : i32
      %jit3A_262 = arith.constant 0 : i32
      %broadcast_in_dim3A_263 = vector.broadcast %jit3A_261 : i32 to vector<16xi32>
      %broadcast_in_dim3A_264 = vector.broadcast %jit3A_262 : i32 to vector<16xi32>
      %select_n3A_265 = arith.select %gt3A_253, %broadcast_in_dim3A_263, %broadcast_in_dim3A_264 : vector<16xi1>, vector<16xi32>
      %add3A_266 = arith.addi %scan3A_220, %select_n3A_265 : vector<16xi32>
      %get3A_267 = arith.index_cast %add3A_228 : i32 to index
      %get3A_268 = arith.constant 32 : index
      %get3A_269 = tpu.vector_load %arg7[%get3A_267, %get3A_268] {strides = array<i32>} : memref<200x128xf32, #tpu.memory_space<vmem>>, vector<1x16xf32>,
      %get3A_270 = vector.shape_cast %get3A_269 : vector<1x16xf32> to vector<16xf32>
      %get3A_271 = arith.index_cast %add3A_228 : i32 to index
      %get3A_272 = arith.constant 32 : index
      %get3A_273 = tpu.vector_load %arg6[%get3A_271, %get3A_272] {strides = array<i32>} : memref<200x128xf32, #tpu.memory_space<vmem>>, vector<1x16xf32>,
      %get3A_274 = vector.shape_cast %get3A_273 : vector<1x16xf32> to vector<16xf32>
      %gt3A_275 = arith.cmpf ogt, %get3A_270, %get3A_83 : vector<16xf32>
      %jit3A_276 = arith.constant 0x7F800000 : f32
      %broadcast_in_dim3A_277 = vector.broadcast %jit3A_276 : f32 to vector<16xf32>
      %select_n3A_278 = arith.select %gt3A_275, %get3A_270, %broadcast_in_dim3A_277 : vector<16xi1>, vector<16xf32>
      %sub3A_279 = arith.subf %get3A_270, %get3A_274 : vector<16xf32>
      %div3A_280 = arith.divf %sub3A_279, %select_n3A_278 : vector<16xf32>
      %abs3A_281 = math.absf %div3A_280 : vector<16xf32>
      %add3A_282 = arith.addf %scan3A_217, %abs3A_281 : vector<16xf32>
      %jit3A_283 = arith.constant 1 : i32
      %jit3A_284 = arith.constant 0 : i32
      %broadcast_in_dim3A_285 = vector.broadcast %jit3A_283 : i32 to vector<16xi32>
      %broadcast_in_dim3A_286 = vector.broadcast %jit3A_284 : i32 to vector<16xi32>
      %select_n3A_287 = arith.select %gt3A_275, %broadcast_in_dim3A_285, %broadcast_in_dim3A_286 : vector<16xi1>, vector<16xi32>
      %add3A_288 = arith.addi %scan3A_221, %select_n3A_287 : vector<16xi32>
      %get3A_289 = arith.index_cast %add3A_228 : i32 to index
      %get3A_290 = arith.constant 48 : index
      %get3A_291 = tpu.vector_load %arg7[%get3A_289, %get3A_290] {strides = array<i32>} : memref<200x128xf32, #tpu.memory_space<vmem>>, vector<1x16xf32>,
      %get3A_292 = vector.shape_cast %get3A_291 : vector<1x16xf32> to vector<16xf32>
      %get3A_293 = arith.index_cast %add3A_228 : i32 to index
      %get3A_294 = arith.constant 48 : index
      %get3A_295 = tpu.vector_load %arg6[%get3A_293, %get3A_294] {strides = array<i32>} : memref<200x128xf32, #tpu.memory_space<vmem>>, vector<1x16xf32>,
      %get3A_296 = vector.shape_cast %get3A_295 : vector<1x16xf32> to vector<16xf32>
      %gt3A_297 = arith.cmpf ogt, %get3A_292, %get3A_83 : vector<16xf32>
      %jit3A_298 = arith.constant 0x7F800000 : f32
      %broadcast_in_dim3A_299 = vector.broadcast %jit3A_298 : f32 to vector<16xf32>
      %select_n3A_300 = arith.select %gt3A_297, %get3A_292, %broadcast_in_dim3A_299 : vector<16xi1>, vector<16xf32>
      %sub3A_301 = arith.subf %get3A_292, %get3A_296 : vector<16xf32>
      %div3A_302 = arith.divf %sub3A_301, %select_n3A_300 : vector<16xf32>
      %abs3A_303 = math.absf %div3A_302 : vector<16xf32>
      %add3A_304 = arith.addf %scan3A_218, %abs3A_303 : vector<16xf32>
      %jit3A_305 = arith.constant 1 : i32
      %jit3A_306 = arith.constant 0 : i32
      %broadcast_in_dim3A_307 = vector.broadcast %jit3A_305 : i32 to vector<16xi32>
      %broadcast_in_dim3A_308 = vector.broadcast %jit3A_306 : i32 to vector<16xi32>
      %select_n3A_309 = arith.select %gt3A_297, %broadcast_in_dim3A_307, %broadcast_in_dim3A_308 : vector<16xi1>, vector<16xi32>
      %add3A_310 = arith.addi %scan3A_222, %select_n3A_309 : vector<16xi32>
      %get3A_311 = arith.index_cast %add3A_228 : i32 to index
      %get3A_312 = arith.constant 64 : index
      %get3A_313 = tpu.vector_load %arg7[%get3A_311, %get3A_312] {strides = array<i32>} : memref<200x128xf32, #tpu.memory_space<vmem>>, vector<1x16xf32>,
      %get3A_314 = vector.shape_cast %get3A_313 : vector<1x16xf32> to vector<16xf32>
      %get3A_315 = arith.index_cast %add3A_228 : i32 to index
      %get3A_316 = arith.constant 64 : index
      %get3A_317 = tpu.vector_load %arg6[%get3A_315, %get3A_316] {strides = array<i32>} : memref<200x128xf32, #tpu.memory_space<vmem>>, vector<1x16xf32>,
      %get3A_318 = vector.shape_cast %get3A_317 : vector<1x16xf32> to vector<16xf32>
      %gt3A_319 = arith.cmpf ogt, %get3A_314, %get3A_83 : vector<16xf32>
      %jit3A_320 = arith.constant 0x7F800000 : f32
      %broadcast_in_dim3A_321 = vector.broadcast %jit3A_320 : f32 to vector<16xf32>
      %select_n3A_322 = arith.select %gt3A_319, %get3A_314, %broadcast_in_dim3A_321 : vector<16xi1>, vector<16xf32>
      %sub3A_323 = arith.subf %get3A_314, %get3A_318 : vector<16xf32>
      %div3A_324 = arith.divf %sub3A_323, %select_n3A_322 : vector<16xf32>
      %abs3A_325 = math.absf %div3A_324 : vector<16xf32>
      %add3A_326 = arith.addf %add3A_238, %abs3A_325 : vector<16xf32>
      %jit3A_327 = arith.constant 1 : i32
      %jit3A_328 = arith.constant 0 : i32
      %broadcast_in_dim3A_329 = vector.broadcast %jit3A_327 : i32 to vector<16xi32>
      %broadcast_in_dim3A_330 = vector.broadcast %jit3A_328 : i32 to vector<16xi32>
      %select_n3A_331 = arith.select %gt3A_319, %broadcast_in_dim3A_329, %broadcast_in_dim3A_330 : vector<16xi1>, vector<16xi32>
      %add3A_332 = arith.addi %add3A_244, %select_n3A_331 : vector<16xi32>
      %get3A_333 = arith.index_cast %add3A_228 : i32 to index
      %get3A_334 = arith.constant 80 : index
      %get3A_335 = tpu.vector_load %arg7[%get3A_333, %get3A_334] {strides = array<i32>} : memref<200x128xf32, #tpu.memory_space<vmem>>, vector<1x16xf32>,
      %get3A_336 = vector.shape_cast %get3A_335 : vector<1x16xf32> to vector<16xf32>
      %get3A_337 = arith.index_cast %add3A_228 : i32 to index
      %get3A_338 = arith.constant 80 : index
      %get3A_339 = tpu.vector_load %arg6[%get3A_337, %get3A_338] {strides = array<i32>} : memref<200x128xf32, #tpu.memory_space<vmem>>, vector<1x16xf32>,
      %get3A_340 = vector.shape_cast %get3A_339 : vector<1x16xf32> to vector<16xf32>
      %gt3A_341 = arith.cmpf ogt, %get3A_336, %get3A_83 : vector<16xf32>
      %jit3A_342 = arith.constant 0x7F800000 : f32
      %broadcast_in_dim3A_343 = vector.broadcast %jit3A_342 : f32 to vector<16xf32>
      %select_n3A_344 = arith.select %gt3A_341, %get3A_336, %broadcast_in_dim3A_343 : vector<16xi1>, vector<16xf32>
      %sub3A_345 = arith.subf %get3A_336, %get3A_340 : vector<16xf32>
      %div3A_346 = arith.divf %sub3A_345, %select_n3A_344 : vector<16xf32>
      %abs3A_347 = math.absf %div3A_346 : vector<16xf32>
      %add3A_348 = arith.addf %add3A_260, %abs3A_347 : vector<16xf32>
      %jit3A_349 = arith.constant 1 : i32
      %jit3A_350 = arith.constant 0 : i32
      %broadcast_in_dim3A_351 = vector.broadcast %jit3A_349 : i32 to vector<16xi32>
      %broadcast_in_dim3A_352 = vector.broadcast %jit3A_350 : i32 to vector<16xi32>
      %select_n3A_353 = arith.select %gt3A_341, %broadcast_in_dim3A_351, %broadcast_in_dim3A_352 : vector<16xi1>, vector<16xi32>
      %add3A_354 = arith.addi %add3A_266, %select_n3A_353 : vector<16xi32>
      %get3A_355 = arith.index_cast %add3A_228 : i32 to index
      %get3A_356 = arith.constant 96 : index
      %get3A_357 = tpu.vector_load %arg7[%get3A_355, %get3A_356] {strides = array<i32>} : memref<200x128xf32, #tpu.memory_space<vmem>>, vector<1x16xf32>,
      %get3A_358 = vector.shape_cast %get3A_357 : vector<1x16xf32> to vector<16xf32>
      %get3A_359 = arith.index_cast %add3A_228 : i32 to index
      %get3A_360 = arith.constant 96 : index
      %get3A_361 = tpu.vector_load %arg6[%get3A_359, %get3A_360] {strides = array<i32>} : memref<200x128xf32, #tpu.memory_space<vmem>>, vector<1x16xf32>,
      %get3A_362 = vector.shape_cast %get3A_361 : vector<1x16xf32> to vector<16xf32>
      %gt3A_363 = arith.cmpf ogt, %get3A_358, %get3A_83 : vector<16xf32>
      %jit3A_364 = arith.constant 0x7F800000 : f32
      %broadcast_in_dim3A_365 = vector.broadcast %jit3A_364 : f32 to vector<16xf32>
      %select_n3A_366 = arith.select %gt3A_363, %get3A_358, %broadcast_in_dim3A_365 : vector<16xi1>, vector<16xf32>
      %sub3A_367 = arith.subf %get3A_358, %get3A_362 : vector<16xf32>
      %div3A_368 = arith.divf %sub3A_367, %select_n3A_366 : vector<16xf32>
      %abs3A_369 = math.absf %div3A_368 : vector<16xf32>
      %add3A_370 = arith.addf %add3A_282, %abs3A_369 : vector<16xf32>
      %jit3A_371 = arith.constant 1 : i32
      %jit3A_372 = arith.constant 0 : i32
      %broadcast_in_dim3A_373 = vector.broadcast %jit3A_371 : i32 to vector<16xi32>
      %broadcast_in_dim3A_374 = vector.broadcast %jit3A_372 : i32 to vector<16xi32>
      %select_n3A_375 = arith.select %gt3A_363, %broadcast_in_dim3A_373, %broadcast_in_dim3A_374 : vector<16xi1>, vector<16xi32>
      %add3A_376 = arith.addi %add3A_288, %select_n3A_375 : vector<16xi32>
      %get3A_377 = arith.index_cast %add3A_228 : i32 to index
      %get3A_378 = arith.constant 112 : index
      %get3A_379 = tpu.vector_load %arg7[%get3A_377, %get3A_378] {strides = array<i32>} : memref<200x128xf32, #tpu.memory_space<vmem>>, vector<1x16xf32>,
      %get3A_380 = vector.shape_cast %get3A_379 : vector<1x16xf32> to vector<16xf32>
      %get3A_381 = arith.index_cast %add3A_228 : i32 to index
      %get3A_382 = arith.constant 112 : index
      %get3A_383 = tpu.vector_load %arg6[%get3A_381, %get3A_382] {strides = array<i32>} : memref<200x128xf32, #tpu.memory_space<vmem>>, vector<1x16xf32>,
      %get3A_384 = vector.shape_cast %get3A_383 : vector<1x16xf32> to vector<16xf32>
      %gt3A_385 = arith.cmpf ogt, %get3A_380, %get3A_83 : vector<16xf32>
      %jit3A_386 = arith.constant 0x7F800000 : f32
      %broadcast_in_dim3A_387 = vector.broadcast %jit3A_386 : f32 to vector<16xf32>
      %select_n3A_388 = arith.select %gt3A_385, %get3A_380, %broadcast_in_dim3A_387 : vector<16xi1>, vector<16xf32>
      %sub3A_389 = arith.subf %get3A_380, %get3A_384 : vector<16xf32>
      %div3A_390 = arith.divf %sub3A_389, %select_n3A_388 : vector<16xf32>
      %abs3A_391 = math.absf %div3A_390 : vector<16xf32>
      %add3A_392 = arith.addf %add3A_304, %abs3A_391 : vector<16xf32>
      %jit3A_393 = arith.constant 1 : i32
      %jit3A_394 = arith.constant 0 : i32
      %broadcast_in_dim3A_395 = vector.broadcast %jit3A_393 : i32 to vector<16xi32>
      %broadcast_in_dim3A_396 = vector.broadcast %jit3A_394 : i32 to vector<16xi32>
      %select_n3A_397 = arith.select %gt3A_385, %broadcast_in_dim3A_395, %broadcast_in_dim3A_396 : vector<16xi1>, vector<16xi32>
      %add3A_398 = arith.addi %add3A_310, %select_n3A_397 : vector<16xi32>
      %mul3A_399 = arith.constant 2 : i32
      %mul3A_400 = arith.muli %scan3A_214, %mul3A_399 : i32
      %add3A_401 = arith.constant 96 : i32
      %add3A_402 = arith.addi %add3A_401, %mul3A_400 : i32
      %add3A_403 = arith.constant 1 : i32
      %add3A_404 = arith.addi %add3A_402, %add3A_403 : i32
      %get3A_405 = arith.index_cast %add3A_404 : i32 to index
      %get3A_406 = arith.constant 0 : index
      %get3A_407 = tpu.vector_load %arg7[%get3A_405, %get3A_406] {strides = array<i32>} : memref<200x128xf32, #tpu.memory_space<vmem>>, vector<1x16xf32>,
      %get3A_408 = vector.shape_cast %get3A_407 : vector<1x16xf32> to vector<16xf32>
      %get3A_409 = arith.index_cast %add3A_404 : i32 to index
      %get3A_410 = arith.constant 0 : index
      %get3A_411 = tpu.vector_load %arg6[%get3A_409, %get3A_410] {strides = array<i32>} : memref<200x128xf32, #tpu.memory_space<vmem>>, vector<1x16xf32>,
      %get3A_412 = vector.shape_cast %get3A_411 : vector<1x16xf32> to vector<16xf32>
      %gt3A_413 = arith.cmpf ogt, %get3A_408, %get3A_83 : vector<16xf32>
      %jit3A_414 = arith.constant 0x7F800000 : f32
      %broadcast_in_dim3A_415 = vector.broadcast %jit3A_414 : f32 to vector<16xf32>
      %select_n3A_416 = arith.select %gt3A_413, %get3A_408, %broadcast_in_dim3A_415 : vector<16xi1>, vector<16xf32>
      %sub3A_417 = arith.subf %get3A_408, %get3A_412 : vector<16xf32>
      %div3A_418 = arith.divf %sub3A_417, %select_n3A_416 : vector<16xf32>
      %abs3A_419 = math.absf %div3A_418 : vector<16xf32>
      %add3A_420 = arith.addf %add3A_326, %abs3A_419 : vector<16xf32>
      %jit3A_421 = arith.constant 1 : i32
      %jit3A_422 = arith.constant 0 : i32
      %broadcast_in_dim3A_423 = vector.broadcast %jit3A_421 : i32 to vector<16xi32>
      %broadcast_in_dim3A_424 = vector.broadcast %jit3A_422 : i32 to vector<16xi32>
      %select_n3A_425 = arith.select %gt3A_413, %broadcast_in_dim3A_423, %broadcast_in_dim3A_424 : vector<16xi1>, vector<16xi32>
      %add3A_426 = arith.addi %add3A_332, %select_n3A_425 : vector<16xi32>
      %get3A_427 = arith.index_cast %add3A_404 : i32 to index
      %get3A_428 = arith.constant 16 : index
      %get3A_429 = tpu.vector_load %arg7[%get3A_427, %get3A_428] {strides = array<i32>} : memref<200x128xf32, #tpu.memory_space<vmem>>, vector<1x16xf32>,
      %get3A_430 = vector.shape_cast %get3A_429 : vector<1x16xf32> to vector<16xf32>
      %get3A_431 = arith.index_cast %add3A_404 : i32 to index
      %get3A_432 = arith.constant 16 : index
      %get3A_433 = tpu.vector_load %arg6[%get3A_431, %get3A_432] {strides = array<i32>} : memref<200x128xf32, #tpu.memory_space<vmem>>, vector<1x16xf32>,
      %get3A_434 = vector.shape_cast %get3A_433 : vector<1x16xf32> to vector<16xf32>
      %gt3A_435 = arith.cmpf ogt, %get3A_430, %get3A_83 : vector<16xf32>
      %jit3A_436 = arith.constant 0x7F800000 : f32
      %broadcast_in_dim3A_437 = vector.broadcast %jit3A_436 : f32 to vector<16xf32>
      %select_n3A_438 = arith.select %gt3A_435, %get3A_430, %broadcast_in_dim3A_437 : vector<16xi1>, vector<16xf32>
      %sub3A_439 = arith.subf %get3A_430, %get3A_434 : vector<16xf32>
      %div3A_440 = arith.divf %sub3A_439, %select_n3A_438 : vector<16xf32>
      %abs3A_441 = math.absf %div3A_440 : vector<16xf32>
      %add3A_442 = arith.addf %add3A_348, %abs3A_441 : vector<16xf32>
      %jit3A_443 = arith.constant 1 : i32
      %jit3A_444 = arith.constant 0 : i32
      %broadcast_in_dim3A_445 = vector.broadcast %jit3A_443 : i32 to vector<16xi32>
      %broadcast_in_dim3A_446 = vector.broadcast %jit3A_444 : i32 to vector<16xi32>
      %select_n3A_447 = arith.select %gt3A_435, %broadcast_in_dim3A_445, %broadcast_in_dim3A_446 : vector<16xi1>, vector<16xi32>
      %add3A_448 = arith.addi %add3A_354, %select_n3A_447 : vector<16xi32>
      %get3A_449 = arith.index_cast %add3A_404 : i32 to index
      %get3A_450 = arith.constant 32 : index
      %get3A_451 = tpu.vector_load %arg7[%get3A_449, %get3A_450] {strides = array<i32>} : memref<200x128xf32, #tpu.memory_space<vmem>>, vector<1x16xf32>,
      %get3A_452 = vector.shape_cast %get3A_451 : vector<1x16xf32> to vector<16xf32>
      %get3A_453 = arith.index_cast %add3A_404 : i32 to index
      %get3A_454 = arith.constant 32 : index
      %get3A_455 = tpu.vector_load %arg6[%get3A_453, %get3A_454] {strides = array<i32>} : memref<200x128xf32, #tpu.memory_space<vmem>>, vector<1x16xf32>,
      %get3A_456 = vector.shape_cast %get3A_455 : vector<1x16xf32> to vector<16xf32>
      %gt3A_457 = arith.cmpf ogt, %get3A_452, %get3A_83 : vector<16xf32>
      %jit3A_458 = arith.constant 0x7F800000 : f32
      %broadcast_in_dim3A_459 = vector.broadcast %jit3A_458 : f32 to vector<16xf32>
      %select_n3A_460 = arith.select %gt3A_457, %get3A_452, %broadcast_in_dim3A_459 : vector<16xi1>, vector<16xf32>
      %sub3A_461 = arith.subf %get3A_452, %get3A_456 : vector<16xf32>
      %div3A_462 = arith.divf %sub3A_461, %select_n3A_460 : vector<16xf32>
      %abs3A_463 = math.absf %div3A_462 : vector<16xf32>
      %add3A_464 = arith.addf %add3A_370, %abs3A_463 : vector<16xf32>
      %jit3A_465 = arith.constant 1 : i32
      %jit3A_466 = arith.constant 0 : i32
      %broadcast_in_dim3A_467 = vector.broadcast %jit3A_465 : i32 to vector<16xi32>
      %broadcast_in_dim3A_468 = vector.broadcast %jit3A_466 : i32 to vector<16xi32>
      %select_n3A_469 = arith.select %gt3A_457, %broadcast_in_dim3A_467, %broadcast_in_dim3A_468 : vector<16xi1>, vector<16xi32>
      %add3A_470 = arith.addi %add3A_376, %select_n3A_469 : vector<16xi32>
      %get3A_471 = arith.index_cast %add3A_404 : i32 to index
      %get3A_472 = arith.constant 48 : index
      %get3A_473 = tpu.vector_load %arg7[%get3A_471, %get3A_472] {strides = array<i32>} : memref<200x128xf32, #tpu.memory_space<vmem>>, vector<1x16xf32>,
      %get3A_474 = vector.shape_cast %get3A_473 : vector<1x16xf32> to vector<16xf32>
      %get3A_475 = arith.index_cast %add3A_404 : i32 to index
      %get3A_476 = arith.constant 48 : index
      %get3A_477 = tpu.vector_load %arg6[%get3A_475, %get3A_476] {strides = array<i32>} : memref<200x128xf32, #tpu.memory_space<vmem>>, vector<1x16xf32>,
      %get3A_478 = vector.shape_cast %get3A_477 : vector<1x16xf32> to vector<16xf32>
      %gt3A_479 = arith.cmpf ogt, %get3A_474, %get3A_83 : vector<16xf32>
      %jit3A_480 = arith.constant 0x7F800000 : f32
      %broadcast_in_dim3A_481 = vector.broadcast %jit3A_480 : f32 to vector<16xf32>
      %select_n3A_482 = arith.select %gt3A_479, %get3A_474, %broadcast_in_dim3A_481 : vector<16xi1>, vector<16xf32>
      %sub3A_483 = arith.subf %get3A_474, %get3A_478 : vector<16xf32>
      %div3A_484 = arith.divf %sub3A_483, %select_n3A_482 : vector<16xf32>
      %abs3A_485 = math.absf %div3A_484 : vector<16xf32>
      %add3A_486 = arith.addf %add3A_392, %abs3A_485 : vector<16xf32>
      %jit3A_487 = arith.constant 1 : i32
      %jit3A_488 = arith.constant 0 : i32
      %broadcast_in_dim3A_489 = vector.broadcast %jit3A_487 : i32 to vector<16xi32>
      %broadcast_in_dim3A_490 = vector.broadcast %jit3A_488 : i32 to vector<16xi32>
      %select_n3A_491 = arith.select %gt3A_479, %broadcast_in_dim3A_489, %broadcast_in_dim3A_490 : vector<16xi1>, vector<16xi32>
      %add3A_492 = arith.addi %add3A_398, %select_n3A_491 : vector<16xi32>
      %get3A_493 = arith.index_cast %add3A_404 : i32 to index
      %get3A_494 = arith.constant 64 : index
      %get3A_495 = tpu.vector_load %arg7[%get3A_493, %get3A_494] {strides = array<i32>} : memref<200x128xf32, #tpu.memory_space<vmem>>, vector<1x16xf32>,
      %get3A_496 = vector.shape_cast %get3A_495 : vector<1x16xf32> to vector<16xf32>
      %get3A_497 = arith.index_cast %add3A_404 : i32 to index
      %get3A_498 = arith.constant 64 : index
      %get3A_499 = tpu.vector_load %arg6[%get3A_497, %get3A_498] {strides = array<i32>} : memref<200x128xf32, #tpu.memory_space<vmem>>, vector<1x16xf32>,
      %get3A_500 = vector.shape_cast %get3A_499 : vector<1x16xf32> to vector<16xf32>
      %gt3A_501 = arith.cmpf ogt, %get3A_496, %get3A_83 : vector<16xf32>
      %jit3A_502 = arith.constant 0x7F800000 : f32
      %broadcast_in_dim3A_503 = vector.broadcast %jit3A_502 : f32 to vector<16xf32>
      %select_n3A_504 = arith.select %gt3A_501, %get3A_496, %broadcast_in_dim3A_503 : vector<16xi1>, vector<16xf32>
      %sub3A_505 = arith.subf %get3A_496, %get3A_500 : vector<16xf32>
      %div3A_506 = arith.divf %sub3A_505, %select_n3A_504 : vector<16xf32>
      %abs3A_507 = math.absf %div3A_506 : vector<16xf32>
      %add3A_508 = arith.addf %add3A_420, %abs3A_507 : vector<16xf32>
      %jit3A_509 = arith.constant 1 : i32
      %jit3A_510 = arith.constant 0 : i32
      %broadcast_in_dim3A_511 = vector.broadcast %jit3A_509 : i32 to vector<16xi32>
      %broadcast_in_dim3A_512 = vector.broadcast %jit3A_510 : i32 to vector<16xi32>
      %select_n3A_513 = arith.select %gt3A_501, %broadcast_in_dim3A_511, %broadcast_in_dim3A_512 : vector<16xi1>, vector<16xi32>
      %add3A_514 = arith.addi %add3A_426, %select_n3A_513 : vector<16xi32>
      %get3A_515 = arith.index_cast %add3A_404 : i32 to index
      %get3A_516 = arith.constant 80 : index
      %get3A_517 = tpu.vector_load %arg7[%get3A_515, %get3A_516] {strides = array<i32>} : memref<200x128xf32, #tpu.memory_space<vmem>>, vector<1x16xf32>,
      %get3A_518 = vector.shape_cast %get3A_517 : vector<1x16xf32> to vector<16xf32>
      %get3A_519 = arith.index_cast %add3A_404 : i32 to index
      %get3A_520 = arith.constant 80 : index
      %get3A_521 = tpu.vector_load %arg6[%get3A_519, %get3A_520] {strides = array<i32>} : memref<200x128xf32, #tpu.memory_space<vmem>>, vector<1x16xf32>,
      %get3A_522 = vector.shape_cast %get3A_521 : vector<1x16xf32> to vector<16xf32>
      %gt3A_523 = arith.cmpf ogt, %get3A_518, %get3A_83 : vector<16xf32>
      %jit3A_524 = arith.constant 0x7F800000 : f32
      %broadcast_in_dim3A_525 = vector.broadcast %jit3A_524 : f32 to vector<16xf32>
      %select_n3A_526 = arith.select %gt3A_523, %get3A_518, %broadcast_in_dim3A_525 : vector<16xi1>, vector<16xf32>
      %sub3A_527 = arith.subf %get3A_518, %get3A_522 : vector<16xf32>
      %div3A_528 = arith.divf %sub3A_527, %select_n3A_526 : vector<16xf32>
      %abs3A_529 = math.absf %div3A_528 : vector<16xf32>
      %add3A_530 = arith.addf %add3A_442, %abs3A_529 : vector<16xf32>
      %jit3A_531 = arith.constant 1 : i32
      %jit3A_532 = arith.constant 0 : i32
      %broadcast_in_dim3A_533 = vector.broadcast %jit3A_531 : i32 to vector<16xi32>
      %broadcast_in_dim3A_534 = vector.broadcast %jit3A_532 : i32 to vector<16xi32>
      %select_n3A_535 = arith.select %gt3A_523, %broadcast_in_dim3A_533, %broadcast_in_dim3A_534 : vector<16xi1>, vector<16xi32>
      %add3A_536 = arith.addi %add3A_448, %select_n3A_535 : vector<16xi32>
      %get3A_537 = arith.index_cast %add3A_404 : i32 to index
      %get3A_538 = arith.constant 96 : index
      %get3A_539 = tpu.vector_load %arg7[%get3A_537, %get3A_538] {strides = array<i32>} : memref<200x128xf32, #tpu.memory_space<vmem>>, vector<1x16xf32>,
      %get3A_540 = vector.shape_cast %get3A_539 : vector<1x16xf32> to vector<16xf32>
      %get3A_541 = arith.index_cast %add3A_404 : i32 to index
      %get3A_542 = arith.constant 96 : index
      %get3A_543 = tpu.vector_load %arg6[%get3A_541, %get3A_542] {strides = array<i32>} : memref<200x128xf32, #tpu.memory_space<vmem>>, vector<1x16xf32>,
      %get3A_544 = vector.shape_cast %get3A_543 : vector<1x16xf32> to vector<16xf32>
      %gt3A_545 = arith.cmpf ogt, %get3A_540, %get3A_83 : vector<16xf32>
      %jit3A_546 = arith.constant 0x7F800000 : f32
      %broadcast_in_dim3A_547 = vector.broadcast %jit3A_546 : f32 to vector<16xf32>
      %select_n3A_548 = arith.select %gt3A_545, %get3A_540, %broadcast_in_dim3A_547 : vector<16xi1>, vector<16xf32>
      %sub3A_549 = arith.subf %get3A_540, %get3A_544 : vector<16xf32>
      %div3A_550 = arith.divf %sub3A_549, %select_n3A_548 : vector<16xf32>
      %abs3A_551 = math.absf %div3A_550 : vector<16xf32>
      %add3A_552 = arith.addf %add3A_464, %abs3A_551 : vector<16xf32>
      %jit3A_553 = arith.constant 1 : i32
      %jit3A_554 = arith.constant 0 : i32
      %broadcast_in_dim3A_555 = vector.broadcast %jit3A_553 : i32 to vector<16xi32>
      %broadcast_in_dim3A_556 = vector.broadcast %jit3A_554 : i32 to vector<16xi32>
      %select_n3A_557 = arith.select %gt3A_545, %broadcast_in_dim3A_555, %broadcast_in_dim3A_556 : vector<16xi1>, vector<16xi32>
      %add3A_558 = arith.addi %add3A_470, %select_n3A_557 : vector<16xi32>
      %get3A_559 = arith.index_cast %add3A_404 : i32 to index
      %get3A_560 = arith.constant 112 : index
      %get3A_561 = tpu.vector_load %arg7[%get3A_559, %get3A_560] {strides = array<i32>} : memref<200x128xf32, #tpu.memory_space<vmem>>, vector<1x16xf32>,
      %get3A_562 = vector.shape_cast %get3A_561 : vector<1x16xf32> to vector<16xf32>
      %get3A_563 = arith.index_cast %add3A_404 : i32 to index
      %get3A_564 = arith.constant 112 : index
      %get3A_565 = tpu.vector_load %arg6[%get3A_563, %get3A_564] {strides = array<i32>} : memref<200x128xf32, #tpu.memory_space<vmem>>, vector<1x16xf32>,
      %get3A_566 = vector.shape_cast %get3A_565 : vector<1x16xf32> to vector<16xf32>
      %gt3A_567 = arith.cmpf ogt, %get3A_562, %get3A_83 : vector<16xf32>
      %jit3A_568 = arith.constant 0x7F800000 : f32
      %broadcast_in_dim3A_569 = vector.broadcast %jit3A_568 : f32 to vector<16xf32>
      %select_n3A_570 = arith.select %gt3A_567, %get3A_562, %broadcast_in_dim3A_569 : vector<16xi1>, vector<16xf32>
      %sub3A_571 = arith.subf %get3A_562, %get3A_566 : vector<16xf32>
      %div3A_572 = arith.divf %sub3A_571, %select_n3A_570 : vector<16xf32>
      %abs3A_573 = math.absf %div3A_572 : vector<16xf32>
      %add3A_574 = arith.addf %add3A_486, %abs3A_573 : vector<16xf32>
      %jit3A_575 = arith.constant 1 : i32
      %jit3A_576 = arith.constant 0 : i32
      %broadcast_in_dim3A_577 = vector.broadcast %jit3A_575 : i32 to vector<16xi32>
      %broadcast_in_dim3A_578 = vector.broadcast %jit3A_576 : i32 to vector<16xi32>
      %select_n3A_579 = arith.select %gt3A_567, %broadcast_in_dim3A_577, %broadcast_in_dim3A_578 : vector<16xi1>, vector<16xi32>
      %add3A_580 = arith.addi %add3A_492, %select_n3A_579 : vector<16xi32>
      scf.yield %add3A_508, %add3A_530, %add3A_552, %add3A_574, %add3A_514, %add3A_536, %add3A_558, %add3A_580 : vector<16xf32>, vector<16xf32>, vector<16xf32>, vector<16xf32>, vector<16xi32>, vector<16xi32>, vector<16xi32>, vector<16xi32>
    }
    %scan3A_174 = arith.constant 24 : i32
    %dma_wait3A_175 = arith.constant 144 : i32
    %dma_wait3A_176 = arith.constant 0 : i32
    %dma_wait3A_177 = tpu.memref_slice %arg6[%dma_wait3A_175, %dma_wait3A_176] : memref<200x128xf32, #tpu.memory_space<vmem>> -> memref<56x128xf32, #tpu.memory_space<vmem>>
    %dma_wait3A_178 = arith.constant 144 : i32
    %dma_wait3A_179 = tpu.memref_slice %arg2[%dma_wait3A_178, %mul3A_2] : memref<200x16384xf32, #tpu.memory_space<hbm>> -> memref<56x128xf32, #tpu.memory_space<hbm>>
    %dma_wait3A_180 = arith.constant 144 : i32
    %dma_wait3A_181 = arith.constant 0 : i32
    %dma_wait3A_182 = tpu.memref_slice %arg6[%dma_wait3A_180, %dma_wait3A_181] : memref<200x128xf32, #tpu.memory_space<vmem>> -> memref<56x128xf32, #tpu.memory_space<vmem>>
    %dma_wait3A_183 = arith.constant 144 : i32
    %dma_wait3A_184 = tpu.memref_slice %arg2[%dma_wait3A_183, %mul3A_2] : memref<200x16384xf32, #tpu.memory_space<hbm>> -> memref<56x128xf32, #tpu.memory_space<hbm>>
    tpu.wait_dma2 semaphore(%arg13 : memref<!tpu.dma_semaphore, #tpu.memory_space<semaphore_mem>>) src(%dma_wait3A_184 : memref<56x128xf32, #tpu.memory_space<hbm>>) dst(%dma_wait3A_182 : memref<56x128xf32, #tpu.memory_space<vmem>>)
    %dma_wait3A_185 = arith.constant 144 : i32
    %dma_wait3A_186 = arith.constant 0 : i32
    %dma_wait3A_187 = tpu.memref_slice %arg7[%dma_wait3A_185, %dma_wait3A_186] : memref<200x128xf32, #tpu.memory_space<vmem>> -> memref<56x128xf32, #tpu.memory_space<vmem>>
    %dma_wait3A_188 = arith.constant 144 : i32
    %dma_wait3A_189 = tpu.memref_slice %arg3[%dma_wait3A_188, %mul3A_2] : memref<200x16384xf32, #tpu.memory_space<hbm>> -> memref<56x128xf32, #tpu.memory_space<hbm>>
    %dma_wait3A_190 = arith.constant 144 : i32
    %dma_wait3A_191 = arith.constant 0 : i32
    %dma_wait3A_192 = tpu.memref_slice %arg7[%dma_wait3A_190, %dma_wait3A_191] : memref<200x128xf32, #tpu.memory_space<vmem>> -> memref<56x128xf32, #tpu.memory_space<vmem>>
    %dma_wait3A_193 = arith.constant 144 : i32
    %dma_wait3A_194 = tpu.memref_slice %arg3[%dma_wait3A_193, %mul3A_2] : memref<200x16384xf32, #tpu.memory_space<hbm>> -> memref<56x128xf32, #tpu.memory_space<hbm>>
    tpu.wait_dma2 semaphore(%arg13 : memref<!tpu.dma_semaphore, #tpu.memory_space<semaphore_mem>>) src(%dma_wait3A_194 : memref<56x128xf32, #tpu.memory_space<hbm>>) dst(%dma_wait3A_192 : memref<56x128xf32, #tpu.memory_space<vmem>>)
    %scan3A_195 = arith.constant 0 : i32
    %scan3A_196 = arith.constant 28 : i32
    %scan3A_197 = arith.addi %scan3A_195, %scan3A_196 : i32
    %scan3A_198 = arith.constant 1 : i32
    %scan3A_199:8 = scf.for %scan3A_214 = %scan3A_195 to %scan3A_197 step %scan3A_198 iter_args(%scan3A_215 = %scan3A_173#0, %scan3A_216 = %scan3A_173#1, %scan3A_217 = %scan3A_173#2, %scan3A_218 = %scan3A_173#3, %scan3A_219 = %scan3A_173#4, %scan3A_220 = %scan3A_173#5, %scan3A_221 = %scan3A_173#6, %scan3A_222 = %scan3A_173#7) -> (vector<16xf32>, vector<16xf32>, vector<16xf32>, vector<16xf32>, vector<16xi32>, vector<16xi32>, vector<16xi32>, vector<16xi32>)  : i32 {
      %mul3A_223 = arith.constant 2 : i32
      %mul3A_224 = arith.muli %scan3A_214, %mul3A_223 : i32
      %add3A_225 = arith.constant 144 : i32
      %add3A_226 = arith.addi %add3A_225, %mul3A_224 : i32
      %add3A_227 = arith.constant 0 : i32
      %add3A_228 = arith.addi %add3A_226, %add3A_227 : i32
      %get3A_229 = arith.index_cast %add3A_228 : i32 to index
      %get3A_230 = arith.constant 0 : index
      %get3A_231 = tpu.vector_load %arg7[%get3A_229, %get3A_230] {strides = array<i32>} : memref<200x128xf32, #tpu.memory_space<vmem>>, vector<1x16xf32>,
      %get3A_232 = vector.shape_cast %get3A_231 : vector<1x16xf32> to vector<16xf32>
      %get3A_233 = arith.index_cast %add3A_228 : i32 to index
      %get3A_234 = arith.constant 0 : index
      %get3A_235 = tpu.vector_load %arg6[%get3A_233, %get3A_234] {strides = array<i32>} : memref<200x128xf32, #tpu.memory_space<vmem>>, vector<1x16xf32>,
      %get3A_236 = vector.shape_cast %get3A_235 : vector<1x16xf32> to vector<16xf32>
      %gt3A = arith.cmpf ogt, %get3A_232, %get3A_83 : vector<16xf32>
      %jit3A = arith.constant 0x7F800000 : f32
      %broadcast_in_dim3A_237 = vector.broadcast %jit3A : f32 to vector<16xf32>
      %select_n3A = arith.select %gt3A, %get3A_232, %broadcast_in_dim3A_237 : vector<16xi1>, vector<16xf32>
      %sub3A = arith.subf %get3A_232, %get3A_236 : vector<16xf32>
      %div3A = arith.divf %sub3A, %select_n3A : vector<16xf32>
      %abs3A = math.absf %div3A : vector<16xf32>
      %add3A_238 = arith.addf %scan3A_215, %abs3A : vector<16xf32>
      %jit3A_239 = arith.constant 1 : i32
      %jit3A_240 = arith.constant 0 : i32
      %broadcast_in_dim3A_241 = vector.broadcast %jit3A_239 : i32 to vector<16xi32>
      %broadcast_in_dim3A_242 = vector.broadcast %jit3A_240 : i32 to vector<16xi32>
      %select_n3A_243 = arith.select %gt3A, %broadcast_in_dim3A_241, %broadcast_in_dim3A_242 : vector<16xi1>, vector<16xi32>
      %add3A_244 = arith.addi %scan3A_219, %select_n3A_243 : vector<16xi32>
      %get3A_245 = arith.index_cast %add3A_228 : i32 to index
      %get3A_246 = arith.constant 16 : index
      %get3A_247 = tpu.vector_load %arg7[%get3A_245, %get3A_246] {strides = array<i32>} : memref<200x128xf32, #tpu.memory_space<vmem>>, vector<1x16xf32>,
      %get3A_248 = vector.shape_cast %get3A_247 : vector<1x16xf32> to vector<16xf32>
      %get3A_249 = arith.index_cast %add3A_228 : i32 to index
      %get3A_250 = arith.constant 16 : index
      %get3A_251 = tpu.vector_load %arg6[%get3A_249, %get3A_250] {strides = array<i32>} : memref<200x128xf32, #tpu.memory_space<vmem>>, vector<1x16xf32>,
      %get3A_252 = vector.shape_cast %get3A_251 : vector<1x16xf32> to vector<16xf32>
      %gt3A_253 = arith.cmpf ogt, %get3A_248, %get3A_83 : vector<16xf32>
      %jit3A_254 = arith.constant 0x7F800000 : f32
      %broadcast_in_dim3A_255 = vector.broadcast %jit3A_254 : f32 to vector<16xf32>
      %select_n3A_256 = arith.select %gt3A_253, %get3A_248, %broadcast_in_dim3A_255 : vector<16xi1>, vector<16xf32>
      %sub3A_257 = arith.subf %get3A_248, %get3A_252 : vector<16xf32>
      %div3A_258 = arith.divf %sub3A_257, %select_n3A_256 : vector<16xf32>
      %abs3A_259 = math.absf %div3A_258 : vector<16xf32>
      %add3A_260 = arith.addf %scan3A_216, %abs3A_259 : vector<16xf32>
      %jit3A_261 = arith.constant 1 : i32
      %jit3A_262 = arith.constant 0 : i32
      %broadcast_in_dim3A_263 = vector.broadcast %jit3A_261 : i32 to vector<16xi32>
      %broadcast_in_dim3A_264 = vector.broadcast %jit3A_262 : i32 to vector<16xi32>
      %select_n3A_265 = arith.select %gt3A_253, %broadcast_in_dim3A_263, %broadcast_in_dim3A_264 : vector<16xi1>, vector<16xi32>
      %add3A_266 = arith.addi %scan3A_220, %select_n3A_265 : vector<16xi32>
      %get3A_267 = arith.index_cast %add3A_228 : i32 to index
      %get3A_268 = arith.constant 32 : index
      %get3A_269 = tpu.vector_load %arg7[%get3A_267, %get3A_268] {strides = array<i32>} : memref<200x128xf32, #tpu.memory_space<vmem>>, vector<1x16xf32>,
      %get3A_270 = vector.shape_cast %get3A_269 : vector<1x16xf32> to vector<16xf32>
      %get3A_271 = arith.index_cast %add3A_228 : i32 to index
      %get3A_272 = arith.constant 32 : index
      %get3A_273 = tpu.vector_load %arg6[%get3A_271, %get3A_272] {strides = array<i32>} : memref<200x128xf32, #tpu.memory_space<vmem>>, vector<1x16xf32>,
      %get3A_274 = vector.shape_cast %get3A_273 : vector<1x16xf32> to vector<16xf32>
      %gt3A_275 = arith.cmpf ogt, %get3A_270, %get3A_83 : vector<16xf32>
      %jit3A_276 = arith.constant 0x7F800000 : f32
      %broadcast_in_dim3A_277 = vector.broadcast %jit3A_276 : f32 to vector<16xf32>
      %select_n3A_278 = arith.select %gt3A_275, %get3A_270, %broadcast_in_dim3A_277 : vector<16xi1>, vector<16xf32>
      %sub3A_279 = arith.subf %get3A_270, %get3A_274 : vector<16xf32>
      %div3A_280 = arith.divf %sub3A_279, %select_n3A_278 : vector<16xf32>
      %abs3A_281 = math.absf %div3A_280 : vector<16xf32>
      %add3A_282 = arith.addf %scan3A_217, %abs3A_281 : vector<16xf32>
      %jit3A_283 = arith.constant 1 : i32
      %jit3A_284 = arith.constant 0 : i32
      %broadcast_in_dim3A_285 = vector.broadcast %jit3A_283 : i32 to vector<16xi32>
      %broadcast_in_dim3A_286 = vector.broadcast %jit3A_284 : i32 to vector<16xi32>
      %select_n3A_287 = arith.select %gt3A_275, %broadcast_in_dim3A_285, %broadcast_in_dim3A_286 : vector<16xi1>, vector<16xi32>
      %add3A_288 = arith.addi %scan3A_221, %select_n3A_287 : vector<16xi32>
      %get3A_289 = arith.index_cast %add3A_228 : i32 to index
      %get3A_290 = arith.constant 48 : index
      %get3A_291 = tpu.vector_load %arg7[%get3A_289, %get3A_290] {strides = array<i32>} : memref<200x128xf32, #tpu.memory_space<vmem>>, vector<1x16xf32>,
      %get3A_292 = vector.shape_cast %get3A_291 : vector<1x16xf32> to vector<16xf32>
      %get3A_293 = arith.index_cast %add3A_228 : i32 to index
      %get3A_294 = arith.constant 48 : index
      %get3A_295 = tpu.vector_load %arg6[%get3A_293, %get3A_294] {strides = array<i32>} : memref<200x128xf32, #tpu.memory_space<vmem>>, vector<1x16xf32>,
      %get3A_296 = vector.shape_cast %get3A_295 : vector<1x16xf32> to vector<16xf32>
      %gt3A_297 = arith.cmpf ogt, %get3A_292, %get3A_83 : vector<16xf32>
      %jit3A_298 = arith.constant 0x7F800000 : f32
      %broadcast_in_dim3A_299 = vector.broadcast %jit3A_298 : f32 to vector<16xf32>
      %select_n3A_300 = arith.select %gt3A_297, %get3A_292, %broadcast_in_dim3A_299 : vector<16xi1>, vector<16xf32>
      %sub3A_301 = arith.subf %get3A_292, %get3A_296 : vector<16xf32>
      %div3A_302 = arith.divf %sub3A_301, %select_n3A_300 : vector<16xf32>
      %abs3A_303 = math.absf %div3A_302 : vector<16xf32>
      %add3A_304 = arith.addf %scan3A_218, %abs3A_303 : vector<16xf32>
      %jit3A_305 = arith.constant 1 : i32
      %jit3A_306 = arith.constant 0 : i32
      %broadcast_in_dim3A_307 = vector.broadcast %jit3A_305 : i32 to vector<16xi32>
      %broadcast_in_dim3A_308 = vector.broadcast %jit3A_306 : i32 to vector<16xi32>
      %select_n3A_309 = arith.select %gt3A_297, %broadcast_in_dim3A_307, %broadcast_in_dim3A_308 : vector<16xi1>, vector<16xi32>
      %add3A_310 = arith.addi %scan3A_222, %select_n3A_309 : vector<16xi32>
      %get3A_311 = arith.index_cast %add3A_228 : i32 to index
      %get3A_312 = arith.constant 64 : index
      %get3A_313 = tpu.vector_load %arg7[%get3A_311, %get3A_312] {strides = array<i32>} : memref<200x128xf32, #tpu.memory_space<vmem>>, vector<1x16xf32>,
      %get3A_314 = vector.shape_cast %get3A_313 : vector<1x16xf32> to vector<16xf32>
      %get3A_315 = arith.index_cast %add3A_228 : i32 to index
      %get3A_316 = arith.constant 64 : index
      %get3A_317 = tpu.vector_load %arg6[%get3A_315, %get3A_316] {strides = array<i32>} : memref<200x128xf32, #tpu.memory_space<vmem>>, vector<1x16xf32>,
      %get3A_318 = vector.shape_cast %get3A_317 : vector<1x16xf32> to vector<16xf32>
      %gt3A_319 = arith.cmpf ogt, %get3A_314, %get3A_83 : vector<16xf32>
      %jit3A_320 = arith.constant 0x7F800000 : f32
      %broadcast_in_dim3A_321 = vector.broadcast %jit3A_320 : f32 to vector<16xf32>
      %select_n3A_322 = arith.select %gt3A_319, %get3A_314, %broadcast_in_dim3A_321 : vector<16xi1>, vector<16xf32>
      %sub3A_323 = arith.subf %get3A_314, %get3A_318 : vector<16xf32>
      %div3A_324 = arith.divf %sub3A_323, %select_n3A_322 : vector<16xf32>
      %abs3A_325 = math.absf %div3A_324 : vector<16xf32>
      %add3A_326 = arith.addf %add3A_238, %abs3A_325 : vector<16xf32>
      %jit3A_327 = arith.constant 1 : i32
      %jit3A_328 = arith.constant 0 : i32
      %broadcast_in_dim3A_329 = vector.broadcast %jit3A_327 : i32 to vector<16xi32>
      %broadcast_in_dim3A_330 = vector.broadcast %jit3A_328 : i32 to vector<16xi32>
      %select_n3A_331 = arith.select %gt3A_319, %broadcast_in_dim3A_329, %broadcast_in_dim3A_330 : vector<16xi1>, vector<16xi32>
      %add3A_332 = arith.addi %add3A_244, %select_n3A_331 : vector<16xi32>
      %get3A_333 = arith.index_cast %add3A_228 : i32 to index
      %get3A_334 = arith.constant 80 : index
      %get3A_335 = tpu.vector_load %arg7[%get3A_333, %get3A_334] {strides = array<i32>} : memref<200x128xf32, #tpu.memory_space<vmem>>, vector<1x16xf32>,
      %get3A_336 = vector.shape_cast %get3A_335 : vector<1x16xf32> to vector<16xf32>
      %get3A_337 = arith.index_cast %add3A_228 : i32 to index
      %get3A_338 = arith.constant 80 : index
      %get3A_339 = tpu.vector_load %arg6[%get3A_337, %get3A_338] {strides = array<i32>} : memref<200x128xf32, #tpu.memory_space<vmem>>, vector<1x16xf32>,
      %get3A_340 = vector.shape_cast %get3A_339 : vector<1x16xf32> to vector<16xf32>
      %gt3A_341 = arith.cmpf ogt, %get3A_336, %get3A_83 : vector<16xf32>
      %jit3A_342 = arith.constant 0x7F800000 : f32
      %broadcast_in_dim3A_343 = vector.broadcast %jit3A_342 : f32 to vector<16xf32>
      %select_n3A_344 = arith.select %gt3A_341, %get3A_336, %broadcast_in_dim3A_343 : vector<16xi1>, vector<16xf32>
      %sub3A_345 = arith.subf %get3A_336, %get3A_340 : vector<16xf32>
      %div3A_346 = arith.divf %sub3A_345, %select_n3A_344 : vector<16xf32>
      %abs3A_347 = math.absf %div3A_346 : vector<16xf32>
      %add3A_348 = arith.addf %add3A_260, %abs3A_347 : vector<16xf32>
      %jit3A_349 = arith.constant 1 : i32
      %jit3A_350 = arith.constant 0 : i32
      %broadcast_in_dim3A_351 = vector.broadcast %jit3A_349 : i32 to vector<16xi32>
      %broadcast_in_dim3A_352 = vector.broadcast %jit3A_350 : i32 to vector<16xi32>
      %select_n3A_353 = arith.select %gt3A_341, %broadcast_in_dim3A_351, %broadcast_in_dim3A_352 : vector<16xi1>, vector<16xi32>
      %add3A_354 = arith.addi %add3A_266, %select_n3A_353 : vector<16xi32>
      %get3A_355 = arith.index_cast %add3A_228 : i32 to index
      %get3A_356 = arith.constant 96 : index
      %get3A_357 = tpu.vector_load %arg7[%get3A_355, %get3A_356] {strides = array<i32>} : memref<200x128xf32, #tpu.memory_space<vmem>>, vector<1x16xf32>,
      %get3A_358 = vector.shape_cast %get3A_357 : vector<1x16xf32> to vector<16xf32>
      %get3A_359 = arith.index_cast %add3A_228 : i32 to index
      %get3A_360 = arith.constant 96 : index
      %get3A_361 = tpu.vector_load %arg6[%get3A_359, %get3A_360] {strides = array<i32>} : memref<200x128xf32, #tpu.memory_space<vmem>>, vector<1x16xf32>,
      %get3A_362 = vector.shape_cast %get3A_361 : vector<1x16xf32> to vector<16xf32>
      %gt3A_363 = arith.cmpf ogt, %get3A_358, %get3A_83 : vector<16xf32>
      %jit3A_364 = arith.constant 0x7F800000 : f32
      %broadcast_in_dim3A_365 = vector.broadcast %jit3A_364 : f32 to vector<16xf32>
      %select_n3A_366 = arith.select %gt3A_363, %get3A_358, %broadcast_in_dim3A_365 : vector<16xi1>, vector<16xf32>
      %sub3A_367 = arith.subf %get3A_358, %get3A_362 : vector<16xf32>
      %div3A_368 = arith.divf %sub3A_367, %select_n3A_366 : vector<16xf32>
      %abs3A_369 = math.absf %div3A_368 : vector<16xf32>
      %add3A_370 = arith.addf %add3A_282, %abs3A_369 : vector<16xf32>
      %jit3A_371 = arith.constant 1 : i32
      %jit3A_372 = arith.constant 0 : i32
      %broadcast_in_dim3A_373 = vector.broadcast %jit3A_371 : i32 to vector<16xi32>
      %broadcast_in_dim3A_374 = vector.broadcast %jit3A_372 : i32 to vector<16xi32>
      %select_n3A_375 = arith.select %gt3A_363, %broadcast_in_dim3A_373, %broadcast_in_dim3A_374 : vector<16xi1>, vector<16xi32>
      %add3A_376 = arith.addi %add3A_288, %select_n3A_375 : vector<16xi32>
      %get3A_377 = arith.index_cast %add3A_228 : i32 to index
      %get3A_378 = arith.constant 112 : index
      %get3A_379 = tpu.vector_load %arg7[%get3A_377, %get3A_378] {strides = array<i32>} : memref<200x128xf32, #tpu.memory_space<vmem>>, vector<1x16xf32>,
      %get3A_380 = vector.shape_cast %get3A_379 : vector<1x16xf32> to vector<16xf32>
      %get3A_381 = arith.index_cast %add3A_228 : i32 to index
      %get3A_382 = arith.constant 112 : index
      %get3A_383 = tpu.vector_load %arg6[%get3A_381, %get3A_382] {strides = array<i32>} : memref<200x128xf32, #tpu.memory_space<vmem>>, vector<1x16xf32>,
      %get3A_384 = vector.shape_cast %get3A_383 : vector<1x16xf32> to vector<16xf32>
      %gt3A_385 = arith.cmpf ogt, %get3A_380, %get3A_83 : vector<16xf32>
      %jit3A_386 = arith.constant 0x7F800000 : f32
      %broadcast_in_dim3A_387 = vector.broadcast %jit3A_386 : f32 to vector<16xf32>
      %select_n3A_388 = arith.select %gt3A_385, %get3A_380, %broadcast_in_dim3A_387 : vector<16xi1>, vector<16xf32>
      %sub3A_389 = arith.subf %get3A_380, %get3A_384 : vector<16xf32>
      %div3A_390 = arith.divf %sub3A_389, %select_n3A_388 : vector<16xf32>
      %abs3A_391 = math.absf %div3A_390 : vector<16xf32>
      %add3A_392 = arith.addf %add3A_304, %abs3A_391 : vector<16xf32>
      %jit3A_393 = arith.constant 1 : i32
      %jit3A_394 = arith.constant 0 : i32
      %broadcast_in_dim3A_395 = vector.broadcast %jit3A_393 : i32 to vector<16xi32>
      %broadcast_in_dim3A_396 = vector.broadcast %jit3A_394 : i32 to vector<16xi32>
      %select_n3A_397 = arith.select %gt3A_385, %broadcast_in_dim3A_395, %broadcast_in_dim3A_396 : vector<16xi1>, vector<16xi32>
      %add3A_398 = arith.addi %add3A_310, %select_n3A_397 : vector<16xi32>
      %mul3A_399 = arith.constant 2 : i32
      %mul3A_400 = arith.muli %scan3A_214, %mul3A_399 : i32
      %add3A_401 = arith.constant 144 : i32
      %add3A_402 = arith.addi %add3A_401, %mul3A_400 : i32
      %add3A_403 = arith.constant 1 : i32
      %add3A_404 = arith.addi %add3A_402, %add3A_403 : i32
      %get3A_405 = arith.index_cast %add3A_404 : i32 to index
      %get3A_406 = arith.constant 0 : index
      %get3A_407 = tpu.vector_load %arg7[%get3A_405, %get3A_406] {strides = array<i32>} : memref<200x128xf32, #tpu.memory_space<vmem>>, vector<1x16xf32>,
      %get3A_408 = vector.shape_cast %get3A_407 : vector<1x16xf32> to vector<16xf32>
      %get3A_409 = arith.index_cast %add3A_404 : i32 to index
      %get3A_410 = arith.constant 0 : index
      %get3A_411 = tpu.vector_load %arg6[%get3A_409, %get3A_410] {strides = array<i32>} : memref<200x128xf32, #tpu.memory_space<vmem>>, vector<1x16xf32>,
      %get3A_412 = vector.shape_cast %get3A_411 : vector<1x16xf32> to vector<16xf32>
      %gt3A_413 = arith.cmpf ogt, %get3A_408, %get3A_83 : vector<16xf32>
      %jit3A_414 = arith.constant 0x7F800000 : f32
      %broadcast_in_dim3A_415 = vector.broadcast %jit3A_414 : f32 to vector<16xf32>
      %select_n3A_416 = arith.select %gt3A_413, %get3A_408, %broadcast_in_dim3A_415 : vector<16xi1>, vector<16xf32>
      %sub3A_417 = arith.subf %get3A_408, %get3A_412 : vector<16xf32>
      %div3A_418 = arith.divf %sub3A_417, %select_n3A_416 : vector<16xf32>
      %abs3A_419 = math.absf %div3A_418 : vector<16xf32>
      %add3A_420 = arith.addf %add3A_326, %abs3A_419 : vector<16xf32>
      %jit3A_421 = arith.constant 1 : i32
      %jit3A_422 = arith.constant 0 : i32
      %broadcast_in_dim3A_423 = vector.broadcast %jit3A_421 : i32 to vector<16xi32>
      %broadcast_in_dim3A_424 = vector.broadcast %jit3A_422 : i32 to vector<16xi32>
      %select_n3A_425 = arith.select %gt3A_413, %broadcast_in_dim3A_423, %broadcast_in_dim3A_424 : vector<16xi1>, vector<16xi32>
      %add3A_426 = arith.addi %add3A_332, %select_n3A_425 : vector<16xi32>
      %get3A_427 = arith.index_cast %add3A_404 : i32 to index
      %get3A_428 = arith.constant 16 : index
      %get3A_429 = tpu.vector_load %arg7[%get3A_427, %get3A_428] {strides = array<i32>} : memref<200x128xf32, #tpu.memory_space<vmem>>, vector<1x16xf32>,
      %get3A_430 = vector.shape_cast %get3A_429 : vector<1x16xf32> to vector<16xf32>
      %get3A_431 = arith.index_cast %add3A_404 : i32 to index
      %get3A_432 = arith.constant 16 : index
      %get3A_433 = tpu.vector_load %arg6[%get3A_431, %get3A_432] {strides = array<i32>} : memref<200x128xf32, #tpu.memory_space<vmem>>, vector<1x16xf32>,
      %get3A_434 = vector.shape_cast %get3A_433 : vector<1x16xf32> to vector<16xf32>
      %gt3A_435 = arith.cmpf ogt, %get3A_430, %get3A_83 : vector<16xf32>
      %jit3A_436 = arith.constant 0x7F800000 : f32
      %broadcast_in_dim3A_437 = vector.broadcast %jit3A_436 : f32 to vector<16xf32>
      %select_n3A_438 = arith.select %gt3A_435, %get3A_430, %broadcast_in_dim3A_437 : vector<16xi1>, vector<16xf32>
      %sub3A_439 = arith.subf %get3A_430, %get3A_434 : vector<16xf32>
      %div3A_440 = arith.divf %sub3A_439, %select_n3A_438 : vector<16xf32>
      %abs3A_441 = math.absf %div3A_440 : vector<16xf32>
      %add3A_442 = arith.addf %add3A_348, %abs3A_441 : vector<16xf32>
      %jit3A_443 = arith.constant 1 : i32
      %jit3A_444 = arith.constant 0 : i32
      %broadcast_in_dim3A_445 = vector.broadcast %jit3A_443 : i32 to vector<16xi32>
      %broadcast_in_dim3A_446 = vector.broadcast %jit3A_444 : i32 to vector<16xi32>
      %select_n3A_447 = arith.select %gt3A_435, %broadcast_in_dim3A_445, %broadcast_in_dim3A_446 : vector<16xi1>, vector<16xi32>
      %add3A_448 = arith.addi %add3A_354, %select_n3A_447 : vector<16xi32>
      %get3A_449 = arith.index_cast %add3A_404 : i32 to index
      %get3A_450 = arith.constant 32 : index
      %get3A_451 = tpu.vector_load %arg7[%get3A_449, %get3A_450] {strides = array<i32>} : memref<200x128xf32, #tpu.memory_space<vmem>>, vector<1x16xf32>,
      %get3A_452 = vector.shape_cast %get3A_451 : vector<1x16xf32> to vector<16xf32>
      %get3A_453 = arith.index_cast %add3A_404 : i32 to index
      %get3A_454 = arith.constant 32 : index
      %get3A_455 = tpu.vector_load %arg6[%get3A_453, %get3A_454] {strides = array<i32>} : memref<200x128xf32, #tpu.memory_space<vmem>>, vector<1x16xf32>,
      %get3A_456 = vector.shape_cast %get3A_455 : vector<1x16xf32> to vector<16xf32>
      %gt3A_457 = arith.cmpf ogt, %get3A_452, %get3A_83 : vector<16xf32>
      %jit3A_458 = arith.constant 0x7F800000 : f32
      %broadcast_in_dim3A_459 = vector.broadcast %jit3A_458 : f32 to vector<16xf32>
      %select_n3A_460 = arith.select %gt3A_457, %get3A_452, %broadcast_in_dim3A_459 : vector<16xi1>, vector<16xf32>
      %sub3A_461 = arith.subf %get3A_452, %get3A_456 : vector<16xf32>
      %div3A_462 = arith.divf %sub3A_461, %select_n3A_460 : vector<16xf32>
      %abs3A_463 = math.absf %div3A_462 : vector<16xf32>
      %add3A_464 = arith.addf %add3A_370, %abs3A_463 : vector<16xf32>
      %jit3A_465 = arith.constant 1 : i32
      %jit3A_466 = arith.constant 0 : i32
      %broadcast_in_dim3A_467 = vector.broadcast %jit3A_465 : i32 to vector<16xi32>
      %broadcast_in_dim3A_468 = vector.broadcast %jit3A_466 : i32 to vector<16xi32>
      %select_n3A_469 = arith.select %gt3A_457, %broadcast_in_dim3A_467, %broadcast_in_dim3A_468 : vector<16xi1>, vector<16xi32>
      %add3A_470 = arith.addi %add3A_376, %select_n3A_469 : vector<16xi32>
      %get3A_471 = arith.index_cast %add3A_404 : i32 to index
      %get3A_472 = arith.constant 48 : index
      %get3A_473 = tpu.vector_load %arg7[%get3A_471, %get3A_472] {strides = array<i32>} : memref<200x128xf32, #tpu.memory_space<vmem>>, vector<1x16xf32>,
      %get3A_474 = vector.shape_cast %get3A_473 : vector<1x16xf32> to vector<16xf32>
      %get3A_475 = arith.index_cast %add3A_404 : i32 to index
      %get3A_476 = arith.constant 48 : index
      %get3A_477 = tpu.vector_load %arg6[%get3A_475, %get3A_476] {strides = array<i32>} : memref<200x128xf32, #tpu.memory_space<vmem>>, vector<1x16xf32>,
      %get3A_478 = vector.shape_cast %get3A_477 : vector<1x16xf32> to vector<16xf32>
      %gt3A_479 = arith.cmpf ogt, %get3A_474, %get3A_83 : vector<16xf32>
      %jit3A_480 = arith.constant 0x7F800000 : f32
      %broadcast_in_dim3A_481 = vector.broadcast %jit3A_480 : f32 to vector<16xf32>
      %select_n3A_482 = arith.select %gt3A_479, %get3A_474, %broadcast_in_dim3A_481 : vector<16xi1>, vector<16xf32>
      %sub3A_483 = arith.subf %get3A_474, %get3A_478 : vector<16xf32>
      %div3A_484 = arith.divf %sub3A_483, %select_n3A_482 : vector<16xf32>
      %abs3A_485 = math.absf %div3A_484 : vector<16xf32>
      %add3A_486 = arith.addf %add3A_392, %abs3A_485 : vector<16xf32>
      %jit3A_487 = arith.constant 1 : i32
      %jit3A_488 = arith.constant 0 : i32
      %broadcast_in_dim3A_489 = vector.broadcast %jit3A_487 : i32 to vector<16xi32>
      %broadcast_in_dim3A_490 = vector.broadcast %jit3A_488 : i32 to vector<16xi32>
      %select_n3A_491 = arith.select %gt3A_479, %broadcast_in_dim3A_489, %broadcast_in_dim3A_490 : vector<16xi1>, vector<16xi32>
      %add3A_492 = arith.addi %add3A_398, %select_n3A_491 : vector<16xi32>
      %get3A_493 = arith.index_cast %add3A_404 : i32 to index
      %get3A_494 = arith.constant 64 : index
      %get3A_495 = tpu.vector_load %arg7[%get3A_493, %get3A_494] {strides = array<i32>} : memref<200x128xf32, #tpu.memory_space<vmem>>, vector<1x16xf32>,
      %get3A_496 = vector.shape_cast %get3A_495 : vector<1x16xf32> to vector<16xf32>
      %get3A_497 = arith.index_cast %add3A_404 : i32 to index
      %get3A_498 = arith.constant 64 : index
      %get3A_499 = tpu.vector_load %arg6[%get3A_497, %get3A_498] {strides = array<i32>} : memref<200x128xf32, #tpu.memory_space<vmem>>, vector<1x16xf32>,
      %get3A_500 = vector.shape_cast %get3A_499 : vector<1x16xf32> to vector<16xf32>
      %gt3A_501 = arith.cmpf ogt, %get3A_496, %get3A_83 : vector<16xf32>
      %jit3A_502 = arith.constant 0x7F800000 : f32
      %broadcast_in_dim3A_503 = vector.broadcast %jit3A_502 : f32 to vector<16xf32>
      %select_n3A_504 = arith.select %gt3A_501, %get3A_496, %broadcast_in_dim3A_503 : vector<16xi1>, vector<16xf32>
      %sub3A_505 = arith.subf %get3A_496, %get3A_500 : vector<16xf32>
      %div3A_506 = arith.divf %sub3A_505, %select_n3A_504 : vector<16xf32>
      %abs3A_507 = math.absf %div3A_506 : vector<16xf32>
      %add3A_508 = arith.addf %add3A_420, %abs3A_507 : vector<16xf32>
      %jit3A_509 = arith.constant 1 : i32
      %jit3A_510 = arith.constant 0 : i32
      %broadcast_in_dim3A_511 = vector.broadcast %jit3A_509 : i32 to vector<16xi32>
      %broadcast_in_dim3A_512 = vector.broadcast %jit3A_510 : i32 to vector<16xi32>
      %select_n3A_513 = arith.select %gt3A_501, %broadcast_in_dim3A_511, %broadcast_in_dim3A_512 : vector<16xi1>, vector<16xi32>
      %add3A_514 = arith.addi %add3A_426, %select_n3A_513 : vector<16xi32>
      %get3A_515 = arith.index_cast %add3A_404 : i32 to index
      %get3A_516 = arith.constant 80 : index
      %get3A_517 = tpu.vector_load %arg7[%get3A_515, %get3A_516] {strides = array<i32>} : memref<200x128xf32, #tpu.memory_space<vmem>>, vector<1x16xf32>,
      %get3A_518 = vector.shape_cast %get3A_517 : vector<1x16xf32> to vector<16xf32>
      %get3A_519 = arith.index_cast %add3A_404 : i32 to index
      %get3A_520 = arith.constant 80 : index
      %get3A_521 = tpu.vector_load %arg6[%get3A_519, %get3A_520] {strides = array<i32>} : memref<200x128xf32, #tpu.memory_space<vmem>>, vector<1x16xf32>,
      %get3A_522 = vector.shape_cast %get3A_521 : vector<1x16xf32> to vector<16xf32>
      %gt3A_523 = arith.cmpf ogt, %get3A_518, %get3A_83 : vector<16xf32>
      %jit3A_524 = arith.constant 0x7F800000 : f32
      %broadcast_in_dim3A_525 = vector.broadcast %jit3A_524 : f32 to vector<16xf32>
      %select_n3A_526 = arith.select %gt3A_523, %get3A_518, %broadcast_in_dim3A_525 : vector<16xi1>, vector<16xf32>
      %sub3A_527 = arith.subf %get3A_518, %get3A_522 : vector<16xf32>
      %div3A_528 = arith.divf %sub3A_527, %select_n3A_526 : vector<16xf32>
      %abs3A_529 = math.absf %div3A_528 : vector<16xf32>
      %add3A_530 = arith.addf %add3A_442, %abs3A_529 : vector<16xf32>
      %jit3A_531 = arith.constant 1 : i32
      %jit3A_532 = arith.constant 0 : i32
      %broadcast_in_dim3A_533 = vector.broadcast %jit3A_531 : i32 to vector<16xi32>
      %broadcast_in_dim3A_534 = vector.broadcast %jit3A_532 : i32 to vector<16xi32>
      %select_n3A_535 = arith.select %gt3A_523, %broadcast_in_dim3A_533, %broadcast_in_dim3A_534 : vector<16xi1>, vector<16xi32>
      %add3A_536 = arith.addi %add3A_448, %select_n3A_535 : vector<16xi32>
      %get3A_537 = arith.index_cast %add3A_404 : i32 to index
      %get3A_538 = arith.constant 96 : index
      %get3A_539 = tpu.vector_load %arg7[%get3A_537, %get3A_538] {strides = array<i32>} : memref<200x128xf32, #tpu.memory_space<vmem>>, vector<1x16xf32>,
      %get3A_540 = vector.shape_cast %get3A_539 : vector<1x16xf32> to vector<16xf32>
      %get3A_541 = arith.index_cast %add3A_404 : i32 to index
      %get3A_542 = arith.constant 96 : index
      %get3A_543 = tpu.vector_load %arg6[%get3A_541, %get3A_542] {strides = array<i32>} : memref<200x128xf32, #tpu.memory_space<vmem>>, vector<1x16xf32>,
      %get3A_544 = vector.shape_cast %get3A_543 : vector<1x16xf32> to vector<16xf32>
      %gt3A_545 = arith.cmpf ogt, %get3A_540, %get3A_83 : vector<16xf32>
      %jit3A_546 = arith.constant 0x7F800000 : f32
      %broadcast_in_dim3A_547 = vector.broadcast %jit3A_546 : f32 to vector<16xf32>
      %select_n3A_548 = arith.select %gt3A_545, %get3A_540, %broadcast_in_dim3A_547 : vector<16xi1>, vector<16xf32>
      %sub3A_549 = arith.subf %get3A_540, %get3A_544 : vector<16xf32>
      %div3A_550 = arith.divf %sub3A_549, %select_n3A_548 : vector<16xf32>
      %abs3A_551 = math.absf %div3A_550 : vector<16xf32>
      %add3A_552 = arith.addf %add3A_464, %abs3A_551 : vector<16xf32>
      %jit3A_553 = arith.constant 1 : i32
      %jit3A_554 = arith.constant 0 : i32
      %broadcast_in_dim3A_555 = vector.broadcast %jit3A_553 : i32 to vector<16xi32>
      %broadcast_in_dim3A_556 = vector.broadcast %jit3A_554 : i32 to vector<16xi32>
      %select_n3A_557 = arith.select %gt3A_545, %broadcast_in_dim3A_555, %broadcast_in_dim3A_556 : vector<16xi1>, vector<16xi32>
      %add3A_558 = arith.addi %add3A_470, %select_n3A_557 : vector<16xi32>
      %get3A_559 = arith.index_cast %add3A_404 : i32 to index
      %get3A_560 = arith.constant 112 : index
      %get3A_561 = tpu.vector_load %arg7[%get3A_559, %get3A_560] {strides = array<i32>} : memref<200x128xf32, #tpu.memory_space<vmem>>, vector<1x16xf32>,
      %get3A_562 = vector.shape_cast %get3A_561 : vector<1x16xf32> to vector<16xf32>
      %get3A_563 = arith.index_cast %add3A_404 : i32 to index
      %get3A_564 = arith.constant 112 : index
      %get3A_565 = tpu.vector_load %arg6[%get3A_563, %get3A_564] {strides = array<i32>} : memref<200x128xf32, #tpu.memory_space<vmem>>, vector<1x16xf32>,
      %get3A_566 = vector.shape_cast %get3A_565 : vector<1x16xf32> to vector<16xf32>
      %gt3A_567 = arith.cmpf ogt, %get3A_562, %get3A_83 : vector<16xf32>
      %jit3A_568 = arith.constant 0x7F800000 : f32
      %broadcast_in_dim3A_569 = vector.broadcast %jit3A_568 : f32 to vector<16xf32>
      %select_n3A_570 = arith.select %gt3A_567, %get3A_562, %broadcast_in_dim3A_569 : vector<16xi1>, vector<16xf32>
      %sub3A_571 = arith.subf %get3A_562, %get3A_566 : vector<16xf32>
      %div3A_572 = arith.divf %sub3A_571, %select_n3A_570 : vector<16xf32>
      %abs3A_573 = math.absf %div3A_572 : vector<16xf32>
      %add3A_574 = arith.addf %add3A_486, %abs3A_573 : vector<16xf32>
      %jit3A_575 = arith.constant 1 : i32
      %jit3A_576 = arith.constant 0 : i32
      %broadcast_in_dim3A_577 = vector.broadcast %jit3A_575 : i32 to vector<16xi32>
      %broadcast_in_dim3A_578 = vector.broadcast %jit3A_576 : i32 to vector<16xi32>
      %select_n3A_579 = arith.select %gt3A_567, %broadcast_in_dim3A_577, %broadcast_in_dim3A_578 : vector<16xi1>, vector<16xi32>
      %add3A_580 = arith.addi %add3A_492, %select_n3A_579 : vector<16xi32>
      scf.yield %add3A_508, %add3A_530, %add3A_552, %add3A_574, %add3A_514, %add3A_536, %add3A_558, %add3A_580 : vector<16xf32>, vector<16xf32>, vector<16xf32>, vector<16xf32>, vector<16xi32>, vector<16xi32>, vector<16xi32>, vector<16xi32>
    }
    %scan3A_200 = arith.constant 28 : i32
    %add3A_201 = arith.addf %scan3A_199#0, %scan3A_199#1 : vector<16xf32>
    %add3A_202 = arith.addf %scan3A_199#2, %scan3A_199#3 : vector<16xf32>
    %add3A_203 = arith.addf %add3A_201, %add3A_202 : vector<16xf32>
    %add3A_204 = arith.addi %scan3A_199#4, %scan3A_199#5 : vector<16xi32>
    %add3A_205 = arith.addi %scan3A_199#6, %scan3A_199#7 : vector<16xi32>
    %add3A_206 = arith.addi %add3A_204, %add3A_205 : vector<16xi32>
    %swap3A = arith.constant 0 : index
    %swap3A_207 = tpu.vector_load %arg9[%swap3A] {strides = array<i32>} : memref<32xf32, #tpu.memory_space<vmem>>, vector<16xf32>,
    %swap3A_208 = vector.shape_cast %swap3A_207 : vector<16xf32> to vector<16xf32>
    %swap3A_209 = vector.shape_cast %add3A_203 : vector<16xf32> to vector<16xf32>
    tpu.vector_store %arg9[%swap3A], %swap3A_209 {strides = array<i32>} : memref<32xf32, #tpu.memory_space<vmem>>, vector<16xf32>,
    %convert_element_type3A = arith.sitofp %add3A_206 : vector<16xi32> to vector<16xf32>
    %swap3A_210 = arith.constant 16 : index
    %swap3A_211 = tpu.vector_load %arg9[%swap3A_210] {strides = array<i32>} : memref<32xf32, #tpu.memory_space<vmem>>, vector<16xf32>,
    %swap3A_212 = vector.shape_cast %swap3A_211 : vector<16xf32> to vector<16xf32>
    %swap3A_213 = vector.shape_cast %convert_element_type3A : vector<16xf32> to vector<16xf32>
    tpu.vector_store %arg9[%swap3A_210], %swap3A_213 {strides = array<i32>} : memref<32xf32, #tpu.memory_space<vmem>>, vector<16xf32>,
    "tpu.region"() ({
      %run_scoped3A = tpu.sem_alloc : memref<!tpu.dma_semaphore, #tpu.memory_space<semaphore_mem>>
      %dma_start3A_214 = arith.constant 0 : i32
      %dma_start3A_215 = tpu.memref_slice %arg5[%add3A, %dma_start3A_214] : memref<32x32xf32, #tpu.memory_space<hbm>> -> memref<1x32xf32, #tpu.memory_space<hbm>>
      %dma_start3A_216 = tpu.memref_squeeze %dma_start3A_215 : memref<1x32xf32, #tpu.memory_space<hbm>> -> memref<32xf32, #tpu.memory_space<hbm>>
      %dma_start3A_217 = arith.constant 0 : i32
      %dma_start3A_218 = tpu.memref_slice %arg5[%add3A, %dma_start3A_217] : memref<32x32xf32, #tpu.memory_space<hbm>> -> memref<1x32xf32, #tpu.memory_space<hbm>>
      %dma_start3A_219 = tpu.memref_squeeze %dma_start3A_218 : memref<1x32xf32, #tpu.memory_space<hbm>> -> memref<32xf32, #tpu.memory_space<hbm>>
      tpu.enqueue_dma source(%arg9 : memref<32xf32, #tpu.memory_space<vmem>>) target(%dma_start3A_219 : memref<32xf32, #tpu.memory_space<hbm>>) target_semaphore(%run_scoped3A : memref<!tpu.dma_semaphore, #tpu.memory_space<semaphore_mem>>)
      %dma_wait3A_220 = arith.constant 0 : i32
      %dma_wait3A_221 = tpu.memref_slice %arg5[%add3A, %dma_wait3A_220] : memref<32x32xf32, #tpu.memory_space<hbm>> -> memref<1x32xf32, #tpu.memory_space<hbm>>
      %dma_wait3A_222 = tpu.memref_squeeze %dma_wait3A_221 : memref<1x32xf32, #tpu.memory_space<hbm>> -> memref<32xf32, #tpu.memory_space<hbm>>
      %dma_wait3A_223 = arith.constant 0 : i32
      %dma_wait3A_224 = tpu.memref_slice %arg5[%add3A, %dma_wait3A_223] : memref<32x32xf32, #tpu.memory_space<hbm>> -> memref<1x32xf32, #tpu.memory_space<hbm>>
      %dma_wait3A_225 = tpu.memref_squeeze %dma_wait3A_224 : memref<1x32xf32, #tpu.memory_space<hbm>> -> memref<32xf32, #tpu.memory_space<hbm>>
      tpu.wait_dma2 semaphore(%run_scoped3A : memref<!tpu.dma_semaphore, #tpu.memory_space<semaphore_mem>>) src(%arg9 : memref<32xf32, #tpu.memory_space<vmem>>) dst(%dma_wait3A_225 : memref<32xf32, #tpu.memory_space<hbm>>)
      tpu.yield
    }) : () -> ()
    return
  }
}

module attributes {stable_mosaic.version = 14 : i64} {
  func.func @_combine_body(%arg0: memref<32x32xf32, #tpu.memory_space<vmem>>, %arg1: memref<2xf32, #tpu.memory_space<smem>>, %arg2: memref<1x1xf32, #tpu.memory_space<smem>>) attributes {dimension_semantics = [], scalar_prefetch = 0 : i64, scratch_operands = 0 : i64, tpu.core_type = #tpu.core_type<tc>} {
    %get3A = arith.constant 0 : index
    %get3A_0 = arith.constant 0 : index
    %get3A_1 = vector.load %arg0[%get3A, %get3A_0] : memref<32x32xf32, #tpu.memory_space<vmem>>, vector<32x32xf32>
    %slice3A = vector.extract_strided_slice %get3A_1 {offsets = [0, 0], sizes = [32, 16], strides = [1, 1]} : vector<32x32xf32> to vector<32x16xf32>
    %reduce_sum3A = vector.shape_cast %slice3A : vector<32x16xf32> to vector<1x32x16xf32>
    %reduce_sum3A_2 = arith.constant dense<0.000000e+00> : vector<1xf32>
    %reduce_sum3A_3 = vector.multi_reduction <add>, %reduce_sum3A, %reduce_sum3A_2 [1, 2] : vector<1x32x16xf32> to vector<1xf32>
    %reduce_sum3A_4 = vector.shape_cast %reduce_sum3A_3 : vector<1xf32> to vector<1x1x1xf32>
    %reduce_sum3A_5 = vector.extract %reduce_sum3A_4[0, 0, 0] : f32 from vector<1x1x1xf32>
    %get3A_6 = arith.constant 0 : index
    %get3A_7 = memref.load %arg1[%get3A_6] : memref<2xf32, #tpu.memory_space<smem>>
    %add3A = arith.addf %reduce_sum3A_5, %get3A_7 : f32
    %slice3A_8 = vector.extract_strided_slice %get3A_1 {offsets = [0, 16], sizes = [32, 16], strides = [1, 1]} : vector<32x32xf32> to vector<32x16xf32>
    %reduce_sum3A_9 = vector.shape_cast %slice3A_8 : vector<32x16xf32> to vector<1x32x16xf32>
    %reduce_sum3A_10 = arith.constant dense<0.000000e+00> : vector<1xf32>
    %reduce_sum3A_11 = vector.multi_reduction <add>, %reduce_sum3A_9, %reduce_sum3A_10 [1, 2] : vector<1x32x16xf32> to vector<1xf32>
    %reduce_sum3A_12 = vector.shape_cast %reduce_sum3A_11 : vector<1xf32> to vector<1x1x1xf32>
    %reduce_sum3A_13 = vector.extract %reduce_sum3A_12[0, 0, 0] : f32 from vector<1x1x1xf32>
    %get3A_14 = arith.constant 1 : index
    %get3A_15 = memref.load %arg1[%get3A_14] : memref<2xf32, #tpu.memory_space<smem>>
    %add3A_16 = arith.addf %reduce_sum3A_13, %get3A_15 : f32
    %div3A = arith.divf %add3A, %add3A_16 : f32
    %swap3A = arith.constant 0 : index
    %swap3A_17 = arith.constant 0 : index
    %swap3A_18 = memref.load %arg2[%swap3A, %swap3A_17] : memref<1x1xf32, #tpu.memory_space<smem>>
    memref.store %div3A, %arg2[%swap3A, %swap3A_17] : memref<1x1xf32, #tpu.memory_space<smem>>
    return
  }
}

module attributes {stable_mosaic.version = 14 : i64} {
  func.func @_tc_partial_body(%arg0: i32, %arg1: memref<1xf32, #tpu.memory_space<smem>>, %arg2: memref<200x4096xf32, #tpu.memory_space<vmem>>, %arg3: memref<200x4096xf32, #tpu.memory_space<vmem>>, %arg4: memref<2xf32, #tpu.memory_space<smem>>) attributes {dimension_semantics = [#tpu.dimension_semantics<arbitrary>], iteration_bounds = array<i64: 3>, scalar_prefetch = 0 : i64, scratch_operands = 0 : i64, tpu.core_type = #tpu.core_type<tc>, window_params = [{transform_indices = @transform_0, window_bounds = array<i64: 1>}, {transform_indices = @transform_1, window_bounds = array<i64: 200, 4096>}, {transform_indices = @transform_2, window_bounds = array<i64: 200, 4096>}, {transform_indices = @transform_3, window_bounds = array<i64: 2>}]} {
    %get3A = arith.constant 0 : index
    %get3A_0 = memref.load %arg1[%get3A] : memref<1xf32, #tpu.memory_space<smem>>
    %get3A_1 = arith.constant 0 : index
    %get3A_2 = arith.constant 0 : index
    %get3A_3 = vector.load %arg3[%get3A_1, %get3A_2] : memref<200x4096xf32, #tpu.memory_space<vmem>>, vector<200x4096xf32>
    %get3A_4 = arith.constant 0 : index
    %get3A_5 = arith.constant 0 : index
    %get3A_6 = vector.load %arg2[%get3A_4, %get3A_5] : memref<200x4096xf32, #tpu.memory_space<vmem>>, vector<200x4096xf32>
    %gt3A = vector.broadcast %get3A_0 : f32 to vector<200x4096xf32>
    %gt3A_7 = arith.cmpf ogt, %get3A_3, %gt3A : vector<200x4096xf32>
    %jit3A = arith.constant 0x7F800000 : f32
    %broadcast_in_dim3A = vector.broadcast %jit3A : f32 to vector<200x4096xf32>
    %select_n3A = arith.select %gt3A_7, %get3A_3, %broadcast_in_dim3A : vector<200x4096xi1>, vector<200x4096xf32>
    %sub3A = arith.subf %get3A_3, %get3A_6 : vector<200x4096xf32>
    %div3A = arith.divf %sub3A, %select_n3A : vector<200x4096xf32>
    %abs3A = math.absf %div3A : vector<200x4096xf32>
    %reduce_sum3A = vector.shape_cast %abs3A : vector<200x4096xf32> to vector<1x200x4096xf32>
    %reduce_sum3A_8 = arith.constant dense<0.000000e+00> : vector<1xf32>
    %reduce_sum3A_9 = vector.multi_reduction <add>, %reduce_sum3A, %reduce_sum3A_8 [1, 2] : vector<1x200x4096xf32> to vector<1xf32>
    %reduce_sum3A_10 = vector.shape_cast %reduce_sum3A_9 : vector<1xf32> to vector<1x1x1xf32>
    %reduce_sum3A_11 = vector.extract %reduce_sum3A_10[0, 0, 0] : f32 from vector<1x1x1xf32>
    %convert_element_type3A = arith.extui %gt3A_7 : vector<200x4096xi1> to vector<200x4096xi32>
    %convert_element_type3A_12 = arith.sitofp %convert_element_type3A : vector<200x4096xi32> to vector<200x4096xf32>
    %reduce_sum3A_13 = vector.shape_cast %convert_element_type3A_12 : vector<200x4096xf32> to vector<1x200x4096xf32>
    %reduce_sum3A_14 = arith.constant dense<0.000000e+00> : vector<1xf32>
    %reduce_sum3A_15 = vector.multi_reduction <add>, %reduce_sum3A_13, %reduce_sum3A_14 [1, 2] : vector<1x200x4096xf32> to vector<1xf32>
    %reduce_sum3A_16 = vector.shape_cast %reduce_sum3A_15 : vector<1xf32> to vector<1x1x1xf32>
    %reduce_sum3A_17 = vector.extract %reduce_sum3A_16[0, 0, 0] : f32 from vector<1x1x1xf32>
    %eq3A = arith.constant 0 : i32
    %eq3A_18 = arith.cmpi eq, %arg0, %eq3A : i32
    %convert_element_type3A_19 = arith.extui %eq3A_18 : i1 to i32
    %cond3A = arith.constant 0 : i32
    %cond3A_20 = arith.cmpi ne, %convert_element_type3A_19, %cond3A : i32
    scf.if %cond3A_20 {
      %swap3A_29 = arith.constant 0.000000e+00 : f32
      %swap3A_30 = arith.constant 0 : index
      %swap3A_31 = memref.load %arg4[%swap3A_30] : memref<2xf32, #tpu.memory_space<smem>>
      memref.store %swap3A_29, %arg4[%swap3A_30] : memref<2xf32, #tpu.memory_space<smem>>
      %swap3A_32 = arith.constant 0.000000e+00 : f32
      %swap3A_33 = arith.constant 1 : index
      %swap3A_34 = memref.load %arg4[%swap3A_33] : memref<2xf32, #tpu.memory_space<smem>>
      memref.store %swap3A_32, %arg4[%swap3A_33] : memref<2xf32, #tpu.memory_space<smem>>
    } else {
    }
    %get3A_21 = arith.constant 0 : index
    %get3A_22 = memref.load %arg4[%get3A_21] : memref<2xf32, #tpu.memory_space<smem>>
    %add3A = arith.addf %get3A_22, %reduce_sum3A_11 : f32
    %swap3A = arith.constant 0 : index
    %swap3A_23 = memref.load %arg4[%swap3A] : memref<2xf32, #tpu.memory_space<smem>>
    memref.store %add3A, %arg4[%swap3A] : memref<2xf32, #tpu.memory_space<smem>>
    %get3A_24 = arith.constant 1 : index
    %get3A_25 = memref.load %arg4[%get3A_24] : memref<2xf32, #tpu.memory_space<smem>>
    %add3A_26 = arith.addf %get3A_25, %reduce_sum3A_17 : f32
    %swap3A_27 = arith.constant 1 : index
    %swap3A_28 = memref.load %arg4[%swap3A_27] : memref<2xf32, #tpu.memory_space<smem>>
    memref.store %add3A_26, %arg4[%swap3A_27] : memref<2xf32, #tpu.memory_space<smem>>
    return
  }
  func.func @transform_0(%arg0: i32) -> i32 {
    %c0_i32 = arith.constant 0 : i32
    %c0_i32_0 = arith.constant 0 : i32
    return %c0_i32 : i32
  }
  func.func @transform_1(%arg0: i32) -> (i32, i32) {
    %add3A = arith.constant 1 : i32
    %add3A_0 = arith.addi %add3A, %arg0 : i32
    %c0_i32 = arith.constant 0 : i32
    %c0_i32_1 = arith.constant 0 : i32
    return %c0_i32, %add3A_0 : i32, i32
  }
  func.func @transform_2(%arg0: i32) -> (i32, i32) {
    %add3A = arith.constant 1 : i32
    %add3A_0 = arith.addi %add3A, %arg0 : i32
    %c0_i32 = arith.constant 0 : i32
    %c0_i32_1 = arith.constant 0 : i32
    return %c0_i32, %add3A_0 : i32, i32
  }
  func.func @transform_3(%arg0: i32) -> i32 {
    %c0_i32 = arith.constant 0 : i32
    %c0_i32_0 = arith.constant 0 : i32
    return %c0_i32 : i32
  }
}

</mosaic_0001>

<sc_bundles>
// kernel: kernel.5.cloned.1.call-start
scs
__scs_entry_jumppad:
0x0: {  	(pc) =	sbr.rel $0x88, $3  }
0x1: {  	(tag) =	ssettag $0x0;
	lr =	simm.s32 $0x1  }
0x2: {  	[smem:$0x3F9E] =	sst lr;
	_ =	strace $0xD0000000  }
0x3: {  	_ = 	snop  }
0x4: {  	_ = 	snop  }
0x5: {  	_ = 	snop  }
0x6: {  	_ = 	snop  }
0x7: {  	_ = 	snop  }
__scs_overlays_trampoline_lowered:
0x8: {  	[smem:$0x3FAD] =	sst s0  }
0x9: {  	[smem:$0x3FAE] =	sst s1  }
0xa: {  	[smem:$0x3FAF] =	sst s2  }
0xb: {  	[smem:$0x3FB0] =	sst s3  }
0xc: {  	[smem:$0x3FB1] =	sst s4  }
0xd: {  	[smem:$0x3FB2] =	sst s5  }
0xe: {  	[smem:$0x3FB3] =	sst s6  }
0xf: {  	[smem:$0x3FB4] =	sst s7  }
0x10: {  	[smem:$0x3FB5] =	sst s8  }
0x11: {  	[smem:$0x3FB6] =	sst s9;
	s0 =	simm.s32 @!p0 $0x0  }
0x12: {  	s1 =	sld [smem:$0x3F9C];
	s0 =	simm.s32 @p0 $0x1  }
0x13: {  	[smem:$0x3FB7] =	sst s0;
	s0 =	simm.s32 @!p1 $0x0  }
0x14: {  	s2 =	sld [smem:$0x3F9B];
	s0 =	simm.s32 @p1 $0x1  }
0x15: {  	[smem:$0x3FB8] =	sst s0;
	s0 =	simm.s32 @!p2 $0x0  }
0x16: {  	s3 =	sld [smem:$0x3FDB];
	s0 =	simm.s32 @p2 $0x1  }
0x17: {  	s4 =	simm.s32 $0x1BF5;
	[smem:$0x3FBA] =	sst s0  }
0x18: {  	s0 =	sld [smem:$0x3F9D];
	_ =	swait.ge [sflag:s4], $0x0  }
0x19: {  	s7 =	sld [smem:$0x3F9E]  }
0x1a: {  	s8 =	sadd.s32 $0xFFFFE003, lr  }
0x1b: {  	s9 =	sadd.s32 $0xFFFFFEF7, lr;
	s5 =	simm.s32 $0xFFFFFFFF;
	p2 =	slt.u32 s8, $0xFFFFF086  }
0x1c: {  	p1 =	slt.u32 s9, $0xF7A;
	s5 =	simm.s32 @!p2 $0x0  }
0x1d: {  	s5 =	simm.s32 @p1 $0x1;
	p0 =	seq.s32 s7, s2  }
0x1e: {  	s7 =	smul.u32 @!p0 $0xF7A, s2;
	p2 =	seq.s32 @!p0 s5, $0x0  }
0x1f: {  	s9 =	smul.u32 $0xF7A, s1;
	s8 =	simm.s32 @!p0 $0x1BF5;
	p2 =	por !p2, p0  }
0x20: {  	[sflag:s8] =	ssyncset.s32 @!p0 $0xFFFFF086;
	s6 =	sadd.s32 @!p0 s3, s7;
	s7 =	simm.s32 @!p0 $0x108  }
0x21: {  	s3 =	sadd.s32 s3, s9;
	s6 =	sadd.s32 @!p0 $0x88, s6;
	s7 =	simm.s32 @p2 $0x1082  }
0x22: {  	[simem:s7], [sflag:s8] =	dma.local @!p0 [hbm:s6], $0xF7A  }
0x23: {  	s9 =	sor.u32 $0xD0000000, s2;
	s6 =	simm.s32 $0x108;
	_ =	swait.ge @!p0 [sflag:s8], $0x0  }
0x24: {  	s3 =	sadd.s32 $0x88, s3;
	s6 =	simm.s32 @!p1 $0x1082;
	[sflag:s4] =	ssyncset.s32 $0xFFFFF086  }
0x25: {  	[simem:s6], [sflag:s4] =	dma.local [hbm:s3], $0xF7A  }
0x26: {  	[smem:$0x3F9E] =	sst s1;
	(tag) =	ssettag s2;
	_ =	strace s9  }
0x27: {  	s1 =	sld [smem:$0x3FAE]  }
0x28: {  	s2 =	sld [smem:$0x3FAF]  }
0x29: {  	s4 =	sld [smem:$0x3FB1]  }
0x2a: {  	p0 =	seq.s32 s5, $0x0;
	s5 =	sld [smem:$0x3FB2]  }
0x2b: {  	s6 =	sld [smem:$0x3FB3]  }
0x2c: {  	s7 =	sld [smem:$0x3FB4]  }
0x2d: {  	s3 =	simm.s32 $0x108;
	s8 =	sld [smem:$0x3FB5]  }
0x2e: {  	s3 =	simm.s32 @!p0 $0x1082;
	s9 =	sld [smem:$0x3FB6]  }
0x2f: {  	lr =	sadd.s32 s0, s3;
	s0 =	sld [smem:$0x3FAD]  }
0x30: {  	s3 =	sld [smem:$0x3FB0]  }
0x31: {  	[smem:$0x3FB9] =	sst s10  }
0x32: {  	s10 =	sld [smem:$0x3FB7];
	_ =	sdelay $0x3  }
0x33: {  	p0 =	seq.s32 s10, $0x1;
	s10 =	sld [smem:$0x3FB9];
	_ =	sdelay $0x3  }
0x34: {  	[smem:$0x3FB9] =	sst s10  }
0x35: {  	s10 =	sld [smem:$0x3FB8];
	_ =	sdelay $0x3  }
0x36: {  	p1 =	seq.s32 s10, $0x1;
	s10 =	sld [smem:$0x3FB9];
	_ =	sdelay $0x3  }
0x37: {  	[smem:$0x3FB9] =	sst s10  }
0x38: {  	s10 =	sld [smem:$0x3FBA]  }
0x39: {  	_ = 	snop;
	(pc) =	sbr.ind lr, $3  }
0x3a: {  	_ = 	snop  }
0x3b: {  	_ = 	snop  }
0x3c: {  	p2 =	seq.s32 s10, $0x1;
	s10 =	sld [smem:$0x3FB9]  }
0x3d: {  	_ =	shalt  }
0x3e: {  	_ =	shalt  }
0x3f: {  	_ =	shalt  }
0x40: {  	_ =	shalt  }
0x41: {  	_ =	shalt  }
0x42: {  	_ =	shalt  }
0x43: {  	_ =	shalt  }
0x44: {  	_ =	shalt  }
0x45: {  	_ =	shalt  }
0x46: {  	_ =	shalt  }
0x47: {  	_ =	shalt  }
0x48: {  	_ =	shalt  }
0x49: {  	_ =	shalt  }
0x4a: {  	_ =	shalt  }
0x4b: {  	_ =	shalt  }
0x4c: {  	_ =	shalt  }
0x4d: {  	_ =	shalt  }
0x4e: {  	_ =	shalt  }
0x4f: {  	_ =	shalt  }
0x50: {  	_ =	shalt  }
0x51: {  	_ =	shalt  }
0x52: {  	_ =	shalt  }
0x53: {  	_ =	shalt  }
0x54: {  	_ =	shalt  }
0x55: {  	_ =	shalt  }
0x56: {  	_ =	shalt  }
0x57: {  	_ =	shalt  }
0x58: {  	_ =	shalt  }
0x59: {  	_ =	shalt  }
0x5a: {  	_ =	shalt  }
0x5b: {  	_ =	shalt  }
0x5c: {  	_ =	shalt  }
0x5d: {  	_ =	shalt  }
0x5e: {  	_ =	shalt  }
0x5f: {  	_ =	shalt  }
0x60: {  	_ =	shalt  }
0x61: {  	_ =	shalt  }
0x62: {  	_ =	shalt  }
0x63: {  	_ =	shalt  }
0x64: {  	_ =	shalt  }
0x65: {  	_ =	shalt  }
0x66: {  	_ =	shalt  }
0x67: {  	_ =	shalt  }
0x68: {  	_ =	shalt  }
0x69: {  	_ =	shalt  }
0x6a: {  	_ =	shalt  }
0x6b: {  	_ =	shalt  }
0x6c: {  	_ =	shalt  }
0x6d: {  	_ =	shalt  }
0x6e: {  	_ =	shalt  }
0x6f: {  	_ =	shalt  }
0x70: {  	_ =	shalt  }
0x71: {  	_ =	shalt  }
0x72: {  	_ =	shalt  }
0x73: {  	_ =	shalt  }
0x74: {  	_ =	shalt  }
0x75: {  	_ =	shalt  }
0x76: {  	_ =	shalt  }
0x77: {  	_ =	shalt  }
0x78: {  	_ =	shalt  }
0x79: {  	_ =	shalt  }
0x7a: {  	_ =	shalt  }
0x7b: {  	_ =	shalt  }
0x7c: {  	_ =	shalt  }
0x7d: {  	_ =	shalt  }
0x7e: {  	_ =	shalt  }
0x7f: {  	_ =	shalt  }
0x80: {  	_ =	shalt  }
0x81: {  	_ =	shalt  }
0x82: {  	_ =	shalt  }
0x83: {  	_ =	shalt  }
0x84: {  	_ =	shalt  }
0x85: {  	_ =	shalt  }
0x86: {  	_ =	shalt  }
0x87: {  	_ =	shalt  }
.Lfunc_end0:
.L_simem_size_0:
called_computation_lowered:
.L_overlay_start_0:
0x88: {  	s2 =	sld [smem:$0x3FD9]  }
0x89: {  	s3 =	sld [smem:$0x3FFE];
	_ =	sdelay $0x1  }
0x8a: {  	s1 =	srdreg.scid  }
0x8b: {  	s0 =	sand.u32 $0x1, s1  }
0x8c: {  	s17 =	sshll.u32 s0, $0xA;
	s2 =	sadd.s32 s3, s2  }
0x8d: {  	s2 =	sadd.s32 s2, s17  }
0x8e: {  	[smem:$0x3FC5] =	sst s2  }
0x8f: {  	_ = 	snop  }
0x90: {  	s2 =	sld [smem:$0x3FC9]  }
0x91: {  	s18 =	sld [smem:$0x3FC8];
	(tm) =	ssettm $0x1  }
0x92: {  	s4 =	sld [smem:$0x3FFB];
	_ =	sdelay $0x3  }
0x93: {  	_ =	strace s4  }
0x94: {  	s4 =	sld [smem:$0x3FFC];
	_ =	sdelay $0x3  }
0x95: {  	_ =	strace s4  }
0x96: {  	s4 =	sld [smem:$0x3FFD];
	_ =	sdelay $0x3  }
0x97: {  	_ =	strace s4  }
0x98: {  	_ =	strace $0x8FFFFFFF  }
0x99: {  	s19 =	sld [smem:$0x3FDB];
	_ =	sdelay $0x1  }
0x9a: {  	s5 =	simm.s32 $_scs_section_size  }
0x9b: {  	s6 =	simm.s32 $_size__tile_overlayer_lowered;
	s7 =	simm.s32 $_tile_overlayer_lowered  }
0x9c: {  	s22 =	simm.s32 $0x1BFF;
	s21 =	sshll.u32 s7, $0x1;
	s4 =	sadd.s32 s5, s19  }
0x9d: {  	s8 =	simm.s32 $0x0;
	s20 =	sshll.u32 s6, $0x1;
	s6 =	sadd.s32 s21, s4  }
0x9e: {  	[timem:s8], [sflag:s22] =	dma.local [hbm:s6], s20  }
0x9f: {  	_ =	swait.ge [sflag:s22], s20  }
0xa0: {  	s5 =	ssub.s32 $0x0, s20;
	[sflag:s22] =	ssyncset.done $0x0  }
0xa1: {  	[sflag:s22] =	ssyncadd.s32 s5;
	_ =	sdelay $0x1  }
0xa2: {  	s23 =	simm.s32 $0x1B8B  }
0xa3: {  	_ =	swait.ge [sflag:s23], $0x1  }
0xa4: {  	[sflag:s23] =	ssyncset.done $0x0  }
0xa5: {  	s25 =	simm.s32 $0x1B8E;
	s24 =	sld [smem:$0x3FFE];
	[sflag:s23] =	ssyncadd.s32 $0xFFFFFFFF  }
0xa6: {  	s26 =	simm.s32 $execute0_lowered;
	[smem:$0x3FD2] =	sst s25  }
0xa7: {  	s6 =	sshll.u32 s26, $0x1;
	_ =	strace $0x80000046;
	[dreg:$0x1] =	wrdreg $0xFFFFFFFF  }
0xa8: {  	s28 =	simm.s32 $_size_execute0_lowered;
	s4 =	sadd.s32 s4, s6;
	[dreg:$0x0] =	wrdreg $0x0  }
0xa9: {  	s6 =	sshll.u32 s28, $0x1;
	[dreg:$0x2] =	wrdreg s4  }
0xaa: {  	[dreg:$0x3] =	wrdreg s6  }
0xab: {  	[dreg:$0x4] =	wrdreg $0xC0  }
0xac: {  	_ =	task [dreg:s8], $0x5FFFF  }
0xad: {  	[dreg:$0x1] =	wrdreg $0xFFFFFFFF  }
0xae: {  	[dreg:$0x0] =	wrdreg $0x60  }
0xaf: {  	[dreg:$0x2] =	wrdreg s2  }
0xb0: {  	[dreg:$0x3] =	wrdreg s18  }
0xb1: {  	[dreg:$0x4] =	wrdreg s24  }
0xb2: {  	[dreg:$0x5] =	wrdreg $0x9  }
0xb3: {  	_ =	task.clear_ibuf [dreg:s8], $0x6FFFF;
	_ =	strace $0x90000046  }
0xb4: {  	s29 =	simm.s32 $0x9;
	_ =	strace $0x80000048  }
0xb5: {  	_ =	swait.ge [sflag:s29], $0x1  }
0xb6: {  	[sflag:s29] =	ssyncadd.s32 $0xFFFFFFFF  }
0xb7: {  	_ =	strace $0x90000048  }
0xb8: {  	_ =	sfence  }
0xb9: {  	s30 =	sld [smem:$0x0];
	_ =	sdelay $0x2  }
0xba: {  	s31 =	sshll.u32 s1, $0xD;
	s1 =	sshrl.u32 s1, $0x2  }
0xbb: {  	s3 =	sand.u32 $0x4000, s31;
	s1 =	sadd.s32 s1, s30  }
0xbc: {  	s0 =	sor.u32 s3, s0;
	s1 =	sshll.u32 s1, $0x11  }
0xbd: {  	s0 =	sor.u32 s1, s0  }
0xbe: {  	s0 =	sadd.s32 $0x8F2B, s0  }
0xbf: {  	[sflag:s0] =	ssyncadd.remote.s32 $0x1  }
0xc0: {  	_ =	sfence.sel $0xFFFF  }
0xc1: {  	[dreg:$0x0] =	wrdreg $0xFFFFFFFF;
	(pc) =	sbr.abs _section_cstart, $3  }
0xc2: {  	[dreg:$0x1] =	wrdreg $0xFFFFFFFF  }
0xc3: {  	_ =	task.clear_ibuf [dreg:s8], $0x2FFFF;
	_ =	strace $0x9FFFFFFF  }
0xc4: {  	(tm) =	ssettm $0x7FFFFFFF  }
0xc5: {  	_ =	shalt  }
tec
execute0_lowered:
.L_overlay_start_1:
0x0: {  	(tag) =	ssettag $0x1  }
0x1: {  	s0 =	rddreg [dreg:$0x0]  }
0x2: {  	s1 =	rddreg [dreg:$0x1]  }
0x3: {  	s4 =	rddreg [dreg:$0x2]  }
0x4: {  	s2 =	simm.s32 $0x0;
	s3 =	srdreg.scid;
	s5 =	stileid.u32  }
0x5: {  	s14 =	simm.s32 $0x400;
	s15 =	simm.s32 $0x20000;
	s16 =	simm.s32 $0x6400  }
0x6: {  	s17 =	simm.s32 $0x1800;
	s18 =	simm.s32 $0x7C00;
	s19 =	simm.s32 $0x3000  }
0x7: {  	s20 =	simm.s32 $0x9400;
	s21 =	simm.s32 $0x4800;
	s22 =	simm.s32 $0xAC00  }
0x8: {  	s23 =	simm.s32 $0xC800;
	s24 =	simm.s32 $0x5;
	s25 =	simm.s32 $0x1  }
0x9: {  	s28 =	simm.s32 $0x3;
	s29 =	simm.s32 $0x4;
	s30 =	simm.s32 $0xC880  }
0xa: {  	[smem:$0x7FF] =	sst s2;
	s3 =	sand.u32 $0x1, s3;
	s5 =	sshll.u32 s5, $0x1  }
0xb: {  	s31 =	simm.s32 $0x0;
	_ =	strace $0x80000047;
	s5 =	sor.u32 s3, s5  }
0xc: {  	s6 =	ssub.s32 $0x2, s3;
	s3 =	sadd.s32 $0x800, s4;
	s7 =	sshll.u32 s5, $0x4  }
0xd: {  	s8 =	sshrl.u32 s6, $0x1;
	s10 =	sshll.u32 s5, $0x7;
	s12 =	sadd.s32 s7, s4  }
0xe: {  	s13 =	ssub.s32 s6, s8;
	s4 =	sadd.s32 s0, s10;
	s5 =	sadd.s32 s1, s10  }
0xf: {  	s26 =	sor.u32 $0x18000, s10;
	s9 =	sor.u32 $0x30000, s10;
	s11 =	sor.u32 $0x48000, s10  }
0x10: {  	s6 =	sadd.s32 s0, s26;
	s7 =	sadd.s32 s1, s26;
	s8 =	sadd.s32 s0, s9  }
0x11: {  	s9 =	sadd.s32 s1, s9;
	s10 =	sadd.s32 s0, s11;
	s11 =	sadd.s32 s1, s11  }
0x12: {  	v0 =	vimm.s32 $0x0;
	s12 =	sadd.s32 $0xA00, s12;
	s13 =	smax.u32 s13, $0x1;
	s26 =	simm.s32 $0x2  }
.LBB2_1:
0x13: {  	[tilespmem:s2], [sflag:$0x1] =	stream.strided.gather [hbm4b:s4+s14], $0x1800, s15, s14, $0x38;
	[tilespmem:$0xC900] =	vst v63  }
0x14: {  	_ = 	snop  }
0x15: {  	[tilespmem:s16], [sflag:$0x1] =	stream.strided.gather [hbm4b:s5+s14], $0x1800, s15, s14, $0x38;
	[tilespmem:$0xC900] =	vst v63  }
0x16: {  	_ = 	snop  }
0x17: {  	[tilespmem:s17], [sflag:$0x2] =	stream.strided.gather [hbm4b:s6+s14], $0x1800, s15, s14, $0x38;
	[tilespmem:$0xC900] =	vst v63  }
0x18: {  	_ = 	snop  }
0x19: {  	[tilespmem:s18], [sflag:$0x2] =	stream.strided.gather [hbm4b:s7+s14], $0x1800, s15, s14, $0x38;
	[tilespmem:$0xC900] =	vst v63  }
0x1a: {  	_ = 	snop  }
0x1b: {  	[tilespmem:s19], [sflag:$0x3] =	stream.strided.gather [hbm4b:s8+s14], $0x1800, s15, s14, $0x38;
	[tilespmem:$0xC900] =	vst v63  }
0x1c: {  	_ = 	snop  }
0x1d: {  	[tilespmem:s20], [sflag:$0x3] =	stream.strided.gather [hbm4b:s9+s14], $0x1800, s15, s14, $0x38;
	[tilespmem:$0xC900] =	vst v63  }
0x1e: {  	_ = 	snop  }
0x1f: {  	[tilespmem:s21], [sflag:$0x4] =	stream.strided.gather [hbm4b:s10+s14], $0x1C00, s15, s14, $0x38;
	[tilespmem:$0xC900] =	vst v63  }
0x20: {  	_ = 	snop  }
0x21: {  	[tilespmem:s22], [sflag:$0x4] =	stream.strided.gather [hbm4b:s11+s14], $0x1C00, s15, s14, $0x38;
	[tilespmem:$0xC900] =	vst v63  }
0x22: {  	_ = 	snop  }
0x23: {  	[tilespmem:s23], [sflag:$0x5] =	stream.linear.gather [hbm4b:s3+s2], $0x80, $0x38;
	[tilespmem:$0xC900] =	vst v63  }
0x24: {  	_ =	swait.ge [sflag:s24], $0x80  }
0x25: {  	[sflag:s24] =	ssyncset.done $0x0  }
0x26: {  	[sflag:s24] =	ssyncadd.s32 $0xFFFFFF80  }
0x27: {  	v1 =	vld [tilespmem:$0xC800];
	_ =	swait.ge [sflag:s25], $0x1800  }
0x28: {  	[sflag:s25] =	ssyncset.done $0x0  }
0x29: {  	[sflag:s25] =	ssyncadd.s32 $0xFFFFE800  }
0x2a: {  	_ =	swait.ge [sflag:s25], $0x1800  }
0x2b: {  	[sflag:s25] =	ssyncset.done $0x0  }
0x2c: {  	s1 =	simm.s32 $0xF0;
	[sflag:s25] =	ssyncadd.s32 $0xFFFFE800  }
0x2d: {  	v6 =	vld [tilespmem:s1+$0xFFFFFFC0]  }
0x2e: {  	v2 =	vld [tilespmem:s1+$0x63D0]  }
0x2f: {  	v4 =	vld [tilespmem:s1+$0xFFFFFF90]  }
0x30: {  	v7 =	vld [tilespmem:s1+$0xFFFFFF50]  }
0x31: {  	v9 =	vld [tilespmem:s1+$0x6390]  }
0x32: {  	v10 =	vld [tilespmem:s1+$0xFFFFFFA0]  }
0x33: {  	v11 =	vld [tilespmem:s1+$0x6360]  }
0x34: {  	v12 =	vld [tilespmem:s1+$0x6350]  }
0x35: {  	v13 =	vld [tilespmem:s1+$0x63E0]  }
0x36: {  	v15 =	vld [tilespmem:s1+$0x63A0]  }
0x37: {  	v16 =	vld [tilespmem:s1+$0x63F0]  }
0x38: {  	v17 =	vld [tilespmem:s1+$0x6380]  }
0x39: {  	v18 =	vld [tilespmem:s1+$0x6370]  }
0x3a: {  	v19 =	vld [tilespmem:s1+$0x6330]  }
0x3b: {  	v21 =	vld [tilespmem:s1+$0x63C0]  }
0x3c: {  	v5 =	vimm.f32 $0.0e+00;
	v23 =	vld [tilespmem:s1+$0x6310];
	vm0 =	vgt.f32 v2, v1  }
0x3d: {  	v26 =	vld [tilespmem:s1+$0x6400];
	vm1 =	vgt.f32 v9, v1;
	v22 =	vsub.f32 v9, v4;
	vm6 =	vgt.f32 v12, v1  }
0x3e: {  	v30 =	vld [tilespmem:s1+$0x6320];
	v7 =	vsub.f32 v12, v7;
	vm2 =	vgt.f32 v13, v1;
	vm5 =	vgt.f32 v11, v1  }
0x3f: {  	v56 =	vld [tilespmem:s1+$0xFFFFFF30];
	vm3 =	vgt.f32 v15, v1;
	v10 =	vsub.f32 v15, v10;
	vm4 =	vgt.f32 v16, v1  }
0x40: {  	vm8 =	vgt.f32 v18, v1;
	vm9 =	vgt.f32 v17, v1;
	v14 =	vnsel vm0, $0x7F800000, v2  }
0x41: {  	v8 =	vld [tilespmem:s1+$0xFFFFFFE0];
	vm10 =	vgt.f32 v19, v1;
	v4 =	vnsel vm1, $0x7F800000, v9;
	(erf) = vrcp.f32 v14  }
0x42: {  	v6 =	vsub.f32 v21, v6;
	v12 =	vnsel vm6, $0x7F800000, v12;
	v14 =	vld [tilespmem:s1+$0x63B0];
	(erf) = vrcp.f32 v4  }
0x43: {  	vm7 =	vgt.f32 v23, v1;
	vm13 =	vgt.f32 v21, v1;
	(erf) = vrcp.f32 v12  }
0x44: {  	vm14 =	vgt.f32 v26, v1;
	vm15 =	vgt.f32 v30, v1;
	v59 =	vsub.f32 v19, v56  }
0x45: {  	v9 =	vsel vm1, $0x1, v0;
	v15 =	vnsel vm3, $0x7F800000, v15;
	v25 =	vsel vm6, $0x1, v0  }
0x46: {  	v35 =	vld [tilespmem:s1+$0xFFFFFF10];
	v24 =	vnsel vm4, $0x7F800000, v16;
	v27 =	vsel vm8, $0x1, v0;
	v29 =	vsel vm9, $0x1, v0  }
0x47: {  	v3 =	vld [tilespmem:s1+$0xFFFFFFB0];
	v4 =	vsub.f32 v13, v8;
	v8 =	vnsel vm5, $0x7F800000, v11;
	vm1 =	vgt.f32 v14, v1  }
0x48: {  	v61 =	vld [tilespmem:s1+$0x0];
	v31 =	vnsel vm10, $0x7F800000, v19;
	(erf) = vrcp.f32 v8;
	v20 =	vnsel vm1, $0x7F800000, v14  }
0x49: {  	v32 =	vnsel vm9, $0x7F800000, v17;
	v36 =	vsel vm5, $0x1, v0;
	(erf) = vrcp.f32 v20;
	v20 =	vld [tilespmem:s1+$0xFFFFFF60]  }
0x4a: {  	v37 =	vsel vm13, $0x1, v0;
	v38 =	vnsel vm7, $0x7F800000, v23;
	v41 =	vnsel vm14, $0x7F800000, v26;
	v12 =	vld [tilespmem:s1+$0x6340];
	v8 =	vpop (erf)  }
0x4b: {  	v23 =	vsub.f32 v23, v35;
	v57 =	vsel vm7, $0x1, v0;
	(erf) = vrcp.f32 v15;
	v34 =	vpop (erf)  }
0x4c: {  	v60 =	vsel vm2, $0x1, v0;
	v19 =	vsel vm3, $0x1, v0;
	v3 =	vsub.f32 v14, v3;
	v14 =	vpop (erf)  }
0x4d: {  	v33 =	vld [tilespmem:s1+$0xFFFFFFF0];
	(erf) = vrcp.f32 v24;
	v39 =	vmul.f32 v14, v7;
	v14 =	vnsel vm8, $0x7F800000, v18  }
0x4e: {  	v35 =	vsub.f32 v26, v61;
	v11 =	vsub.f32 v11, v20;
	v20 =	vld [tilespmem:s1+$0xFFFFFF40];
	(erf) = vrcp.f32 v14  }
0x4f: {  	v26 =	vsel vm14, $0x1, v0;
	v13 =	vnsel vm2, $0x7F800000, v13;
	vm12 =	vgt.f32 v12, v1;
	v7 =	vld [tilespmem:s1+$0xFFFFFF70]  }
0x50: {  	v28 =	vnsel vm12, $0x7F800000, v12;
	v24 =	vnsel vm13, $0x7F800000, v21;
	v21 =	vsel vm15, $0x1, v0  }
0x51: {  	v40 =	vld [tilespmem:s1+$0xFFFFFF80];
	v15 =	vsel vm10, $0x1, v0;
	v21 =	vadd.s32 v21, v0;
	(erf) = vrcp.f32 v28  }
0x52: {  	v42 =	vpop (erf);
	v14 =	vsub.f32 v16, v33;
	v16 =	vnsel vm15, $0x7F800000, v30;
	(erf) = vrcp.f32 v38  }
0x53: {  	v28 =	vpop (erf);
	(erf) = vrcp.f32 v31;
	v20 =	vsub.f32 v12, v20;
	v12 =	vsel vm12, $0x1, v0  }
0x54: {  	v31 =	vpop (erf);
	(erf) = vrcp.f32 v32;
	v7 =	vsub.f32 v18, v7;
	v18 =	vadd.s32 v15, v0  }
0x55: {  	v58 =	vadd.s32 v12, v0;
	v12 =	vmul.f32 v31, v10;
	v10 =	vadd.s32 v57, v0  }
0x56: {  	v62 =	vld [tilespmem:s1+$0xFFFFFF20];
	v31 =	vsub.f32 v17, v40;
	(erf) = vrcp.f32 v41;
	v15 =	vpop (erf);
	v17 =	vmul.f32 v28, v3  }
0x57: {  	v3 =	vadd.s32 v36, v21;
	(erf) = vrcp.f32 v16;
	v16 =	vadd.s32 v27, v18;
	v21 =	vpop (erf)  }
0x58: {  	v3 =	vadd.s32 v19, v3;
	v21 =	vmul.f32 v21, v7;
	v7 =	vsel vm1, $0x1, v0  }
0x59: {  	v28 =	vmul.f32 v34, v22;
	v19 =	vmul.f32 v42, v11;
	v11 =	vadd.s32 v7, v16  }
0x5a: {  	v29 =	vadd.s32 v29, v58;
	v18 =	vsel vm4, $0x1, v0;
	v10 =	vadd.s32 v25, v10;
	v27 =	vpop (erf)  }
0x5b: {  	(erf) = vrcp.f32 v24;
	v24 =	vsub.f32 v30, v62;
	v7 =	vadd.s32 v60, v3;
	v3 =	vpop (erf)  }
0x5c: {  	(erf) = vrcp.f32 v13;
	v63 =	vmul.f32 v3, v23;
	v3 =	vadd.s32 v18, v11;
	v11 =	vpop (erf)  }
0x5d: {  	v16 =	vadd.s32 v9, v10;
	v23 =	vmul.f32 v27, v20;
	v27 =	vld [tilespmem:s1+$0xFFFFFFD0];
	v11 =	vmul.f32 v11, v59  }
0x5e: {  	v10 =	vimm.f32 $0.0e+00;
	v18 =	vand.u32 $0x7FFFFFFF, v39;
	v25 =	vand.u32 $0x7FFFFFFF, v63;
	v13 =	vpop (erf)  }
0x5f: {  	v20 =	vmul.f32 v13, v31;
	v9 =	vpop (erf);
	v13 =	vadd.s32 v37, v29;
	v30 =	vand.u32 $0x7FFFFFFF, v11  }
0x60: {  	s0 =	simm.s32 $0x7C0;
	v22 =	vmul.f32 v9, v35;
	v29 =	vpop (erf);
	v11 =	vimm.f32 $0.0e+00;
	v9 =	vimm.f32 $0.0e+00  }
.LBB2_2:
0x61: {  	s1 =	sshra.s32 s0, $0x2;
	p0 =	sne.s32 s0, $0x5FC0;
	s0 =	sadd.s32 $0x400, s0;
	v31 =	vand.u32 $0x7FFFFFFF, v19;
	v28 =	vand.u32 $0x7FFFFFFF, v28;
	v32 =	vsel vm0, $0x1, v0  }
0x62: {  	v5 =	vadd.f32 v30, v5;
	v14 =	vmul.f32 v15, v14;
	v19 =	vld [tilespmem:s1+$0xFFFFFFB0];
	v27 =	vsub.f32 v2, v27  }
0x63: {  	v24 =	vmul.f32 v29, v24;
	v21 =	vand.u32 $0x7FFFFFFF, v21;
	v15 =	vadd.s32 v26, v13;
	v30 =	vld [tilespmem:s1+$0xFFFFFFC0]  }
0x64: {  	v13 =	vand.u32 $0x7FFFFFFF, v17;
	v5 =	vadd.f32 v21, v5;
	v2 =	vld [tilespmem:s1+$0x63D0];
	v8 =	vmul.f32 v8, v27;
	v17 =	vpop (erf)  }
0x65: {  	v11 =	vadd.f32 v25, v11;
	v23 =	vand.u32 $0x7FFFFFFF, v23;
	v24 =	vand.u32 $0x7FFFFFFF, v24;
	v21 =	vld [tilespmem:s1+$0xFFFFFF90];
	v25 =	vpop (erf)  }
0x66: {  	v12 =	vand.u32 $0x7FFFFFFF, v12;
	v14 =	vand.u32 $0x7FFFFFFF, v14;
	v10 =	vadd.f32 v24, v10;
	v26 =	vld [tilespmem:s1+$0xFFFFFF50]  }
0x67: {  	v6 =	vmul.f32 v17, v6;
	v17 =	vadd.s32 v32, v16;
	v4 =	vmul.f32 v25, v4;
	v24 =	vld [tilespmem:s1+$0xFFFFFFE0]  }
0x68: {  	v22 =	vand.u32 $0x7FFFFFFF, v22;
	v5 =	vadd.f32 v13, v5;
	v10 =	vadd.f32 v31, v10;
	v16 =	vld [tilespmem:s1+$0x6390]  }
0x69: {  	v11 =	vadd.f32 v18, v11;
	v13 =	vand.u32 $0x7FFFFFFF, v20;
	v8 =	vand.u32 $0x7FFFFFFF, v8;
	v25 =	vld [tilespmem:s1+$0xFFFFFFA0]  }
0x6a: {  	v9 =	vadd.f32 v23, v9;
	v10 =	vadd.f32 v12, v10;
	vm0 =	vgt.f32 v2, v1;
	v20 =	vld [tilespmem:s1+$0x6360]  }
0x6b: {  	v6 =	vand.u32 $0x7FFFFFFF, v6;
	v4 =	vand.u32 $0x7FFFFFFF, v4;
	v18 =	vnsel vm0, $0x7F800000, v2;
	v12 =	vld [tilespmem:s1+$0x6350]  }
0x6c: {  	v9 =	vadd.f32 v13, v9;
	v10 =	vadd.f32 v4, v10;
	v23 =	vld [tilespmem:s1+$0x63E0];
	(erf) = vrcp.f32 v18  }
0x6d: {  	v4 =	vadd.f32 v28, v11;
	vm1 =	vgt.f32 v16, v1;
	v13 =	vsub.f32 v16, v21;
	v21 =	vld [tilespmem:s1+$0x63A0]  }
0x6e: {  	v6 =	vadd.f32 v6, v9;
	v11 =	vnsel vm1, $0x7F800000, v16;
	v16 =	vsel vm1, $0x1, v0;
	v27 =	vld [tilespmem:s1+$0x63B0]  }
0x6f: {  	v5 =	vadd.f32 v14, v5;
	v28 =	vld [tilespmem:s1+$0x63F0];
	(erf) = vrcp.f32 v11;
	v11 =	vadd.f32 v8, v4  }
0x70: {  	v9 =	vadd.f32 v22, v6;
	vm6 =	vgt.f32 v12, v1;
	v14 =	vsub.f32 v12, v26;
	v18 =	vld [tilespmem:s1+$0x6400]  }
0x71: {  	v6 =	vnsel vm6, $0x7F800000, v12;
	v22 =	vld [tilespmem:s1+$0x6380];
	vm3 =	vgt.f32 v23, v1;
	v4 =	vsub.f32 v23, v24  }
0x72: {  	vm5 =	vgt.f32 v20, v1;
	v24 =	vld [tilespmem:s1+$0x6370];
	vm2 =	vgt.f32 v21, v1;
	(erf) = vrcp.f32 v6  }
0x73: {  	v6 =	vnsel vm5, $0x7F800000, v20;
	v25 =	vsub.f32 v21, v25;
	v12 =	vld [tilespmem:s1+$0x6340];
	vm1 =	vgt.f32 v27, v1  }
0x74: {  	v23 =	vnsel vm3, $0x7F800000, v23;
	v21 =	vnsel vm2, $0x7F800000, v21;
	v26 =	vld [tilespmem:s1+$0x6330];
	v29 =	vnsel vm1, $0x7F800000, v27  }
0x75: {  	vm4 =	vgt.f32 v28, v1;
	v31 =	vld [tilespmem:s1+$0x63C0];
	(erf) = vrcp.f32 v6;
	v8 =	vpop (erf)  }
0x76: {  	v33 =	vsel vm6, $0x1, v0;
	v32 =	vld [tilespmem:s1+$0x6310];
	(erf) = vrcp.f32 v29  }
0x77: {  	v34 =	vnsel vm4, $0x7F800000, v28;
	v29 =	vld [tilespmem:s1+$0xFFFFFF60];
	vm8 =	vgt.f32 v24, v1  }
0x78: {  	vm9 =	vgt.f32 v22, v1;
	vm6 =	vgt.f32 v12, v1;
	v35 =	vsel vm8, $0x1, v0;
	v36 =	vpop (erf)  }
0x79: {  	v38 =	vsel vm9, $0x1, v0;
	vm10 =	vgt.f32 v26, v1;
	v37 =	vnsel vm6, $0x7F800000, v12  }
0x7a: {  	v39 =	vld [tilespmem:s1+$0x6320];
	v40 =	vnsel vm10, $0x7F800000, v26;
	v6 =	vsub.f32 v31, v30;
	(erf) = vrcp.f32 v21  }
0x7b: {  	v21 =	vsel vm10, $0x1, v0;
	v30 =	vnsel vm9, $0x7F800000, v22;
	vm7 =	vgt.f32 v32, v1;
	v41 =	vld [tilespmem:s1+$0xFFFFFFF0];
	v42 =	vpop (erf)  }
0x7c: {  	v19 =	vsub.f32 v27, v19;
	vm9 =	vgt.f32 v31, v1;
	v43 =	vld [tilespmem:s1+$0xFFFFFF10];
	v20 =	vsub.f32 v20, v29  }
0x7d: {  	v44 =	vsel vm9, $0x1, v0;
	v29 =	vsel vm5, $0x1, v0;
	vm5 =	vgt.f32 v18, v1;
	v27 =	vld [tilespmem:s1+$0xFFFFFF40]  }
0x7e: {  	v45 =	vnsel vm7, $0x7F800000, v32;
	v42 =	vmul.f32 v42, v14;
	v46 =	vpop (erf);
	(erf) = vrcp.f32 v34  }
0x7f: {  	v31 =	vnsel vm9, $0x7F800000, v31;
	v14 =	vnsel vm8, $0x7F800000, v24;
	vm10 =	vgt.f32 v39, v1;
	v34 =	vld [tilespmem:s1+$0xFFFFFF70];
	v47 =	vpop (erf)  }
0x80: {  	v50 =	vnsel vm5, $0x7F800000, v18;
	v48 =	vsel vm10, $0x1, v0;
	v49 =	vld [tilespmem:s1+$0xFFFFFF80];
	(erf) = vrcp.f32 v14  }
0x81: {  	v32 =	vsub.f32 v32, v43;
	v7 =	vadd.s32 v48, v7;
	v43 =	vld [tilespmem:s1+$0xFFFFFF30];
	(erf) = vrcp.f32 v37  }
0x82: {  	v14 =	vsub.f32 v28, v41;
	v37 =	vsub.f32 v12, v27;
	(erf) = vrcp.f32 v45  }
0x83: {  	v27 =	vnsel vm10, $0x7F800000, v39;
	v12 =	vsel vm6, $0x1, v0;
	(erf) = vrcp.f32 v40;
	v28 =	vpop (erf)  }
0x84: {  	v40 =	vsel vm7, $0x1, v0;
	v15 =	vadd.s32 v12, v15;
	v12 =	vmul.f32 v28, v25  }
0x85: {  	v25 =	vadd.s32 v40, v17;
	v22 =	vsub.f32 v22, v49;
	(erf) = vrcp.f32 v30  }
0x86: {  	v24 =	vsub.f32 v24, v34;
	v26 =	vsub.f32 v26, v43;
	(erf) = vrcp.f32 v50  }
0x87: {  	v3 =	vadd.s32 v21, v3;
	v28 =	vsel vm3, $0x1, v0;
	v30 =	vadd.s32 v38, v15;
	v34 =	vld [tilespmem:s1+$0x0];
	v15 =	vpop (erf)  }
0x88: {  	v40 =	vsel vm2, $0x1, v0;
	v17 =	vmul.f32 v47, v19;
	v38 =	vld [tilespmem:s1+$0xFFFFFF20];
	(erf) = vrcp.f32 v27  }
0x89: {  	v3 =	vadd.s32 v35, v3;
	v7 =	vadd.s32 v29, v7;
	v27 =	vsel vm4, $0x1, v0;
	v19 =	vpop (erf)  }
0x8a: {  	v7 =	vadd.s32 v40, v7;
	v21 =	vmul.f32 v19, v24;
	v24 =	vsel vm1, $0x1, v0;
	v29 =	vpop (erf)  }
0x8b: {  	v7 =	vadd.s32 v28, v7;
	v19 =	vmul.f32 v46, v20;
	v3 =	vadd.s32 v24, v3;
	v20 =	vpop (erf)  }
0x8c: {  	v32 =	vmul.f32 v20, v32;
	v3 =	vadd.s32 v27, v3;
	v20 =	vpop (erf);
	(erf) = vrcp.f32 v31  }
.Ltmp0:
0x8d: {  	v31 =	vsub.f32 v18, v34;
	v24 =	vsub.f32 v39, v38;
	(erf) = vrcp.f32 v23;
	(pc) =	sbr.rel @p0 .LBB2_2-.Ltmp0, $4  }
0x8e: {  	v25 =	vadd.s32 v33, v25;
	v18 =	vand.u32 $0x7FFFFFFF, v42;
	v34 =	vmul.f32 v20, v26;
	v27 =	vld [tilespmem:s1+$0xFFFFFFD0];
	v20 =	vpop (erf)  }
0x8f: {  	v16 =	vadd.s32 v16, v25;
	v23 =	vmul.f32 v29, v37;
	v20 =	vmul.f32 v20, v22;
	v22 =	vpop (erf)  }
0x90: {  	v28 =	vmul.f32 v36, v13;
	v13 =	vadd.s32 v44, v30;
	v26 =	vsel vm5, $0x1, v0  }
0x91: {  	v25 =	vand.u32 $0x7FFFFFFF, v32;
	v30 =	vand.u32 $0x7FFFFFFF, v34;
	v22 =	vmul.f32 v22, v31;
	v29 =	vpop (erf)  }
0x92: {  	_ =	sdelay $0x2  }
0x93: {  	v31 =	vpop (erf)  }
0x94: {  	v32 =	vpop (erf)  }
0x95: {  	_ =	swait.ge [sflag:s26], $0x1800  }
0x96: {  	[sflag:s26] =	ssyncset.done $0x0  }
0x97: {  	[sflag:s26] =	ssyncadd.s32 $0xFFFFE800  }
0x98: {  	_ =	swait.ge [sflag:s26], $0x1800  }
0x99: {  	[sflag:s26] =	ssyncset.done $0x0  }
0x9a: {  	s1 =	simm.s32 $0x0;
	v5 =	vadd.f32 v30, v5;
	v27 =	vsub.f32 v2, v27;
	v2 =	vmul.f32 v29, v24;
	[sflag:s26] =	ssyncadd.s32 $0xFFFFE800  }
0x9b: {  	v14 =	vmul.f32 v15, v14;
	v15 =	vand.u32 $0x7FFFFFFF, v21;
	v24 =	vld [tilespmem:s1+$0x18A0]  }
0x9c: {  	v5 =	vadd.f32 v15, v5;
	v15 =	vand.u32 $0x7FFFFFFF, v17;
	v17 =	vand.u32 $0x7FFFFFFF, v2;
	v2 =	vld [tilespmem:s1+$0x7CC0]  }
0x9d: {  	v19 =	vand.u32 $0x7FFFFFFF, v19;
	v10 =	vadd.f32 v17, v10;
	v17 =	vld [tilespmem:s1+$0x1880]  }
0x9e: {  	v11 =	vadd.f32 v25, v11;
	v23 =	vand.u32 $0x7FFFFFFF, v23;
	v15 =	vadd.f32 v15, v5;
	v25 =	vld [tilespmem:s1+$0x1840]  }
0x9f: {  	v28 =	vand.u32 $0x7FFFFFFF, v28;
	v5 =	vadd.f32 v23, v9;
	v10 =	vadd.f32 v19, v10;
	v23 =	vld [tilespmem:s1+$0x7C80]  }
0xa0: {  	v12 =	vand.u32 $0x7FFFFFFF, v12;
	v9 =	vadd.f32 v18, v11;
	v4 =	vmul.f32 v32, v4;
	v18 =	vld [tilespmem:s1+$0x1890]  }
0xa1: {  	v6 =	vmul.f32 v31, v6;
	v11 =	vand.u32 $0x7FFFFFFF, v20;
	v10 =	vadd.f32 v12, v10;
	v12 =	vld [tilespmem:s1+$0x7C50]  }
0xa2: {  	v8 =	vmul.f32 v8, v27;
	v11 =	vadd.f32 v11, v5;
	v4 =	vand.u32 $0x7FFFFFFF, v4;
	v20 =	vld [tilespmem:s1+$0x7C40]  }
0xa3: {  	v6 =	vand.u32 $0x7FFFFFFF, v6;
	v9 =	vadd.f32 v28, v9;
	v5 =	vadd.f32 v4, v10;
	v10 =	vld [tilespmem:s1+$0x7CD0]  }
0xa4: {  	v14 =	vand.u32 $0x7FFFFFFF, v14;
	v8 =	vand.u32 $0x7FFFFFFF, v8;
	v4 =	vadd.f32 v6, v11;
	v11 =	vld [tilespmem:s1+$0x7C90]  }
0xa5: {  	v6 =	vadd.f32 v8, v9;
	v9 =	vadd.f32 v14, v15;
	v14 =	vld [tilespmem:s1+$0x7CA0]  }
0xa6: {  	v15 =	vld [tilespmem:s1+$0x7CE0]  }
0xa7: {  	v33 =	vsel vm0, $0x1, v0;
	v13 =	vadd.s32 v26, v13;
	v22 =	vand.u32 $0x7FFFFFFF, v22;
	v27 =	vld [tilespmem:s1+$0x7C20]  }
0xa8: {  	v16 =	vadd.s32 v33, v16;
	v30 =	vld [tilespmem:s1+$0x7CB0];
	v4 =	vadd.f32 v22, v4;
	vm0 =	vgt.f32 v2, v1  }
0xa9: {  	v52 =	vld [tilespmem:s1+$0x7CF0];
	vm1 =	vgt.f32 v23, v1;
	v22 =	vsub.f32 v23, v17;
	vm6 =	vgt.f32 v20, v1  }
0xaa: {  	v37 =	vld [tilespmem:s1+$0x7C10];
	v17 =	vsub.f32 v20, v25;
	vm2 =	vgt.f32 v10, v1;
	vm5 =	vgt.f32 v12, v1  }
0xab: {  	vm3 =	vgt.f32 v11, v1;
	v18 =	vsub.f32 v11, v18;
	vm4 =	vgt.f32 v15, v1  }
0xac: {  	vm10 =	vgt.f32 v27, v1;
	v24 =	vsub.f32 v14, v24;
	v8 =	vnsel vm0, $0x7F800000, v2  }
0xad: {  	v19 =	vld [tilespmem:s1+$0x18D0];
	vm13 =	vgt.f32 v30, v1;
	(erf) = vrcp.f32 v8;
	v8 =	vnsel vm1, $0x7F800000, v23  }
0xae: {  	vm14 =	vgt.f32 v52, v1;
	v20 =	vnsel vm6, $0x7F800000, v20;
	(erf) = vrcp.f32 v8  }
0xaf: {  	vm15 =	vgt.f32 v37, v1;
	v26 =	vsel vm1, $0x1, v0;
	(erf) = vrcp.f32 v20  }
0xb0: {  	v25 =	vnsel vm5, $0x7F800000, v12;
	v11 =	vnsel vm3, $0x7F800000, v11;
	v29 =	vnsel vm2, $0x7F800000, v10  }
0xb1: {  	v21 =	vld [tilespmem:s1+$0x18B0];
	v31 =	vsel vm6, $0x1, v0;
	v51 =	vnsel vm4, $0x7F800000, v15;
	vm1 =	vgt.f32 v14, v1  }
0xb2: {  	v8 =	vsub.f32 v10, v19;
	v19 =	vld [tilespmem:s1+$0x7C60];
	v28 =	vnsel vm1, $0x7F800000, v14;
	(erf) = vrcp.f32 v25  }
0xb3: {  	v38 =	vnsel vm10, $0x7F800000, v27;
	v43 =	vsel vm5, $0x1, v0;
	(erf) = vrcp.f32 v28;
	v28 =	vld [tilespmem:s1+$0x1850]  }
0xb4: {  	v44 =	vsel vm13, $0x1, v0;
	v53 =	vsel vm15, $0x1, v0;
	v48 =	vnsel vm14, $0x7F800000, v52;
	v20 =	vld [tilespmem:s1+$0x7C30]  }
0xb5: {  	v56 =	vnsel vm15, $0x7F800000, v37;
	v60 =	vsel vm3, $0x1, v0;
	v25 =	vld [tilespmem:s1+$0x7C00];
	(erf) = vrcp.f32 v11  }
0xb6: {  	v40 =	vld [tilespmem:s1+$0x18E0];
	v7 =	vadd.s32 v53, v7;
	v10 =	vsub.f32 v30, v21;
	v21 =	vsel vm10, $0x1, v0;
	v11 =	vpop (erf)  }
0xb7: {  	v23 =	vld [tilespmem:s1+$0x7C70];
	v30 =	vnsel vm13, $0x7F800000, v30;
	v7 =	vadd.s32 v43, v7;
	v61 =	vsel vm1, $0x1, v0;
	v41 =	vpop (erf)  }
0xb8: {  	v47 =	vld [tilespmem:s1+$0x1870];
	vm8 =	vgt.f32 v19, v1;
	(erf) = vrcp.f32 v51;
	v28 =	vsub.f32 v12, v28;
	v12 =	vpop (erf)  }
0xb9: {  	v14 =	vld [tilespmem:s1+$0x1830];
	vm12 =	vgt.f32 v20, v1;
	v46 =	vmul.f32 v12, v17;
	v12 =	vnsel vm8, $0x7F800000, v19  }
0xba: {  	v35 =	vnsel vm12, $0x7F800000, v20;
	vm7 =	vgt.f32 v25, v1;
	(erf) = vrcp.f32 v12  }
0xbb: {  	v3 =	vadd.s32 v21, v3;
	v45 =	vnsel vm7, $0x7F800000, v25;
	(erf) = vrcp.f32 v35  }
0xbc: {  	v7 =	vadd.s32 v60, v7;
	vm9 =	vgt.f32 v23, v1;
	v49 =	vpop (erf);
	(erf) = vrcp.f32 v45  }
0xbd: {  	v54 =	vld [tilespmem:s1+$0x1820];
	v58 =	vsub.f32 v23, v47;
	v39 =	vnsel vm9, $0x7F800000, v23;
	v55 =	vpop (erf);
	(erf) = vrcp.f32 v38  }
0xbe: {  	v42 =	vld [tilespmem:s1+$0x1800];
	v20 =	vsub.f32 v20, v14;
	v14 =	vsub.f32 v15, v40;
	v15 =	vpop (erf);
	(erf) = vrcp.f32 v39  }
0xbf: {  	v36 =	vsel vm9, $0x1, v0;
	v23 =	vsel vm2, $0x1, v0;
	v34 =	vsel vm8, $0x1, v0  }
0xc0: {  	v7 =	vadd.s32 v23, v7;
	v57 =	vsel vm7, $0x1, v0;
	v17 =	vld [tilespmem:s1+$0x1860];
	v12 =	vsel vm12, $0x1, v0  }
0xc1: {  	v16 =	vadd.s32 v57, v16;
	v13 =	vadd.s32 v12, v13;
	(erf) = vrcp.f32 v48  }
0xc2: {  	v12 =	vmul.f32 v15, v18;
	v18 =	vsub.f32 v27, v54;
	v27 =	vld [tilespmem:s1+$0x18F0];
	v15 =	vpop (erf);
	(erf) = vrcp.f32 v56  }
0xc3: {  	v3 =	vadd.s32 v34, v3;
	v25 =	vsub.f32 v25, v42;
	v16 =	vadd.s32 v31, v16;
	v21 =	vpop (erf)  }
0xc4: {  	v59 =	vld [tilespmem:s1+$0x1810];
	v3 =	vadd.s32 v61, v3;
	v16 =	vadd.s32 v26, v16;
	v26 =	vsel vm14, $0x1, v0;
	v62 =	vpop (erf)  }
0xc5: {  	v13 =	vadd.s32 v36, v13;
	v19 =	vsub.f32 v19, v17;
	v17 =	vmul.f32 v55, v24;
	v23 =	vpop (erf)  }
0xc6: {  	v13 =	vadd.s32 v44, v13;
	(erf) = vrcp.f32 v30;
	v25 =	vmul.f32 v23, v25;
	v23 =	vpop (erf)  }
0xc7: {  	v63 =	vsub.f32 v52, v27;
	(erf) = vrcp.f32 v29;
	v29 =	vmul.f32 v23, v18;
	v27 =	vpop (erf)  }
0xc8: {  	v24 =	vsel vm4, $0x1, v0;
	v23 =	vmul.f32 v62, v20;
	v20 =	vmul.f32 v27, v58;
	v27 =	vld [tilespmem:s1+$0x18C0]  }
0xc9: {  	v3 =	vadd.s32 v24, v3;
	v24 =	vsub.f32 v37, v59;
	v21 =	vmul.f32 v21, v19  }
0xca: {  	v19 =	vmul.f32 v49, v28;
	v28 =	vmul.f32 v41, v22;
	v18 =	vand.u32 $0x7FFFFFFF, v46;
	v31 =	vpop (erf)  }
0xcb: {  	s0 =	simm.s32 $0x400;
	v25 =	vand.u32 $0x7FFFFFFF, v25;
	v30 =	vand.u32 $0x7FFFFFFF, v29;
	v22 =	vmul.f32 v31, v63;
	v29 =	vpop (erf)  }
.LBB2_4:
0xcc: {  	s1 =	sshra.s32 s0, $0x2;
	p0 =	sne.s32 s0, $0x5C00;
	s0 =	sadd.s32 $0x400, s0;
	v31 =	vand.u32 $0x7FFFFFFF, v19;
	v28 =	vand.u32 $0x7FFFFFFF, v28;
	v32 =	vsel vm0, $0x1, v0  }
0xcd: {  	v9 =	vadd.f32 v30, v9;
	v14 =	vmul.f32 v15, v14;
	v19 =	vld [tilespmem:s1+$0x18A0];
	v27 =	vsub.f32 v2, v27  }
0xce: {  	v24 =	vmul.f32 v29, v24;
	v21 =	vand.u32 $0x7FFFFFFF, v21;
	v15 =	vadd.s32 v26, v13;
	v30 =	vld [tilespmem:s1+$0x18B0]  }
0xcf: {  	v13 =	vand.u32 $0x7FFFFFFF, v17;
	v9 =	vadd.f32 v21, v9;
	v2 =	vld [tilespmem:s1+$0x7CC0];
	v11 =	vmul.f32 v11, v27;
	v17 =	vpop (erf)  }
0xd0: {  	v6 =	vadd.f32 v25, v6;
	v23 =	vand.u32 $0x7FFFFFFF, v23;
	v24 =	vand.u32 $0x7FFFFFFF, v24;
	v21 =	vld [tilespmem:s1+$0x1880];
	v25 =	vpop (erf)  }
0xd1: {  	v12 =	vand.u32 $0x7FFFFFFF, v12;
	v14 =	vand.u32 $0x7FFFFFFF, v14;
	v5 =	vadd.f32 v24, v5;
	v26 =	vld [tilespmem:s1+$0x1840]  }
0xd2: {  	v10 =	vmul.f32 v17, v10;
	v17 =	vadd.s32 v32, v16;
	v8 =	vmul.f32 v25, v8;
	v24 =	vld [tilespmem:s1+$0x18D0]  }
0xd3: {  	v22 =	vand.u32 $0x7FFFFFFF, v22;
	v9 =	vadd.f32 v13, v9;
	v5 =	vadd.f32 v31, v5;
	v16 =	vld [tilespmem:s1+$0x7C80]  }
0xd4: {  	v6 =	vadd.f32 v18, v6;
	v13 =	vand.u32 $0x7FFFFFFF, v20;
	v11 =	vand.u32 $0x7FFFFFFF, v11;
	v25 =	vld [tilespmem:s1+$0x1890]  }
0xd5: {  	v4 =	vadd.f32 v23, v4;
	v5 =	vadd.f32 v12, v5;
	vm0 =	vgt.f32 v2, v1;
	v20 =	vld [tilespmem:s1+$0x7C50]  }
0xd6: {  	v10 =	vand.u32 $0x7FFFFFFF, v10;
	v8 =	vand.u32 $0x7FFFFFFF, v8;
	v18 =	vnsel vm0, $0x7F800000, v2;
	v12 =	vld [tilespmem:s1+$0x7C40]  }
0xd7: {  	v4 =	vadd.f32 v13, v4;
	v5 =	vadd.f32 v8, v5;
	v23 =	vld [tilespmem:s1+$0x7CD0];
	(erf) = vrcp.f32 v18  }
0xd8: {  	v6 =	vadd.f32 v28, v6;
	vm1 =	vgt.f32 v16, v1;
	v13 =	vsub.f32 v16, v21;
	v21 =	vld [tilespmem:s1+$0x7C90]  }
0xd9: {  	v4 =	vadd.f32 v10, v4;
	v8 =	vnsel vm1, $0x7F800000, v16;
	v16 =	vsel vm1, $0x1, v0;
	v27 =	vld [tilespmem:s1+$0x7CA0]  }
0xda: {  	v6 =	vadd.f32 v11, v6;
	v9 =	vadd.f32 v14, v9;
	v28 =	vld [tilespmem:s1+$0x7CE0];
	(erf) = vrcp.f32 v8  }
0xdb: {  	v4 =	vadd.f32 v22, v4;
	vm6 =	vgt.f32 v12, v1;
	v14 =	vsub.f32 v12, v26;
	v18 =	vld [tilespmem:s1+$0x7CF0]  }
0xdc: {  	v10 =	vnsel vm6, $0x7F800000, v12;
	v22 =	vld [tilespmem:s1+$0x7C70];
	vm3 =	vgt.f32 v23, v1;
	v8 =	vsub.f32 v23, v24  }
0xdd: {  	vm5 =	vgt.f32 v20, v1;
	v24 =	vld [tilespmem:s1+$0x7C60];
	vm2 =	vgt.f32 v21, v1;
	(erf) = vrcp.f32 v10  }
0xde: {  	v10 =	vnsel vm5, $0x7F800000, v20;
	v25 =	vsub.f32 v21, v25;
	v12 =	vld [tilespmem:s1+$0x7C30];
	vm1 =	vgt.f32 v27, v1  }
0xdf: {  	v23 =	vnsel vm3, $0x7F800000, v23;
	v21 =	vnsel vm2, $0x7F800000, v21;
	v26 =	vld [tilespmem:s1+$0x7C20];
	v29 =	vnsel vm1, $0x7F800000, v27  }
0xe0: {  	vm4 =	vgt.f32 v28, v1;
	v31 =	vld [tilespmem:s1+$0x7CB0];
	(erf) = vrcp.f32 v10;
	v11 =	vpop (erf)  }
0xe1: {  	v33 =	vsel vm6, $0x1, v0;
	v32 =	vld [tilespmem:s1+$0x7C00];
	(erf) = vrcp.f32 v29  }
0xe2: {  	v34 =	vnsel vm4, $0x7F800000, v28;
	v29 =	vld [tilespmem:s1+$0x1850];
	vm8 =	vgt.f32 v24, v1  }
0xe3: {  	vm9 =	vgt.f32 v22, v1;
	vm6 =	vgt.f32 v12, v1;
	v35 =	vsel vm8, $0x1, v0;
	v36 =	vpop (erf)  }
0xe4: {  	v38 =	vsel vm9, $0x1, v0;
	vm10 =	vgt.f32 v26, v1;
	v37 =	vnsel vm6, $0x7F800000, v12  }
0xe5: {  	v39 =	vld [tilespmem:s1+$0x7C10];
	v40 =	vnsel vm10, $0x7F800000, v26;
	v10 =	vsub.f32 v31, v30;
	(erf) = vrcp.f32 v21  }
0xe6: {  	v21 =	vsel vm10, $0x1, v0;
	v30 =	vnsel vm9, $0x7F800000, v22;
	vm7 =	vgt.f32 v32, v1;
	v41 =	vld [tilespmem:s1+$0x18E0];
	v42 =	vpop (erf)  }
0xe7: {  	v19 =	vsub.f32 v27, v19;
	vm9 =	vgt.f32 v31, v1;
	v43 =	vld [tilespmem:s1+$0x1800];
	v20 =	vsub.f32 v20, v29  }
0xe8: {  	v44 =	vsel vm9, $0x1, v0;
	v29 =	vsel vm5, $0x1, v0;
	vm5 =	vgt.f32 v18, v1;
	v27 =	vld [tilespmem:s1+$0x1830]  }
0xe9: {  	v45 =	vnsel vm7, $0x7F800000, v32;
	v42 =	vmul.f32 v42, v14;
	v46 =	vpop (erf);
	(erf) = vrcp.f32 v34  }
0xea: {  	v31 =	vnsel vm9, $0x7F800000, v31;
	v14 =	vnsel vm8, $0x7F800000, v24;
	vm10 =	vgt.f32 v39, v1;
	v34 =	vld [tilespmem:s1+$0x1860];
	v47 =	vpop (erf)  }
0xeb: {  	v50 =	vnsel vm5, $0x7F800000, v18;
	v48 =	vsel vm10, $0x1, v0;
	v49 =	vld [tilespmem:s1+$0x1870];
	(erf) = vrcp.f32 v14  }
0xec: {  	v32 =	vsub.f32 v32, v43;
	v7 =	vadd.s32 v48, v7;
	v43 =	vld [tilespmem:s1+$0x1820];
	(erf) = vrcp.f32 v37  }
0xed: {  	v14 =	vsub.f32 v28, v41;
	v37 =	vsub.f32 v12, v27;
	(erf) = vrcp.f32 v45  }
0xee: {  	v27 =	vnsel vm10, $0x7F800000, v39;
	v12 =	vsel vm6, $0x1, v0;
	(erf) = vrcp.f32 v40;
	v28 =	vpop (erf)  }
0xef: {  	v40 =	vsel vm7, $0x1, v0;
	v15 =	vadd.s32 v12, v15;
	v12 =	vmul.f32 v28, v25  }
0xf0: {  	v25 =	vadd.s32 v40, v17;
	v22 =	vsub.f32 v22, v49;
	(erf) = vrcp.f32 v30  }
0xf1: {  	v24 =	vsub.f32 v24, v34;
	v26 =	vsub.f32 v26, v43;
	(erf) = vrcp.f32 v50  }
0xf2: {  	v3 =	vadd.s32 v21, v3;
	v28 =	vsel vm3, $0x1, v0;
	v30 =	vadd.s32 v38, v15;
	v34 =	vld [tilespmem:s1+$0x18F0];
	v15 =	vpop (erf)  }
0xf3: {  	v40 =	vsel vm2, $0x1, v0;
	v17 =	vmul.f32 v47, v19;
	v38 =	vld [tilespmem:s1+$0x1810];
	(erf) = vrcp.f32 v27  }
0xf4: {  	v3 =	vadd.s32 v35, v3;
	v7 =	vadd.s32 v29, v7;
	v27 =	vsel vm4, $0x1, v0;
	v19 =	vpop (erf)  }
0xf5: {  	v7 =	vadd.s32 v40, v7;
	v21 =	vmul.f32 v19, v24;
	v24 =	vsel vm1, $0x1, v0;
	v29 =	vpop (erf)  }
0xf6: {  	v7 =	vadd.s32 v28, v7;
	v19 =	vmul.f32 v46, v20;
	v3 =	vadd.s32 v24, v3;
	v20 =	vpop (erf)  }
0xf7: {  	v32 =	vmul.f32 v20, v32;
	v3 =	vadd.s32 v27, v3;
	v20 =	vpop (erf);
	(erf) = vrcp.f32 v31  }
.Ltmp1:
0xf8: {  	v31 =	vsub.f32 v18, v34;
	v24 =	vsub.f32 v39, v38;
	(erf) = vrcp.f32 v23;
	(pc) =	sbr.rel @p0 .LBB2_4-.Ltmp1, $4  }
0xf9: {  	v25 =	vadd.s32 v33, v25;
	v18 =	vand.u32 $0x7FFFFFFF, v42;
	v34 =	vmul.f32 v20, v26;
	v27 =	vld [tilespmem:s1+$0x18C0];
	v20 =	vpop (erf)  }
0xfa: {  	v16 =	vadd.s32 v16, v25;
	v23 =	vmul.f32 v29, v37;
	v20 =	vmul.f32 v20, v22;
	v22 =	vpop (erf)  }
0xfb: {  	v28 =	vmul.f32 v36, v13;
	v13 =	vadd.s32 v44, v30;
	v26 =	vsel vm5, $0x1, v0  }
0xfc: {  	v25 =	vand.u32 $0x7FFFFFFF, v32;
	v30 =	vand.u32 $0x7FFFFFFF, v34;
	v22 =	vmul.f32 v22, v31;
	v29 =	vpop (erf)  }
0xfd: {  	_ =	sdelay $0x2  }
0xfe: {  	v31 =	vpop (erf)  }
0xff: {  	v32 =	vpop (erf)  }
0x100: {  	_ =	swait.ge [sflag:s28], $0x1800  }
0x101: {  	[sflag:s28] =	ssyncset.done $0x0  }
0x102: {  	[sflag:s28] =	ssyncadd.s32 $0xFFFFE800  }
0x103: {  	_ =	swait.ge [sflag:s28], $0x1800  }
0x104: {  	[sflag:s28] =	ssyncset.done $0x0  }
0x105: {  	s1 =	simm.s32 $0x0;
	v9 =	vadd.f32 v30, v9;
	v27 =	vsub.f32 v2, v27;
	v2 =	vmul.f32 v29, v24;
	[sflag:s28] =	ssyncadd.s32 $0xFFFFE800  }
0x106: {  	v14 =	vmul.f32 v15, v14;
	v15 =	vand.u32 $0x7FFFFFFF, v21;
	v24 =	vld [tilespmem:s1+$0x30A0]  }
0x107: {  	v9 =	vadd.f32 v15, v9;
	v15 =	vand.u32 $0x7FFFFFFF, v17;
	v17 =	vand.u32 $0x7FFFFFFF, v2;
	v2 =	vld [tilespmem:s1+$0x94C0]  }
0x108: {  	v19 =	vand.u32 $0x7FFFFFFF, v19;
	v23 =	vand.u32 $0x7FFFFFFF, v23;
	v5 =	vadd.f32 v17, v5;
	v17 =	vld [tilespmem:s1+$0x3080]  }
0x109: {  	v28 =	vand.u32 $0x7FFFFFFF, v28;
	v6 =	vadd.f32 v25, v6;
	v4 =	vadd.f32 v23, v4;
	v25 =	vld [tilespmem:s1+$0x3040]  }
0x10a: {  	v12 =	vand.u32 $0x7FFFFFFF, v12;
	v9 =	vadd.f32 v15, v9;
	v5 =	vadd.f32 v19, v5;
	v15 =	vld [tilespmem:s1+$0x9480]  }
0x10b: {  	v6 =	vadd.f32 v18, v6;
	v18 =	vand.u32 $0x7FFFFFFF, v20;
	v10 =	vmul.f32 v31, v10;
	v20 =	vld [tilespmem:s1+$0x3090]  }
0x10c: {  	v11 =	vmul.f32 v11, v27;
	v4 =	vadd.f32 v18, v4;
	v5 =	vadd.f32 v12, v5;
	v12 =	vld [tilespmem:s1+$0x9450]  }
0x10d: {  	v6 =	vadd.f32 v28, v6;
	v10 =	vand.u32 $0x7FFFFFFF, v10;
	v18 =	vld [tilespmem:s1+$0x9440]  }
0x10e: {  	v11 =	vand.u32 $0x7FFFFFFF, v11;
	v4 =	vadd.f32 v10, v4;
	v10 =	vld [tilespmem:s1+$0x94D0]  }
0x10f: {  	v14 =	vand.u32 $0x7FFFFFFF, v14;
	v6 =	vadd.f32 v11, v6;
	v11 =	vld [tilespmem:s1+$0x9490]  }
0x110: {  	v9 =	vadd.f32 v14, v9;
	v14 =	vld [tilespmem:s1+$0x94A0]  }
0x111: {  	v8 =	vmul.f32 v32, v8;
	v23 =	vld [tilespmem:s1+$0x9470]  }
0x112: {  	v33 =	vsel vm0, $0x1, v0;
	v13 =	vadd.s32 v26, v13;
	v27 =	vld [tilespmem:s1+$0x9420]  }
0x113: {  	v16 =	vadd.s32 v33, v16;
	v22 =	vand.u32 $0x7FFFFFFF, v22;
	v8 =	vand.u32 $0x7FFFFFFF, v8;
	v30 =	vld [tilespmem:s1+$0x94B0]  }
0x114: {  	v4 =	vadd.f32 v22, v4;
	v5 =	vadd.f32 v8, v5;
	v54 =	vld [tilespmem:s1+$0x94F0];
	vm0 =	vgt.f32 v2, v1  }
0x115: {  	v37 =	vld [tilespmem:s1+$0x9410];
	vm1 =	vgt.f32 v15, v1;
	v22 =	vsub.f32 v15, v17;
	vm6 =	vgt.f32 v18, v1  }
0x116: {  	v60 =	vld [tilespmem:s1+$0x30F0];
	v17 =	vsub.f32 v18, v25;
	vm2 =	vgt.f32 v10, v1;
	vm5 =	vgt.f32 v12, v1  }
0x117: {  	vm3 =	vgt.f32 v11, v1;
	v20 =	vsub.f32 v11, v20;
	vm9 =	vgt.f32 v23, v1  }
0x118: {  	v19 =	vld [tilespmem:s1+$0x30D0];
	vm10 =	vgt.f32 v27, v1;
	v24 =	vsub.f32 v14, v24;
	v8 =	vnsel vm0, $0x7F800000, v2  }
0x119: {  	vm13 =	vgt.f32 v30, v1;
	(erf) = vrcp.f32 v8;
	v8 =	vnsel vm1, $0x7F800000, v15  }
0x11a: {  	vm14 =	vgt.f32 v54, v1;
	v18 =	vnsel vm6, $0x7F800000, v18;
	(erf) = vrcp.f32 v8  }
0x11b: {  	v21 =	vld [tilespmem:s1+$0x30B0];
	vm15 =	vgt.f32 v37, v1;
	v32 =	vsub.f32 v54, v60;
	(erf) = vrcp.f32 v18  }
0x11c: {  	v26 =	vsel vm1, $0x1, v0;
	v25 =	vnsel vm5, $0x7F800000, v12;
	v11 =	vnsel vm3, $0x7F800000, v11;
	v15 =	vld [tilespmem:s1+$0x94E0]  }
0x11d: {  	v29 =	vnsel vm2, $0x7F800000, v10;
	vm1 =	vgt.f32 v14, v1;
	v8 =	vsub.f32 v10, v19;
	v19 =	vld [tilespmem:s1+$0x9460]  }
0x11e: {  	v31 =	vsel vm6, $0x1, v0;
	v28 =	vnsel vm1, $0x7F800000, v14;
	v18 =	vld [tilespmem:s1+$0x9430];
	(erf) = vrcp.f32 v25  }
0x11f: {  	v36 =	vsel vm9, $0x1, v0;
	v38 =	vnsel vm10, $0x7F800000, v27;
	(erf) = vrcp.f32 v28;
	v28 =	vld [tilespmem:s1+$0x3050]  }
0x120: {  	v39 =	vnsel vm9, $0x7F800000, v23;
	v43 =	vsel vm5, $0x1, v0;
	v44 =	vsel vm13, $0x1, v0  }
0x121: {  	v55 =	vsel vm15, $0x1, v0;
	v48 =	vnsel vm14, $0x7F800000, v54;
	v25 =	vld [tilespmem:s1+$0x9400];
	(erf) = vrcp.f32 v11  }
0x122: {  	v62 =	vsel vm3, $0x1, v0;
	v7 =	vadd.s32 v55, v7;
	v10 =	vsub.f32 v30, v21;
	v11 =	vpop (erf)  }
0x123: {  	v21 =	vsel vm10, $0x1, v0;
	vm4 =	vgt.f32 v15, v1;
	vm8 =	vgt.f32 v19, v1;
	v41 =	vpop (erf)  }
0x124: {  	v40 =	vld [tilespmem:s1+$0x30E0];
	v53 =	vnsel vm4, $0x7F800000, v15;
	vm12 =	vgt.f32 v18, v1;
	v28 =	vsub.f32 v12, v28;
	v12 =	vpop (erf)  }
0x125: {  	v14 =	vld [tilespmem:s1+$0x3030];
	(erf) = vrcp.f32 v53;
	v46 =	vmul.f32 v12, v17;
	v12 =	vnsel vm8, $0x7F800000, v19  }
0x126: {  	v35 =	vnsel vm12, $0x7F800000, v18;
	vm7 =	vgt.f32 v25, v1;
	(erf) = vrcp.f32 v12  }
0x127: {  	v30 =	vnsel vm13, $0x7F800000, v30;
	v45 =	vnsel vm7, $0x7F800000, v25;
	(erf) = vrcp.f32 v35  }
0x128: {  	v7 =	vadd.s32 v43, v7;
	v3 =	vadd.s32 v21, v3;
	v17 =	vld [tilespmem:s1+$0x3060];
	v49 =	vpop (erf);
	(erf) = vrcp.f32 v45  }
0x129: {  	v42 =	vld [tilespmem:s1+$0x3000];
	v7 =	vadd.s32 v62, v7;
	v34 =	vsel vm8, $0x1, v0;
	v57 =	vpop (erf);
	(erf) = vrcp.f32 v38  }
0x12a: {  	v47 =	vld [tilespmem:s1+$0x3070];
	v58 =	vsub.f32 v18, v14;
	v14 =	vsub.f32 v15, v40;
	v15 =	vpop (erf);
	(erf) = vrcp.f32 v39  }
0x12b: {  	v56 =	vld [tilespmem:s1+$0x3020];
	v18 =	vnsel vm15, $0x7F800000, v37;
	v59 =	vsel vm7, $0x1, v0;
	v12 =	vsel vm12, $0x1, v0  }
0x12c: {  	v3 =	vadd.s32 v34, v3;
	v16 =	vadd.s32 v59, v16;
	v13 =	vadd.s32 v12, v13  }
0x12d: {  	v12 =	vmul.f32 v15, v20;
	v19 =	vsub.f32 v19, v17;
	(erf) = vrcp.f32 v48  }
0x12e: {  	v15 =	vpop (erf);
	v17 =	vmul.f32 v57, v24;
	v24 =	vsel vm1, $0x1, v0;
	(erf) = vrcp.f32 v18  }
0x12f: {  	v25 =	vsub.f32 v25, v42;
	v16 =	vadd.s32 v31, v16;
	v18 =	vsel vm4, $0x1, v0;
	v21 =	vpop (erf)  }
0x130: {  	v20 =	vsub.f32 v23, v47;
	v23 =	vsub.f32 v27, v56;
	v27 =	vsel vm2, $0x1, v0;
	v63 =	vpop (erf)  }
0x131: {  	v61 =	vld [tilespmem:s1+$0x3010];
	v16 =	vadd.s32 v26, v16;
	v3 =	vadd.s32 v24, v3;
	(erf) = vrcp.f32 v30;
	v24 =	vpop (erf)  }
0x132: {  	v26 =	vsel vm14, $0x1, v0;
	v3 =	vadd.s32 v18, v3;
	(erf) = vrcp.f32 v29;
	v18 =	vpop (erf)  }
0x133: {  	v7 =	vadd.s32 v27, v7;
	v21 =	vmul.f32 v21, v19;
	v29 =	vmul.f32 v18, v23;
	v27 =	vpop (erf)  }
0x134: {  	v13 =	vadd.s32 v36, v13;
	v19 =	vmul.f32 v49, v28;
	v20 =	vmul.f32 v27, v20;
	v27 =	vld [tilespmem:s1+$0x30C0]  }
0x135: {  	v13 =	vadd.s32 v44, v13;
	v28 =	vmul.f32 v41, v22;
	v25 =	vmul.f32 v24, v25  }
0x136: {  	v24 =	vsub.f32 v37, v61;
	v18 =	vand.u32 $0x7FFFFFFF, v46;
	v23 =	vmul.f32 v63, v58;
	v31 =	vpop (erf)  }
0x137: {  	s0 =	simm.s32 $0x400;
	v25 =	vand.u32 $0x7FFFFFFF, v25;
	v30 =	vand.u32 $0x7FFFFFFF, v29;
	v22 =	vmul.f32 v31, v32;
	v29 =	vpop (erf)  }
.LBB2_6:
0x138: {  	s1 =	sshra.s32 s0, $0x2;
	p0 =	sne.s32 s0, $0x5C00;
	s0 =	sadd.s32 $0x400, s0;
	v31 =	vand.u32 $0x7FFFFFFF, v19;
	v28 =	vand.u32 $0x7FFFFFFF, v28;
	v32 =	vsel vm0, $0x1, v0  }
0x139: {  	v9 =	vadd.f32 v30, v9;
	v14 =	vmul.f32 v15, v14;
	v19 =	vld [tilespmem:s1+$0x30A0];
	v27 =	vsub.f32 v2, v27  }
0x13a: {  	v24 =	vmul.f32 v29, v24;
	v21 =	vand.u32 $0x7FFFFFFF, v21;
	v15 =	vadd.s32 v26, v13;
	v30 =	vld [tilespmem:s1+$0x30B0]  }
0x13b: {  	v13 =	vand.u32 $0x7FFFFFFF, v17;
	v9 =	vadd.f32 v21, v9;
	v2 =	vld [tilespmem:s1+$0x94C0];
	v11 =	vmul.f32 v11, v27;
	v17 =	vpop (erf)  }
0x13c: {  	v6 =	vadd.f32 v25, v6;
	v23 =	vand.u32 $0x7FFFFFFF, v23;
	v24 =	vand.u32 $0x7FFFFFFF, v24;
	v21 =	vld [tilespmem:s1+$0x3080];
	v25 =	vpop (erf)  }
0x13d: {  	v12 =	vand.u32 $0x7FFFFFFF, v12;
	v14 =	vand.u32 $0x7FFFFFFF, v14;
	v5 =	vadd.f32 v24, v5;
	v26 =	vld [tilespmem:s1+$0x3040]  }
0x13e: {  	v10 =	vmul.f32 v17, v10;
	v17 =	vadd.s32 v32, v16;
	v8 =	vmul.f32 v25, v8;
	v24 =	vld [tilespmem:s1+$0x30D0]  }
0x13f: {  	v22 =	vand.u32 $0x7FFFFFFF, v22;
	v9 =	vadd.f32 v13, v9;
	v5 =	vadd.f32 v31, v5;
	v16 =	vld [tilespmem:s1+$0x9480]  }
0x140: {  	v6 =	vadd.f32 v18, v6;
	v13 =	vand.u32 $0x7FFFFFFF, v20;
	v11 =	vand.u32 $0x7FFFFFFF, v11;
	v25 =	vld [tilespmem:s1+$0x3090]  }
0x141: {  	v4 =	vadd.f32 v23, v4;
	v5 =	vadd.f32 v12, v5;
	vm0 =	vgt.f32 v2, v1;
	v20 =	vld [tilespmem:s1+$0x9450]  }
0x142: {  	v10 =	vand.u32 $0x7FFFFFFF, v10;
	v8 =	vand.u32 $0x7FFFFFFF, v8;
	v18 =	vnsel vm0, $0x7F800000, v2;
	v12 =	vld [tilespmem:s1+$0x9440]  }
0x143: {  	v4 =	vadd.f32 v13, v4;
	v5 =	vadd.f32 v8, v5;
	v23 =	vld [tilespmem:s1+$0x94D0];
	(erf) = vrcp.f32 v18  }
0x144: {  	v6 =	vadd.f32 v28, v6;
	vm1 =	vgt.f32 v16, v1;
	v13 =	vsub.f32 v16, v21;
	v21 =	vld [tilespmem:s1+$0x9490]  }
0x145: {  	v4 =	vadd.f32 v10, v4;
	v8 =	vnsel vm1, $0x7F800000, v16;
	v16 =	vsel vm1, $0x1, v0;
	v27 =	vld [tilespmem:s1+$0x94A0]  }
0x146: {  	v6 =	vadd.f32 v11, v6;
	v9 =	vadd.f32 v14, v9;
	v28 =	vld [tilespmem:s1+$0x94E0];
	(erf) = vrcp.f32 v8  }
0x147: {  	v4 =	vadd.f32 v22, v4;
	vm6 =	vgt.f32 v12, v1;
	v14 =	vsub.f32 v12, v26;
	v18 =	vld [tilespmem:s1+$0x94F0]  }
0x148: {  	v10 =	vnsel vm6, $0x7F800000, v12;
	v22 =	vld [tilespmem:s1+$0x9470];
	vm3 =	vgt.f32 v23, v1;
	v8 =	vsub.f32 v23, v24  }
0x149: {  	vm5 =	vgt.f32 v20, v1;
	v24 =	vld [tilespmem:s1+$0x9460];
	vm2 =	vgt.f32 v21, v1;
	(erf) = vrcp.f32 v10  }
0x14a: {  	v10 =	vnsel vm5, $0x7F800000, v20;
	v25 =	vsub.f32 v21, v25;
	v12 =	vld [tilespmem:s1+$0x9430];
	vm1 =	vgt.f32 v27, v1  }
0x14b: {  	v23 =	vnsel vm3, $0x7F800000, v23;
	v21 =	vnsel vm2, $0x7F800000, v21;
	v26 =	vld [tilespmem:s1+$0x9420];
	v29 =	vnsel vm1, $0x7F800000, v27  }
0x14c: {  	vm4 =	vgt.f32 v28, v1;
	v31 =	vld [tilespmem:s1+$0x94B0];
	(erf) = vrcp.f32 v10;
	v11 =	vpop (erf)  }
0x14d: {  	v33 =	vsel vm6, $0x1, v0;
	v32 =	vld [tilespmem:s1+$0x9400];
	(erf) = vrcp.f32 v29  }
0x14e: {  	v34 =	vnsel vm4, $0x7F800000, v28;
	v29 =	vld [tilespmem:s1+$0x3050];
	vm8 =	vgt.f32 v24, v1  }
0x14f: {  	vm9 =	vgt.f32 v22, v1;
	vm6 =	vgt.f32 v12, v1;
	v35 =	vsel vm8, $0x1, v0;
	v36 =	vpop (erf)  }
0x150: {  	v38 =	vsel vm9, $0x1, v0;
	vm10 =	vgt.f32 v26, v1;
	v37 =	vnsel vm6, $0x7F800000, v12  }
0x151: {  	v39 =	vld [tilespmem:s1+$0x9410];
	v40 =	vnsel vm10, $0x7F800000, v26;
	v10 =	vsub.f32 v31, v30;
	(erf) = vrcp.f32 v21  }
0x152: {  	v21 =	vsel vm10, $0x1, v0;
	v30 =	vnsel vm9, $0x7F800000, v22;
	vm7 =	vgt.f32 v32, v1;
	v41 =	vld [tilespmem:s1+$0x30E0];
	v42 =	vpop (erf)  }
0x153: {  	v19 =	vsub.f32 v27, v19;
	vm9 =	vgt.f32 v31, v1;
	v43 =	vld [tilespmem:s1+$0x3000];
	v20 =	vsub.f32 v20, v29  }
0x154: {  	v44 =	vsel vm9, $0x1, v0;
	v29 =	vsel vm5, $0x1, v0;
	vm5 =	vgt.f32 v18, v1;
	v27 =	vld [tilespmem:s1+$0x3030]  }
0x155: {  	v45 =	vnsel vm7, $0x7F800000, v32;
	v42 =	vmul.f32 v42, v14;
	v46 =	vpop (erf);
	(erf) = vrcp.f32 v34  }
0x156: {  	v31 =	vnsel vm9, $0x7F800000, v31;
	v14 =	vnsel vm8, $0x7F800000, v24;
	vm10 =	vgt.f32 v39, v1;
	v34 =	vld [tilespmem:s1+$0x3060];
	v47 =	vpop (erf)  }
0x157: {  	v50 =	vnsel vm5, $0x7F800000, v18;
	v48 =	vsel vm10, $0x1, v0;
	v49 =	vld [tilespmem:s1+$0x3070];
	(erf) = vrcp.f32 v14  }
0x158: {  	v32 =	vsub.f32 v32, v43;
	v7 =	vadd.s32 v48, v7;
	v43 =	vld [tilespmem:s1+$0x3020];
	(erf) = vrcp.f32 v37  }
0x159: {  	v14 =	vsub.f32 v28, v41;
	v37 =	vsub.f32 v12, v27;
	(erf) = vrcp.f32 v45  }
0x15a: {  	v27 =	vnsel vm10, $0x7F800000, v39;
	v12 =	vsel vm6, $0x1, v0;
	(erf) = vrcp.f32 v40;
	v28 =	vpop (erf)  }
0x15b: {  	v40 =	vsel vm7, $0x1, v0;
	v15 =	vadd.s32 v12, v15;
	v12 =	vmul.f32 v28, v25  }
0x15c: {  	v25 =	vadd.s32 v40, v17;
	v22 =	vsub.f32 v22, v49;
	(erf) = vrcp.f32 v30  }
0x15d: {  	v24 =	vsub.f32 v24, v34;
	v26 =	vsub.f32 v26, v43;
	(erf) = vrcp.f32 v50  }
0x15e: {  	v3 =	vadd.s32 v21, v3;
	v28 =	vsel vm3, $0x1, v0;
	v30 =	vadd.s32 v38, v15;
	v34 =	vld [tilespmem:s1+$0x30F0];
	v15 =	vpop (erf)  }
0x15f: {  	v40 =	vsel vm2, $0x1, v0;
	v17 =	vmul.f32 v47, v19;
	v38 =	vld [tilespmem:s1+$0x3010];
	(erf) = vrcp.f32 v27  }
0x160: {  	v3 =	vadd.s32 v35, v3;
	v7 =	vadd.s32 v29, v7;
	v27 =	vsel vm4, $0x1, v0;
	v19 =	vpop (erf)  }
0x161: {  	v7 =	vadd.s32 v40, v7;
	v21 =	vmul.f32 v19, v24;
	v24 =	vsel vm1, $0x1, v0;
	v29 =	vpop (erf)  }
0x162: {  	v7 =	vadd.s32 v28, v7;
	v19 =	vmul.f32 v46, v20;
	v3 =	vadd.s32 v24, v3;
	v20 =	vpop (erf)  }
0x163: {  	v32 =	vmul.f32 v20, v32;
	v3 =	vadd.s32 v27, v3;
	v20 =	vpop (erf);
	(erf) = vrcp.f32 v31  }
.Ltmp2:
0x164: {  	v31 =	vsub.f32 v18, v34;
	v24 =	vsub.f32 v39, v38;
	(erf) = vrcp.f32 v23;
	(pc) =	sbr.rel @p0 .LBB2_6-.Ltmp2, $4  }
0x165: {  	v25 =	vadd.s32 v33, v25;
	v18 =	vand.u32 $0x7FFFFFFF, v42;
	v34 =	vmul.f32 v20, v26;
	v27 =	vld [tilespmem:s1+$0x30C0];
	v20 =	vpop (erf)  }
0x166: {  	v16 =	vadd.s32 v16, v25;
	v23 =	vmul.f32 v29, v37;
	v20 =	vmul.f32 v20, v22;
	v22 =	vpop (erf)  }
0x167: {  	v28 =	vmul.f32 v36, v13;
	v13 =	vadd.s32 v44, v30;
	v26 =	vsel vm5, $0x1, v0  }
0x168: {  	v25 =	vand.u32 $0x7FFFFFFF, v32;
	v30 =	vand.u32 $0x7FFFFFFF, v34;
	v22 =	vmul.f32 v22, v31;
	v29 =	vpop (erf)  }
0x169: {  	_ =	sdelay $0x2  }
0x16a: {  	v31 =	vpop (erf)  }
0x16b: {  	v32 =	vpop (erf)  }
0x16c: {  	_ =	swait.ge [sflag:s29], $0x1C00  }
0x16d: {  	[sflag:s29] =	ssyncset.done $0x0  }
0x16e: {  	[sflag:s29] =	ssyncadd.s32 $0xFFFFE400  }
0x16f: {  	_ =	swait.ge [sflag:s29], $0x1C00  }
0x170: {  	[sflag:s29] =	ssyncset.done $0x0  }
0x171: {  	s1 =	simm.s32 $0x0;
	v9 =	vadd.f32 v30, v9;
	v27 =	vsub.f32 v2, v27;
	v2 =	vmul.f32 v29, v24;
	[sflag:s29] =	ssyncadd.s32 $0xFFFFE400  }
0x172: {  	v14 =	vmul.f32 v15, v14;
	v15 =	vand.u32 $0x7FFFFFFF, v21;
	v6 =	vadd.f32 v25, v6;
	v24 =	vld [tilespmem:s1+$0x48A0]  }
0x173: {  	v9 =	vadd.f32 v15, v9;
	v15 =	vand.u32 $0x7FFFFFFF, v17;
	v17 =	vand.u32 $0x7FFFFFFF, v2;
	v2 =	vld [tilespmem:s1+$0xACC0]  }
0x174: {  	v23 =	vand.u32 $0x7FFFFFFF, v23;
	v5 =	vadd.f32 v17, v5;
	v17 =	vld [tilespmem:s1+$0x4880]  }
0x175: {  	v19 =	vand.u32 $0x7FFFFFFF, v19;
	v4 =	vadd.f32 v23, v4;
	v6 =	vadd.f32 v18, v6;
	v25 =	vld [tilespmem:s1+$0x4840]  }
0x176: {  	v12 =	vand.u32 $0x7FFFFFFF, v12;
	v9 =	vadd.f32 v15, v9;
	v5 =	vadd.f32 v19, v5;
	v15 =	vld [tilespmem:s1+$0xAC80]  }
0x177: {  	v18 =	vand.u32 $0x7FFFFFFF, v20;
	v10 =	vmul.f32 v31, v10;
	v8 =	vmul.f32 v32, v8;
	v20 =	vld [tilespmem:s1+$0x4890]  }
0x178: {  	v5 =	vadd.f32 v12, v5;
	v12 =	vadd.f32 v18, v4;
	v18 =	vld [tilespmem:s1+$0xAC50]  }
0x179: {  	v10 =	vand.u32 $0x7FFFFFFF, v10;
	v4 =	vand.u32 $0x7FFFFFFF, v8;
	v8 =	vld [tilespmem:s1+$0xAC40]  }
0x17a: {  	v4 =	vadd.f32 v4, v5;
	v5 =	vadd.f32 v10, v12;
	v10 =	vld [tilespmem:s1+$0xACD0]  }
0x17b: {  	v14 =	vand.u32 $0x7FFFFFFF, v14;
	v12 =	vld [tilespmem:s1+$0xAC90]  }
0x17c: {  	v9 =	vadd.f32 v14, v9;
	v14 =	vld [tilespmem:s1+$0xACA0]  }
0x17d: {  	v28 =	vand.u32 $0x7FFFFFFF, v28;
	v11 =	vmul.f32 v11, v27;
	v23 =	vld [tilespmem:s1+$0xAC70]  }
0x17e: {  	v33 =	vsel vm0, $0x1, v0;
	v13 =	vadd.s32 v26, v13;
	v6 =	vadd.f32 v28, v6;
	v27 =	vld [tilespmem:s1+$0xAC20]  }
0x17f: {  	v26 =	vadd.s32 v33, v16;
	v11 =	vand.u32 $0x7FFFFFFF, v11;
	v19 =	vand.u32 $0x7FFFFFFF, v22;
	v31 =	vld [tilespmem:s1+$0xAC00]  }
0x180: {  	v6 =	vadd.f32 v11, v6;
	v30 =	vld [tilespmem:s1+$0xACB0];
	v5 =	vadd.f32 v19, v5;
	vm0 =	vgt.f32 v2, v1  }
0x181: {  	v34 =	vld [tilespmem:s1+$0xACF0];
	vm1 =	vgt.f32 v15, v1;
	v22 =	vsub.f32 v15, v17;
	vm6 =	vgt.f32 v8, v1  }
0x182: {  	v38 =	vld [tilespmem:s1+$0xAC10];
	v19 =	vsub.f32 v8, v25;
	vm2 =	vgt.f32 v10, v1;
	vm5 =	vgt.f32 v18, v1  }
0x183: {  	vm3 =	vgt.f32 v12, v1;
	v20 =	vsub.f32 v12, v20;
	vm9 =	vgt.f32 v23, v1  }
0x184: {  	vm10 =	vgt.f32 v27, v1;
	vm7 =	vgt.f32 v31, v1;
	v11 =	vnsel vm0, $0x7F800000, v2  }
0x185: {  	v24 =	vsub.f32 v14, v24;
	(erf) = vrcp.f32 v11;
	v11 =	vnsel vm1, $0x7F800000, v15  }
0x186: {  	v16 =	vld [tilespmem:s1+$0x48D0];
	vm13 =	vgt.f32 v30, v1;
	(erf) = vrcp.f32 v11;
	v11 =	vnsel vm6, $0x7F800000, v8  }
0x187: {  	vm14 =	vgt.f32 v34, v1;
	vm15 =	vgt.f32 v38, v1;
	(erf) = vrcp.f32 v11  }
0x188: {  	v42 =	vld [tilespmem:s1+$0x4800];
	v12 =	vnsel vm3, $0x7F800000, v12;
	v29 =	vnsel vm2, $0x7F800000, v10;
	v32 =	vsel vm6, $0x1, v0  }
0x189: {  	v17 =	vld [tilespmem:s1+$0xACE0];
	v37 =	vsel vm9, $0x1, v0;
	v39 =	vnsel vm10, $0x7F800000, v27;
	v43 =	vsel vm5, $0x1, v0  }
0x18a: {  	v25 =	vld [tilespmem:s1+$0xAC60];
	v15 =	vsel vm1, $0x1, v0;
	vm1 =	vgt.f32 v14, v1;
	v11 =	vnsel vm5, $0x7F800000, v18  }
0x18b: {  	v8 =	vsub.f32 v10, v16;
	v16 =	vld [tilespmem:s1+$0xAC30];
	v28 =	vnsel vm1, $0x7F800000, v14;
	(erf) = vrcp.f32 v11  }
0x18c: {  	v44 =	vsel vm13, $0x1, v0;
	v45 =	vnsel vm7, $0x7F800000, v31;
	(erf) = vrcp.f32 v28  }
0x18d: {  	v63 =	vsel vm15, $0x1, v0;
	v48 =	vnsel vm14, $0x7F800000, v34;
	v31 =	vsub.f32 v31, v42;
	v28 =	vld [tilespmem:s1+$0x4850]  }
0x18e: {  	v21 =	vld [tilespmem:s1+$0x48B0];
	v54 =	vnsel vm15, $0x7F800000, v38;
	v56 =	vsel vm7, $0x1, v0;
	v58 =	vsel vm3, $0x1, v0;
	v11 =	vpop (erf)  }
0x18f: {  	v47 =	vld [tilespmem:s1+$0x4870];
	v7 =	vadd.s32 v63, v7;
	vm4 =	vgt.f32 v17, v1;
	(erf) = vrcp.f32 v12;
	v41 =	vpop (erf)  }
0x190: {  	vm8 =	vgt.f32 v25, v1;
	v62 =	vnsel vm4, $0x7F800000, v17;
	vm12 =	vgt.f32 v16, v1;
	v14 =	vpop (erf)  }
0x191: {  	(erf) = vrcp.f32 v62;
	v46 =	vmul.f32 v14, v19;
	v19 =	vnsel vm8, $0x7F800000, v25  }
0x192: {  	v36 =	vnsel vm12, $0x7F800000, v16;
	v18 =	vsub.f32 v18, v28;
	v28 =	vld [tilespmem:s1+$0x4830];
	(erf) = vrcp.f32 v19  }
0x193: {  	v40 =	vld [tilespmem:s1+$0x48E0];
	v10 =	vsub.f32 v30, v21;
	v21 =	vnsel vm9, $0x7F800000, v23;
	(erf) = vrcp.f32 v36  }
0x194: {  	v30 =	vnsel vm13, $0x7F800000, v30;
	v23 =	vsub.f32 v23, v47;
	v19 =	vpop (erf);
	(erf) = vrcp.f32 v45  }
0x195: {  	v7 =	vadd.s32 v43, v7;
	v12 =	vsel vm10, $0x1, v0;
	v14 =	vld [tilespmem:s1+$0x4860];
	v53 =	vpop (erf);
	(erf) = vrcp.f32 v39  }
0x196: {  	v52 =	vld [tilespmem:s1+$0x4820];
	v60 =	vsel vm1, $0x1, v0;
	v35 =	vsel vm8, $0x1, v0;
	v3 =	vadd.s32 v12, v3  }
0x197: {  	v7 =	vadd.s32 v58, v7;
	v3 =	vadd.s32 v35, v3;
	v28 =	vsub.f32 v16, v28  }
0x198: {  	v16 =	vsub.f32 v17, v40;
	v17 =	vsel vm12, $0x1, v0;
	v55 =	vpop (erf);
	(erf) = vrcp.f32 v21  }
0x199: {  	v3 =	vadd.s32 v60, v3;
	v17 =	vadd.s32 v17, v13;
	(erf) = vrcp.f32 v48  }
0x19a: {  	v57 =	vld [tilespmem:s1+$0x4810];
	v12 =	vadd.s32 v37, v17;
	v21 =	vsub.f32 v25, v14;
	v14 =	vpop (erf);
	(erf) = vrcp.f32 v54  }
0x19b: {  	v13 =	vmul.f32 v55, v20;
	v20 =	vadd.s32 v56, v26;
	v26 =	vsub.f32 v27, v52;
	v27 =	vld [tilespmem:s1+$0x48F0];
	v59 =	vpop (erf)  }
0x19c: {  	v19 =	vmul.f32 v19, v18;
	v25 =	vsel vm2, $0x1, v0;
	v17 =	vmul.f32 v53, v24;
	v61 =	vpop (erf)  }
0x19d: {  	v24 =	vsel vm4, $0x1, v0;
	v7 =	vadd.s32 v25, v7;
	(erf) = vrcp.f32 v30;
	v18 =	vpop (erf)  }
0x19e: {  	v3 =	vadd.s32 v24, v3;
	v21 =	vmul.f32 v59, v21;
	v31 =	vmul.f32 v18, v31;
	v18 =	vpop (erf)  }
0x19f: {  	v25 =	vsub.f32 v38, v57;
	(erf) = vrcp.f32 v29;
	v29 =	vmul.f32 v18, v26  }
0x1a0: {  	v62 =	vsub.f32 v34, v27;
	v27 =	vld [tilespmem:s1+$0x48C0];
	v24 =	vmul.f32 v61, v28;
	v28 =	vmul.f32 v41, v22  }
0x1a1: {  	v22 =	vadd.s32 v44, v12;
	v18 =	vand.u32 $0x7FFFFFFF, v46;
	v26 =	vadd.s32 v32, v20;
	v20 =	vpop (erf)  }
0x1a2: {  	v20 =	vmul.f32 v20, v23;
	v15 =	vadd.s32 v15, v26;
	v63 =	vpop (erf);
	v23 =	vsel vm14, $0x1, v0  }
0x1a3: {  	s0 =	simm.s32 $0x400;
	v26 =	vand.u32 $0x7FFFFFFF, v31;
	v30 =	vand.u32 $0x7FFFFFFF, v29;
	v12 =	vmul.f32 v63, v62;
	v29 =	vpop (erf)  }
.LBB2_8:
0x1a4: {  	s1 =	sshra.s32 s0, $0x2;
	p0 =	sne.s32 s0, $0x6C00;
	s0 =	sadd.s32 $0x400, s0;
	v31 =	vand.u32 $0x7FFFFFFF, v19;
	v28 =	vand.u32 $0x7FFFFFFF, v28;
	v32 =	vsel vm0, $0x1, v0  }
0x1a5: {  	v9 =	vadd.f32 v30, v9;
	v16 =	vmul.f32 v14, v16;
	v19 =	vld [tilespmem:s1+$0x48A0];
	v27 =	vsub.f32 v2, v27  }
0x1a6: {  	v29 =	vmul.f32 v29, v25;
	v21 =	vand.u32 $0x7FFFFFFF, v21;
	v14 =	vadd.s32 v23, v22;
	v30 =	vld [tilespmem:s1+$0x48B0]  }
0x1a7: {  	v9 =	vadd.f32 v21, v9;
	v21 =	vand.u32 $0x7FFFFFFF, v17;
	v2 =	vld [tilespmem:s1+$0xACC0];
	v11 =	vmul.f32 v11, v27;
	v17 =	vpop (erf)  }
0x1a8: {  	v6 =	vadd.f32 v26, v6;
	v24 =	vand.u32 $0x7FFFFFFF, v24;
	v23 =	vand.u32 $0x7FFFFFFF, v29;
	v22 =	vld [tilespmem:s1+$0x4880];
	v25 =	vpop (erf)  }
0x1a9: {  	v13 =	vand.u32 $0x7FFFFFFF, v13;
	v16 =	vand.u32 $0x7FFFFFFF, v16;
	v4 =	vadd.f32 v23, v4;
	v26 =	vld [tilespmem:s1+$0x4840]  }
0x1aa: {  	v10 =	vmul.f32 v17, v10;
	v17 =	vadd.s32 v32, v15;
	v8 =	vmul.f32 v25, v8;
	v23 =	vld [tilespmem:s1+$0x48D0]  }
0x1ab: {  	v9 =	vadd.f32 v21, v9;
	v21 =	vand.u32 $0x7FFFFFFF, v12;
	v4 =	vadd.f32 v31, v4;
	v15 =	vld [tilespmem:s1+$0xAC80]  }
0x1ac: {  	v6 =	vadd.f32 v18, v6;
	v12 =	vand.u32 $0x7FFFFFFF, v20;
	v11 =	vand.u32 $0x7FFFFFFF, v11;
	v25 =	vld [tilespmem:s1+$0x4890]  }
0x1ad: {  	v5 =	vadd.f32 v24, v5;
	v4 =	vadd.f32 v13, v4;
	vm0 =	vgt.f32 v2, v1;
	v20 =	vld [tilespmem:s1+$0xAC50]  }
0x1ae: {  	v10 =	vand.u32 $0x7FFFFFFF, v10;
	v8 =	vand.u32 $0x7FFFFFFF, v8;
	v18 =	vnsel vm0, $0x7F800000, v2;
	v13 =	vld [tilespmem:s1+$0xAC40]  }
0x1af: {  	v5 =	vadd.f32 v12, v5;
	v4 =	vadd.f32 v8, v4;
	v24 =	vld [tilespmem:s1+$0xACD0];
	(erf) = vrcp.f32 v18  }
0x1b0: {  	v6 =	vadd.f32 v28, v6;
	vm1 =	vgt.f32 v15, v1;
	v12 =	vsub.f32 v15, v22;
	v22 =	vld [tilespmem:s1+$0xAC90]  }
0x1b1: {  	v5 =	vadd.f32 v10, v5;
	v8 =	vnsel vm1, $0x7F800000, v15;
	v15 =	vsel vm1, $0x1, v0;
	v27 =	vld [tilespmem:s1+$0xACA0]  }
0x1b2: {  	v6 =	vadd.f32 v11, v6;
	v9 =	vadd.f32 v16, v9;
	v28 =	vld [tilespmem:s1+$0xACE0];
	(erf) = vrcp.f32 v8  }
0x1b3: {  	v5 =	vadd.f32 v21, v5;
	vm6 =	vgt.f32 v13, v1;
	v16 =	vsub.f32 v13, v26;
	v18 =	vld [tilespmem:s1+$0xACF0]  }
0x1b4: {  	v10 =	vnsel vm6, $0x7F800000, v13;
	v21 =	vld [tilespmem:s1+$0xAC70];
	vm3 =	vgt.f32 v24, v1;
	v8 =	vsub.f32 v24, v23  }
0x1b5: {  	vm5 =	vgt.f32 v20, v1;
	v23 =	vld [tilespmem:s1+$0xAC60];
	vm2 =	vgt.f32 v22, v1;
	(erf) = vrcp.f32 v10  }
0x1b6: {  	v10 =	vnsel vm5, $0x7F800000, v20;
	v25 =	vsub.f32 v22, v25;
	v13 =	vld [tilespmem:s1+$0xAC30];
	vm1 =	vgt.f32 v27, v1  }
0x1b7: {  	v24 =	vnsel vm3, $0x7F800000, v24;
	v22 =	vnsel vm2, $0x7F800000, v22;
	v26 =	vld [tilespmem:s1+$0xAC20];
	v29 =	vnsel vm1, $0x7F800000, v27  }
0x1b8: {  	vm4 =	vgt.f32 v28, v1;
	v31 =	vld [tilespmem:s1+$0xACB0];
	(erf) = vrcp.f32 v10;
	v11 =	vpop (erf)  }
0x1b9: {  	v33 =	vsel vm6, $0x1, v0;
	v32 =	vld [tilespmem:s1+$0xAC00];
	(erf) = vrcp.f32 v29  }
0x1ba: {  	v34 =	vnsel vm4, $0x7F800000, v28;
	v29 =	vld [tilespmem:s1+$0x4850];
	vm8 =	vgt.f32 v23, v1  }
0x1bb: {  	vm9 =	vgt.f32 v21, v1;
	vm6 =	vgt.f32 v13, v1;
	v35 =	vsel vm8, $0x1, v0;
	v36 =	vpop (erf)  }
0x1bc: {  	v38 =	vsel vm9, $0x1, v0;
	vm10 =	vgt.f32 v26, v1;
	v37 =	vnsel vm6, $0x7F800000, v13  }
0x1bd: {  	v39 =	vld [tilespmem:s1+$0xAC10];
	v40 =	vnsel vm10, $0x7F800000, v26;
	v10 =	vsub.f32 v31, v30;
	(erf) = vrcp.f32 v22  }
0x1be: {  	v22 =	vsel vm10, $0x1, v0;
	v30 =	vnsel vm9, $0x7F800000, v21;
	vm7 =	vgt.f32 v32, v1;
	v41 =	vld [tilespmem:s1+$0x48E0];
	v42 =	vpop (erf)  }
0x1bf: {  	v19 =	vsub.f32 v27, v19;
	vm9 =	vgt.f32 v31, v1;
	v43 =	vld [tilespmem:s1+$0x4800];
	v20 =	vsub.f32 v20, v29  }
0x1c0: {  	v44 =	vsel vm9, $0x1, v0;
	v29 =	vsel vm5, $0x1, v0;
	vm5 =	vgt.f32 v18, v1;
	v27 =	vld [tilespmem:s1+$0x4830]  }
0x1c1: {  	v45 =	vnsel vm7, $0x7F800000, v32;
	v42 =	vmul.f32 v42, v16;
	v46 =	vpop (erf);
	(erf) = vrcp.f32 v34  }
0x1c2: {  	v31 =	vnsel vm9, $0x7F800000, v31;
	v16 =	vnsel vm8, $0x7F800000, v23;
	vm10 =	vgt.f32 v39, v1;
	v34 =	vld [tilespmem:s1+$0x4860];
	v47 =	vpop (erf)  }
0x1c3: {  	v50 =	vnsel vm5, $0x7F800000, v18;
	v48 =	vsel vm10, $0x1, v0;
	v49 =	vld [tilespmem:s1+$0x4870];
	(erf) = vrcp.f32 v16  }
0x1c4: {  	v32 =	vsub.f32 v32, v43;
	v7 =	vadd.s32 v48, v7;
	v43 =	vld [tilespmem:s1+$0x4820];
	(erf) = vrcp.f32 v37  }
0x1c5: {  	v16 =	vsub.f32 v28, v41;
	v37 =	vsub.f32 v13, v27;
	(erf) = vrcp.f32 v45  }
0x1c6: {  	v27 =	vnsel vm10, $0x7F800000, v39;
	v13 =	vsel vm6, $0x1, v0;
	(erf) = vrcp.f32 v40;
	v28 =	vpop (erf)  }
0x1c7: {  	v40 =	vsel vm7, $0x1, v0;
	v14 =	vadd.s32 v13, v14;
	v13 =	vmul.f32 v28, v25  }
0x1c8: {  	v28 =	vadd.s32 v40, v17;
	v40 =	vsub.f32 v21, v49;
	(erf) = vrcp.f32 v30  }
0x1c9: {  	v21 =	vsub.f32 v23, v34;
	v26 =	vsub.f32 v26, v43;
	(erf) = vrcp.f32 v50  }
0x1ca: {  	v3 =	vadd.s32 v22, v3;
	v22 =	vadd.s32 v38, v14;
	v23 =	vsel vm3, $0x1, v0;
	v30 =	vld [tilespmem:s1+$0x48F0];
	v14 =	vpop (erf)  }
0x1cb: {  	v38 =	vsel vm2, $0x1, v0;
	v17 =	vmul.f32 v47, v19;
	v25 =	vld [tilespmem:s1+$0x4810];
	(erf) = vrcp.f32 v27  }
0x1cc: {  	v3 =	vadd.s32 v35, v3;
	v7 =	vadd.s32 v29, v7;
	v27 =	vsel vm4, $0x1, v0;
	v19 =	vpop (erf)  }
0x1cd: {  	v29 =	vsel vm1, $0x1, v0;
	v7 =	vadd.s32 v38, v7;
	v21 =	vmul.f32 v19, v21;
	v34 =	vpop (erf)  }
0x1ce: {  	v3 =	vadd.s32 v29, v3;
	v7 =	vadd.s32 v23, v7;
	v19 =	vmul.f32 v46, v20;
	v20 =	vpop (erf)  }
0x1cf: {  	v3 =	vadd.s32 v27, v3;
	v29 =	vmul.f32 v20, v32;
	v20 =	vpop (erf);
	(erf) = vrcp.f32 v31  }
.Ltmp3:
0x1d0: {  	v31 =	vsub.f32 v18, v30;
	v25 =	vsub.f32 v39, v25;
	(erf) = vrcp.f32 v24;
	(pc) =	sbr.rel @p0 .LBB2_8-.Ltmp3, $4  }
0x1d1: {  	v23 =	vadd.s32 v33, v28;
	v18 =	vand.u32 $0x7FFFFFFF, v42;
	v30 =	vmul.f32 v20, v26;
	v27 =	vld [tilespmem:s1+$0x48C0];
	v20 =	vpop (erf)  }
0x1d2: {  	v15 =	vadd.s32 v15, v23;
	v24 =	vmul.f32 v34, v37;
	v20 =	vmul.f32 v20, v40;
	v32 =	vpop (erf)  }
0x1d3: {  	v22 =	vadd.s32 v44, v22;
	v28 =	vmul.f32 v36, v12;
	v23 =	vsel vm5, $0x1, v0  }
0x1d4: {  	v26 =	vand.u32 $0x7FFFFFFF, v29;
	v30 =	vand.u32 $0x7FFFFFFF, v30;
	v12 =	vmul.f32 v32, v31;
	v29 =	vpop (erf)  }
0x1d5: {  	v1 =	vand.u32 $0x7FFFFFFF, v19;
	v49 =	vand.u32 $0x7FFFFFFF, v28;
	v9 =	vadd.f32 v30, v9  }
0x1d6: {  	v25 =	vmul.f32 v29, v25;
	v21 =	vand.u32 $0x7FFFFFFF, v21;
	v14 =	vmul.f32 v14, v16  }
0x1d7: {  	v50 =	vand.u32 $0x7FFFFFFF, v17;
	v6 =	vadd.f32 v26, v6;
	v53 =	vand.u32 $0x7FFFFFFF, v24  }
0x1d8: {  	v54 =	vand.u32 $0x7FFFFFFF, v13;
	v58 =	vand.u32 $0x7FFFFFFF, v20;
	v2 =	vsub.f32 v2, v27  }
0x1d9: {  	v5 =	vadd.f32 v53, v5;
	v60 =	vand.u32 $0x7FFFFFFF, v12;
	v51 =	vand.u32 $0x7FFFFFFF, v25  }
0x1da: {  	v9 =	vadd.f32 v21, v9;
	v55 =	vand.u32 $0x7FFFFFFF, v14;
	v52 =	vpop (erf);
	v4 =	vadd.f32 v51, v4  }
0x1db: {  	v57 =	vadd.f32 v18, v6;
	v5 =	vadd.f32 v58, v5;
	v10 =	vmul.f32 v52, v10  }
0x1dc: {  	v2 =	vmul.f32 v11, v2;
	v56 =	vpop (erf);
	v9 =	vadd.f32 v50, v9;
	v1 =	vadd.f32 v1, v4  }
0x1dd: {  	v8 =	vmul.f32 v56, v8;
	v4 =	vadd.f32 v49, v57;
	v59 =	vand.u32 $0x7FFFFFFF, v10  }
0x1de: {  	v2 =	vand.u32 $0x7FFFFFFF, v2;
	v1 =	vadd.f32 v54, v1;
	v5 =	vadd.f32 v59, v5  }
0x1df: {  	v62 =	vadd.f32 v55, v9;
	v8 =	vand.u32 $0x7FFFFFFF, v8;
	v2 =	vadd.f32 v2, v4  }
0x1e0: {  	v61 =	vsel vm0, $0x1, v0;
	v1 =	vadd.f32 v8, v1;
	v5 =	vadd.f32 v60, v5  }
0x1e1: {  	v4 =	vadd.s32 v61, v15  }
0x1e2: {  	v4 =	vadd.s32 v4, v7;
	v1 =	vadd.f32 v1, v2;
	v2 =	vadd.f32 v5, v62  }
0x1e3: {  	v63 =	vadd.s32 v23, v22;
	v3 =	vadd.s32 v3, v4  }
0x1e4: {  	v1 =	vadd.f32 v2, v1;
	v2 =	vadd.s32 v63, v3  }
0x1e5: {  	s31 =	sadd.s32 $0x1, s31;
	v2 =	vcvt.s32.f32 v2  }
0x1e6: {  	p0 =	sne.s32 s31, s13;
	[tilespmem:$0xC880] =	vst v1  }
.Ltmp4:
0x1e7: {  	[tilespmem:$0xC890] =	vst v2;
	(pc) =	sbr.rel @p0 .LBB2_1-.Ltmp4, $4  }
0x1e8: {  	[hbm4b:s12+s2] =	stream.linear.scatter [tilespmem:s30], [sflag:$0x5], $0x80, $0x38;
	[tilespmem:$0xC900] =	vst v63  }
0x1e9: {  	_ =	swait.ge [sflag:s24], $0x80  }
0x1ea: {  	[sflag:s24] =	ssyncset.done $0x0  }
0x1eb: {  	[sflag:s24] =	ssyncadd.s32 $0xFFFFFF80  }
0x1ec: {  	_ =	sfence.sel $0x180000  }
0x1ed: {  	[bflag:$0x0] =	sbarrier.arrive $0xFFFF  }
0x1ee: {  	_ =	strace $0x90000047  }
0x1ef: {  	s0 =	stileid.u32;
	[bflag:$0x2] =	sbarrier.arrive $0xFFFF  }
0x1f0: {  	p0 =	sne.s32 s0, $0x0;
	s0 =	rddreg [dreg:$0x3]  }
0x1f1: {  	s0 =	sadd.s32 @!p0 $0x100000, s0  }
0x1f2: {  	[sflag:s0] =	ssyncadd.tile.s32 @!p0 $0x1;
	_ =	shalt  }
.Lfunc_end2:
_tile_overlayer_lowered:
.L_overlay_start_2:
0x1f3: {  	(tag) =	ssettag $0x2  }
0x1f4: {  	s0 =	rddreg [dreg:$0x0];
	s2 =	stileid.u32  }
0x1f5: {  	s1 =	rddreg [dreg:$0x1];
	p0 =	sne.s32 s2, $0x0  }
0x1f6: {  	s3 =	rddreg [dreg:$0x2];
	[bflag:$0x3] =	sbarrier.arrive $0xFFFF;
	s2 =	simm.s32 @!p0 $0x1C05  }
0x1f7: {  	[timem:s3], [sflag:s2] =	dma.local @!p0 [hbm:s0], s1  }
0x1f8: {  	s0 =	simm.s32 @!p0 $0x5  }
0x1f9: {  	_ =	swait.ge @!p0 [sflag:s0], s1  }
0x1fa: {  	s1 =	ssub.s32 @!p0 $0x0, s1;
	[sflag:s0] =	ssyncset.done @!p0 $0x0  }
0x1fb: {  	[sflag:s0] =	ssyncadd.s32 @!p0 s1  }
0x1fc: {  	[bflag:$0x3] =	sbarrier.arrive $0xFFFF  }
0x1fd: {  	_ =	shalt  }

</sc_bundles>
